<compile_context>
chip_gen: v7x
topology: tpu7x:2x2x1
jax: 0.10.2.dev20260603
libtpu: 0.0.44.dev20260713+nightly
codegen_flags: <defaults>
</compile_context>

<pallas_src>
import functools

import jax
import jax.numpy as jnp
from jax import lax
from jax.experimental import pallas as pl
from jax.experimental.pallas import tpu as pltpu
from jax.experimental.pallas import tpu_sc as plsc

M = 100000
B = 16384
D = 128
NW = 32
S = 3136
S_LAST = M - S * (NW - 1)
T = S
CH = 64
WB = S + CH
NCHUNK = B // 16
DPS = 64
BF = 16


def _dedup_chunks(idx_v, table_v, row_lo, n_own_u, iota, base, chunks):
  for group_start in range(0, len(chunks), BF):
    group = chunks[group_start:group_start + BF]
    ivecs = [idx_v[pl.ds((base + c) * 16, 16)] for c in group]
    locals_ = [ivec - row_lo for ivec in ivecs]
    valids = [l.astype(jnp.uint32) < n_own_u for l in locals_]
    lasts = [plsc.scan_count(ivec, mask=v)[1]
             for ivec, v in zip(ivecs, valids)]
    for cc, l, v, last in zip(group, locals_, valids, lasts):
      m = v & last
      l_c = jnp.where(m, l, 0)
      plsc.store_scatter(table_v, [l_c], (base + cc) * 16 + iota, mask=m)


def _body(idx_hbm, val_hbm, out_hbm, idx_v, table_v, nodes_v, gidx_v,
          nchunk_n0, nchunk_n1, rows_v0, rows_v1, wgsem0, wgsem1, wssem0,
          wssem1):
  c = lax.axis_index("c")
  s = lax.axis_index("s")
  wid = s * 2 + c
  row_lo = wid * S
  n_own = jnp.where(wid == NW - 1, S_LAST, S)
  n_own_u = n_own.astype(jnp.uint32)
  nchunk_ns = (nchunk_n0, nchunk_n1)
  rows_vs = (rows_v0, rows_v1)
  wssems = (wssem0, wssem1)
  iota = lax.iota(jnp.int32, 16)

  pltpu.sync_copy(idx_hbm, idx_v)

  minus1 = jnp.full((16,), -1, jnp.int32)

  def zero_body(i, carry):
    for u in range(4):
      table_v[pl.ds((i * 4 + u) * 16, 16)] = minus1
    return carry

  lax.fori_loop(0, T // 16 // 4, zero_body, 0)

  def scan_body(i, carry):
    _dedup_chunks(idx_v, table_v, row_lo, n_own_u, iota, i * DPS,
                  list(range(DPS)))
    return carry

  lax.fori_loop(0, NCHUNK // DPS, scan_body, 0)

  def extract_body(t, off):
    tv = table_v[pl.ds(t * 16, 16)]
    m = tv >= 0
    nodes = (row_lo + t * 16) + iota
    plsc.store_compressed(nodes_v.at[pl.ds(off, 16)], nodes, mask=m)
    plsc.store_compressed(gidx_v.at[pl.ds(off, 16)], tv, mask=m)
    return off + jnp.sum(m.astype(jnp.int32))

  nwin = lax.fori_loop(0, T // 16, extract_body, jnp.int32(0))

  @pl.when(nwin > 0)
  def _():
    lane0 = (iota == 0).astype(jnp.int32)
    n0 = jnp.sum(nodes_v[pl.ds(0, 16)] * lane0)
    g0 = jnp.sum(gidx_v[pl.ds(0, 16)] * lane0)
    npad = jnp.zeros((16,), jnp.int32) + n0
    gpad = jnp.zeros((16,), jnp.int32) + g0
    for k in range(CH // 16):
      nodes_v[pl.ds(nwin + k * 16, 16)] = npad
      gidx_v[pl.ds(nwin + k * 16, 16)] = gpad

  nchunks = (nwin + CH - 1) // CH
  gsems = (wgsem0, wgsem1)

  def gather_cp(par, off):
    return pltpu.make_async_copy(
        val_hbm.at[gidx_v.at[pl.ds(off, CH)]], rows_vs[par], gsems[par])

  @pl.when(nchunks >= 1)
  def _():
    gather_cp(0, 0).start()

  def chunk_body(ci, carry):
    off = ci * CH
    for par in range(2):
      @pl.when(lax.rem(ci, 2) == par)
      def _():
        opar = 1 - par
        nb = nchunk_ns[par]
        rb = rows_vs[par]

        @pl.when(ci >= 1)
        def _():
          pltpu.make_async_copy(rows_vs[opar], out_hbm.at[nchunk_ns[opar]],
                                wssems[opar]).wait()

        @pl.when(ci + 1 < nchunks)
        def _():
          gather_cp(opar, off + CH).start()

        gather_cp(par, off).wait()
        for k in range(CH // 16):
          nb[pl.ds(k * 16, 16)] = nodes_v[pl.ds(off + k * 16, 16)]
        pltpu.make_async_copy(rb, out_hbm.at[nb], wssems[par]).start()
    return carry

  lax.fori_loop(0, nchunks, chunk_body, 0)

  @pl.when(nchunks >= 1)
  def _():
    par = lax.rem(nchunks - 1, 2)
    for p in range(2):
      @pl.when(par == p)
      def _():
        pltpu.make_async_copy(rows_vs[p], out_hbm.at[nchunk_ns[p]],
                              wssems[p]).wait()


_agg = functools.partial(
    pl.kernel,
    out_type=(),
    mesh=plsc.VectorSubcoreMesh(core_axis_name="c", subcore_axis_name="s"),
    compiler_params=pltpu.CompilerParams(needs_layout_passes=False),
    scratch_types=[
        pltpu.VMEM((B,), jnp.int32),
        pltpu.VMEM((T,), jnp.int32),
        pltpu.VMEM((WB,), jnp.int32),
        pltpu.VMEM((WB,), jnp.int32),
        pltpu.VMEM((CH,), jnp.int32),
        pltpu.VMEM((CH,), jnp.int32),
        pltpu.VMEM((CH, D), jnp.float32),
        pltpu.VMEM((CH, D), jnp.float32),
        pltpu.SemaphoreType.DMA,
        pltpu.SemaphoreType.DMA,
        pltpu.SemaphoreType.DMA,
        pltpu.SemaphoreType.DMA,
    ],
)(_body)


def kernel(mem, idx, val):
  idx32 = idx.astype(jnp.int32)
  out_ref = jax.new_ref(mem)
  _agg(idx32, val, out_ref)
  return out_ref[...]

# --- scband reference (transcript-rebuilt; emitter-appended) ---
"""Pipeline reference for scband-message-aggregator-deco-lp-62843961475496 (READ-ONLY COPY).

The authoritative reference and input builder live on the scoring server;
editing this copy changes nothing except your own understanding.
"""

import jax, jax.numpy as jnp
import numpy as np


def setup_inputs(seed: int = 0) -> dict:
    key = jax.random.key(seed)
    k1, k2, k3 = jax.random.split(key, 3)
    mem = jax.random.normal(k1, (100000, 128), dtype=jnp.float32)
    idx = jax.random.randint(k2, (16384,), 0, 100000, dtype=jnp.int64)
    val = jax.random.normal(k3, (16384, 128), dtype=jnp.float32)
    return {"mem": mem, "idx": idx, "val": val}


def reference(mem, idx, val):
    # Tensorized MessageAggregatorDecoLP.aggregate_messages:
    # node_raw_messages dict is represented as a flat batch of (idx, val) pairs,
    # ordered by arrival time. For each unique node id we keep ONLY THE LAST
    # message (matching node_raw_messages[node_id][-1][0] in the original),
    # and scatter it into the per-node message memory. Nodes with no messages
    # (to_not_update_node_ids) keep their previous memory row.
    B = val.shape[0]
    M = mem.shape[0]
    # position of each message in arrival order, 1-based so 0 means "no message"
    pos = jnp.arange(1, B + 1, dtype=jnp.int32)
    # deterministic scatter-max: last occurrence position per node id
    last_pos = jnp.zeros((M,), dtype=jnp.int32).at[idx].max(pos)
    # gather the last message for every node (dummy gather at 0 for untouched nodes)
    gather_idx = jnp.maximum(last_pos - 1, 0)
    gathered = jnp.take(val, gather_idx, axis=0)
    to_update = last_pos > 0  # unique node ids that received at least one message
    new_mem = jnp.where(to_update[:, None], gathered, mem)
    return new_mem


if False:  # reference __main__ guard neutralized (emitter)
    inp = setup_inputs()
    out = reference(**inp)
    print(out.shape, out.dtype)

if __name__ == "__main__":
    import jax
    _d = setup_inputs()
    print(jax.jit(kernel)(*tuple(_d.values())))

</pallas_src>

<mosaic_0001>
#map = affine_map<(d0, d1) -> (0)>
#map1 = affine_map<(d0, d1) -> (0, 0)>
module attributes {stable_mosaic.version = 14 : i64} {
  func.func @new_body(%arg0: i32, %arg1: i32, %arg2: memref<16384xi32, #tpu.memory_space<hbm>>, %arg3: memref<16384x128xf32, #tpu.memory_space<hbm>>, %arg4: memref<100000x128xf32, #tpu.memory_space<hbm>>, %arg5: memref<100000x128xf32, #tpu.memory_space<hbm>>, %arg6: memref<16384xi32, #tpu.memory_space<vmem>>, %arg7: memref<3136xi32, #tpu.memory_space<vmem>>, %arg8: memref<3200xi32, #tpu.memory_space<vmem>>, %arg9: memref<3200xi32, #tpu.memory_space<vmem>>, %arg10: memref<64xi32, #tpu.memory_space<vmem>>, %arg11: memref<64xi32, #tpu.memory_space<vmem>>, %arg12: memref<64x128xf32, #tpu.memory_space<vmem>>, %arg13: memref<64x128xf32, #tpu.memory_space<vmem>>, %arg14: memref<!tpu.dma_semaphore, #tpu.memory_space<semaphore_mem>>, %arg15: memref<!tpu.dma_semaphore, #tpu.memory_space<semaphore_mem>>, %arg16: memref<!tpu.dma_semaphore, #tpu.memory_space<semaphore_mem>>, %arg17: memref<!tpu.dma_semaphore, #tpu.memory_space<semaphore_mem>>) attributes {dimension_semantics = [#tpu.dimension_semantics<core_parallel>, #tpu.dimension_semantics<subcore_parallel>], iteration_bounds = array<i64: 2, 16>, scalar_prefetch = 0 : i64, scratch_operands = 12 : i64, tpu.core_type = #tpu.core_type<sc_vector_subcore>, window_params = [{transform_indices = #map}, {transform_indices = #map1}, {transform_indices = #map1}, {transform_indices = #map1}]} {
    %mul3A = arith.constant 2 : i32
    %mul3A_0 = arith.muli %arg1, %mul3A : i32
    %add3A = arith.addi %mul3A_0, %arg0 : i32
    %mul3A_1 = arith.constant 3136 : i32
    %mul3A_2 = arith.muli %add3A, %mul3A_1 : i32
    %eq3A = arith.constant 31 : i32
    %eq3A_3 = arith.cmpi eq, %add3A, %eq3A : i32
    %jit3A = arith.constant 2784 : i32
    %jit3A_4 = arith.constant 3136 : i32
    %select_n3A = arith.select %eq3A_3, %jit3A, %jit3A_4 : i32
    %iota3A = tpu.iota {dimensions = array<i32: 0>} : vector<16xi32>
    "tpu.region"() ({
      %run_scoped3A = tpu.sem_alloc : memref<!tpu.dma_semaphore, #tpu.memory_space<semaphore_mem>>
      tpu.enqueue_dma source(%arg2 : memref<16384xi32, #tpu.memory_space<hbm>>) target(%arg6 : memref<16384xi32, #tpu.memory_space<vmem>>) target_semaphore(%run_scoped3A : memref<!tpu.dma_semaphore, #tpu.memory_space<semaphore_mem>>)
      tpu.wait_dma2 semaphore(%run_scoped3A : memref<!tpu.dma_semaphore, #tpu.memory_space<semaphore_mem>>) src(%arg2 : memref<16384xi32, #tpu.memory_space<hbm>>) dst(%arg6 : memref<16384xi32, #tpu.memory_space<vmem>>)
      tpu.yield
    }) : () -> ()
    %broadcast_in_dim3A = arith.constant -1 : i32
    %broadcast_in_dim3A_5 = vector.broadcast %broadcast_in_dim3A : i32 to vector<16xi32>
    %scan3A = arith.constant 0 : i32
    %scan3A_6 = arith.constant 0 : i32
    %scan3A_7 = arith.constant 49 : i32
    %scan3A_8 = arith.addi %scan3A_6, %scan3A_7 : i32
    %scan3A_9 = arith.constant 1 : i32
    scf.for %scan3A_66 = %scan3A_6 to %scan3A_8 step %scan3A_9  : i32 {
      %mul3A_67 = arith.constant 4 : i32
      %mul3A_68 = arith.muli %scan3A_66, %mul3A_67 : i32
      %add3A_69 = arith.constant 0 : i32
      %add3A_70 = arith.addi %mul3A_68, %add3A_69 : i32
      %mul3A_71 = arith.constant 16 : i32
      %mul3A_72 = arith.muli %add3A_70, %mul3A_71 : i32
      %swap3A = arith.index_cast %mul3A_72 : i32 to index
      %swap3A_73 = tpu.vector_load %arg7[%swap3A] {strides = array<i32>} : memref<3136xi32, #tpu.memory_space<vmem>>, vector<16xi32>,
      tpu.vector_store %arg7[%swap3A], %broadcast_in_dim3A_5 {strides = array<i32>} : memref<3136xi32, #tpu.memory_space<vmem>>, vector<16xi32>,
      %mul3A_74 = arith.constant 4 : i32
      %mul3A_75 = arith.muli %scan3A_66, %mul3A_74 : i32
      %add3A_76 = arith.constant 1 : i32
      %add3A_77 = arith.addi %mul3A_75, %add3A_76 : i32
      %mul3A_78 = arith.constant 16 : i32
      %mul3A_79 = arith.muli %add3A_77, %mul3A_78 : i32
      %swap3A_80 = arith.index_cast %mul3A_79 : i32 to index
      %swap3A_81 = tpu.vector_load %arg7[%swap3A_80] {strides = array<i32>} : memref<3136xi32, #tpu.memory_space<vmem>>, vector<16xi32>,
      tpu.vector_store %arg7[%swap3A_80], %broadcast_in_dim3A_5 {strides = array<i32>} : memref<3136xi32, #tpu.memory_space<vmem>>, vector<16xi32>,
      %mul3A_82 = arith.constant 4 : i32
      %mul3A_83 = arith.muli %scan3A_66, %mul3A_82 : i32
      %add3A_84 = arith.constant 2 : i32
      %add3A_85 = arith.addi %mul3A_83, %add3A_84 : i32
      %mul3A_86 = arith.constant 16 : i32
      %mul3A_87 = arith.muli %add3A_85, %mul3A_86 : i32
      %swap3A_88 = arith.index_cast %mul3A_87 : i32 to index
      %swap3A_89 = tpu.vector_load %arg7[%swap3A_88] {strides = array<i32>} : memref<3136xi32, #tpu.memory_space<vmem>>, vector<16xi32>,
      tpu.vector_store %arg7[%swap3A_88], %broadcast_in_dim3A_5 {strides = array<i32>} : memref<3136xi32, #tpu.memory_space<vmem>>, vector<16xi32>,
      %mul3A_90 = arith.constant 4 : i32
      %mul3A_91 = arith.muli %scan3A_66, %mul3A_90 : i32
      %add3A_92 = arith.constant 3 : i32
      %add3A_93 = arith.addi %mul3A_91, %add3A_92 : i32
      %mul3A_94 = arith.constant 16 : i32
      %mul3A_95 = arith.muli %add3A_93, %mul3A_94 : i32
      %swap3A_96 = arith.index_cast %mul3A_95 : i32 to index
      %swap3A_97 = tpu.vector_load %arg7[%swap3A_96] {strides = array<i32>} : memref<3136xi32, #tpu.memory_space<vmem>>, vector<16xi32>,
      tpu.vector_store %arg7[%swap3A_96], %broadcast_in_dim3A_5 {strides = array<i32>} : memref<3136xi32, #tpu.memory_space<vmem>>, vector<16xi32>,
    }
    %scan3A_10 = arith.constant 49 : i32
    %scan3A_11 = arith.constant 0 : i32
    %scan3A_12 = arith.constant 0 : i32
    %scan3A_13 = arith.constant 16 : i32
    %scan3A_14 = arith.addi %scan3A_12, %scan3A_13 : i32
    %scan3A_15 = arith.constant 1 : i32
    scf.for %scan3A_66 = %scan3A_12 to %scan3A_14 step %scan3A_15  : i32 {
      %mul3A_67 = arith.constant 64 : i32
      %mul3A_68 = arith.muli %scan3A_66, %mul3A_67 : i32
      %add3A_69 = arith.constant 0 : i32
      %add3A_70 = arith.addi %mul3A_68, %add3A_69 : i32
      %mul3A_71 = arith.constant 16 : i32
      %mul3A_72 = arith.muli %add3A_70, %mul3A_71 : i32
      %get3A = arith.index_cast %mul3A_72 : i32 to index
      %get3A_73 = tpu.vector_load %arg6[%get3A] {strides = array<i32>} : memref<16384xi32, #tpu.memory_space<vmem>>, vector<16xi32>,
      %add3A_74 = arith.constant 1 : i32
      %add3A_75 = arith.addi %mul3A_68, %add3A_74 : i32
      %mul3A_76 = arith.constant 16 : i32
      %mul3A_77 = arith.muli %add3A_75, %mul3A_76 : i32
      %get3A_78 = arith.index_cast %mul3A_77 : i32 to index
      %get3A_79 = tpu.vector_load %arg6[%get3A_78] {strides = array<i32>} : memref<16384xi32, #tpu.memory_space<vmem>>, vector<16xi32>,
      %add3A_80 = arith.constant 2 : i32
      %add3A_81 = arith.addi %mul3A_68, %add3A_80 : i32
      %mul3A_82 = arith.constant 16 : i32
      %mul3A_83 = arith.muli %add3A_81, %mul3A_82 : i32
      %get3A_84 = arith.index_cast %mul3A_83 : i32 to index
      %get3A_85 = tpu.vector_load %arg6[%get3A_84] {strides = array<i32>} : memref<16384xi32, #tpu.memory_space<vmem>>, vector<16xi32>,
      %add3A_86 = arith.constant 3 : i32
      %add3A_87 = arith.addi %mul3A_68, %add3A_86 : i32
      %mul3A_88 = arith.constant 16 : i32
      %mul3A_89 = arith.muli %add3A_87, %mul3A_88 : i32
      %get3A_90 = arith.index_cast %mul3A_89 : i32 to index
      %get3A_91 = tpu.vector_load %arg6[%get3A_90] {strides = array<i32>} : memref<16384xi32, #tpu.memory_space<vmem>>, vector<16xi32>,
      %add3A_92 = arith.constant 4 : i32
      %add3A_93 = arith.addi %mul3A_68, %add3A_92 : i32
      %mul3A_94 = arith.constant 16 : i32
      %mul3A_95 = arith.muli %add3A_93, %mul3A_94 : i32
      %get3A_96 = arith.index_cast %mul3A_95 : i32 to index
      %get3A_97 = tpu.vector_load %arg6[%get3A_96] {strides = array<i32>} : memref<16384xi32, #tpu.memory_space<vmem>>, vector<16xi32>,
      %add3A_98 = arith.constant 5 : i32
      %add3A_99 = arith.addi %mul3A_68, %add3A_98 : i32
      %mul3A_100 = arith.constant 16 : i32
      %mul3A_101 = arith.muli %add3A_99, %mul3A_100 : i32
      %get3A_102 = arith.index_cast %mul3A_101 : i32 to index
      %get3A_103 = tpu.vector_load %arg6[%get3A_102] {strides = array<i32>} : memref<16384xi32, #tpu.memory_space<vmem>>, vector<16xi32>,
      %add3A_104 = arith.constant 6 : i32
      %add3A_105 = arith.addi %mul3A_68, %add3A_104 : i32
      %mul3A_106 = arith.constant 16 : i32
      %mul3A_107 = arith.muli %add3A_105, %mul3A_106 : i32
      %get3A_108 = arith.index_cast %mul3A_107 : i32 to index
      %get3A_109 = tpu.vector_load %arg6[%get3A_108] {strides = array<i32>} : memref<16384xi32, #tpu.memory_space<vmem>>, vector<16xi32>,
      %add3A_110 = arith.constant 7 : i32
      %add3A_111 = arith.addi %mul3A_68, %add3A_110 : i32
      %mul3A_112 = arith.constant 16 : i32
      %mul3A_113 = arith.muli %add3A_111, %mul3A_112 : i32
      %get3A_114 = arith.index_cast %mul3A_113 : i32 to index
      %get3A_115 = tpu.vector_load %arg6[%get3A_114] {strides = array<i32>} : memref<16384xi32, #tpu.memory_space<vmem>>, vector<16xi32>,
      %add3A_116 = arith.constant 8 : i32
      %add3A_117 = arith.addi %mul3A_68, %add3A_116 : i32
      %mul3A_118 = arith.constant 16 : i32
      %mul3A_119 = arith.muli %add3A_117, %mul3A_118 : i32
      %get3A_120 = arith.index_cast %mul3A_119 : i32 to index
      %get3A_121 = tpu.vector_load %arg6[%get3A_120] {strides = array<i32>} : memref<16384xi32, #tpu.memory_space<vmem>>, vector<16xi32>,
      %add3A_122 = arith.constant 9 : i32
      %add3A_123 = arith.addi %mul3A_68, %add3A_122 : i32
      %mul3A_124 = arith.constant 16 : i32
      %mul3A_125 = arith.muli %add3A_123, %mul3A_124 : i32
      %get3A_126 = arith.index_cast %mul3A_125 : i32 to index
      %get3A_127 = tpu.vector_load %arg6[%get3A_126] {strides = array<i32>} : memref<16384xi32, #tpu.memory_space<vmem>>, vector<16xi32>,
      %add3A_128 = arith.constant 10 : i32
      %add3A_129 = arith.addi %mul3A_68, %add3A_128 : i32
      %mul3A_130 = arith.constant 16 : i32
      %mul3A_131 = arith.muli %add3A_129, %mul3A_130 : i32
      %get3A_132 = arith.index_cast %mul3A_131 : i32 to index
      %get3A_133 = tpu.vector_load %arg6[%get3A_132] {strides = array<i32>} : memref<16384xi32, #tpu.memory_space<vmem>>, vector<16xi32>,
      %add3A_134 = arith.constant 11 : i32
      %add3A_135 = arith.addi %mul3A_68, %add3A_134 : i32
      %mul3A_136 = arith.constant 16 : i32
      %mul3A_137 = arith.muli %add3A_135, %mul3A_136 : i32
      %get3A_138 = arith.index_cast %mul3A_137 : i32 to index
      %get3A_139 = tpu.vector_load %arg6[%get3A_138] {strides = array<i32>} : memref<16384xi32, #tpu.memory_space<vmem>>, vector<16xi32>,
      %add3A_140 = arith.constant 12 : i32
      %add3A_141 = arith.addi %mul3A_68, %add3A_140 : i32
      %mul3A_142 = arith.constant 16 : i32
      %mul3A_143 = arith.muli %add3A_141, %mul3A_142 : i32
      %get3A_144 = arith.index_cast %mul3A_143 : i32 to index
      %get3A_145 = tpu.vector_load %arg6[%get3A_144] {strides = array<i32>} : memref<16384xi32, #tpu.memory_space<vmem>>, vector<16xi32>,
      %add3A_146 = arith.constant 13 : i32
      %add3A_147 = arith.addi %mul3A_68, %add3A_146 : i32
      %mul3A_148 = arith.constant 16 : i32
      %mul3A_149 = arith.muli %add3A_147, %mul3A_148 : i32
      %get3A_150 = arith.index_cast %mul3A_149 : i32 to index
      %get3A_151 = tpu.vector_load %arg6[%get3A_150] {strides = array<i32>} : memref<16384xi32, #tpu.memory_space<vmem>>, vector<16xi32>,
      %add3A_152 = arith.constant 14 : i32
      %add3A_153 = arith.addi %mul3A_68, %add3A_152 : i32
      %mul3A_154 = arith.constant 16 : i32
      %mul3A_155 = arith.muli %add3A_153, %mul3A_154 : i32
      %get3A_156 = arith.index_cast %mul3A_155 : i32 to index
      %get3A_157 = tpu.vector_load %arg6[%get3A_156] {strides = array<i32>} : memref<16384xi32, #tpu.memory_space<vmem>>, vector<16xi32>,
      %add3A_158 = arith.constant 15 : i32
      %add3A_159 = arith.addi %mul3A_68, %add3A_158 : i32
      %mul3A_160 = arith.constant 16 : i32
      %mul3A_161 = arith.muli %add3A_159, %mul3A_160 : i32
      %get3A_162 = arith.index_cast %mul3A_161 : i32 to index
      %get3A_163 = tpu.vector_load %arg6[%get3A_162] {strides = array<i32>} : memref<16384xi32, #tpu.memory_space<vmem>>, vector<16xi32>,
      %sub3A_164 = vector.broadcast %mul3A_2 : i32 to vector<16xi32>
      %sub3A_165 = arith.subi %get3A_73, %sub3A_164 : vector<16xi32>
      %sub3A_166 = vector.broadcast %mul3A_2 : i32 to vector<16xi32>
      %sub3A_167 = arith.subi %get3A_79, %sub3A_166 : vector<16xi32>
      %sub3A_168 = vector.broadcast %mul3A_2 : i32 to vector<16xi32>
      %sub3A_169 = arith.subi %get3A_85, %sub3A_168 : vector<16xi32>
      %sub3A_170 = vector.broadcast %mul3A_2 : i32 to vector<16xi32>
      %sub3A_171 = arith.subi %get3A_91, %sub3A_170 : vector<16xi32>
      %sub3A_172 = vector.broadcast %mul3A_2 : i32 to vector<16xi32>
      %sub3A_173 = arith.subi %get3A_97, %sub3A_172 : vector<16xi32>
      %sub3A_174 = vector.broadcast %mul3A_2 : i32 to vector<16xi32>
      %sub3A_175 = arith.subi %get3A_103, %sub3A_174 : vector<16xi32>
      %sub3A_176 = vector.broadcast %mul3A_2 : i32 to vector<16xi32>
      %sub3A_177 = arith.subi %get3A_109, %sub3A_176 : vector<16xi32>
      %sub3A_178 = vector.broadcast %mul3A_2 : i32 to vector<16xi32>
      %sub3A_179 = arith.subi %get3A_115, %sub3A_178 : vector<16xi32>
      %sub3A_180 = vector.broadcast %mul3A_2 : i32 to vector<16xi32>
      %sub3A_181 = arith.subi %get3A_121, %sub3A_180 : vector<16xi32>
      %sub3A_182 = vector.broadcast %mul3A_2 : i32 to vector<16xi32>
      %sub3A_183 = arith.subi %get3A_127, %sub3A_182 : vector<16xi32>
      %sub3A_184 = vector.broadcast %mul3A_2 : i32 to vector<16xi32>
      %sub3A_185 = arith.subi %get3A_133, %sub3A_184 : vector<16xi32>
      %sub3A_186 = vector.broadcast %mul3A_2 : i32 to vector<16xi32>
      %sub3A_187 = arith.subi %get3A_139, %sub3A_186 : vector<16xi32>
      %sub3A_188 = vector.broadcast %mul3A_2 : i32 to vector<16xi32>
      %sub3A_189 = arith.subi %get3A_145, %sub3A_188 : vector<16xi32>
      %sub3A_190 = vector.broadcast %mul3A_2 : i32 to vector<16xi32>
      %sub3A_191 = arith.subi %get3A_151, %sub3A_190 : vector<16xi32>
      %sub3A_192 = vector.broadcast %mul3A_2 : i32 to vector<16xi32>
      %sub3A_193 = arith.subi %get3A_157, %sub3A_192 : vector<16xi32>
      %sub3A_194 = vector.broadcast %mul3A_2 : i32 to vector<16xi32>
      %sub3A_195 = arith.subi %get3A_163, %sub3A_194 : vector<16xi32>
      %lt3A = vector.broadcast %select_n3A : i32 to vector<16xi32>
      %lt3A_196 = arith.cmpi ult, %sub3A_165, %lt3A : vector<16xi32>
      %lt3A_197 = vector.broadcast %select_n3A : i32 to vector<16xi32>
      %lt3A_198 = arith.cmpi ult, %sub3A_167, %lt3A_197 : vector<16xi32>
      %lt3A_199 = vector.broadcast %select_n3A : i32 to vector<16xi32>
      %lt3A_200 = arith.cmpi ult, %sub3A_169, %lt3A_199 : vector<16xi32>
      %lt3A_201 = vector.broadcast %select_n3A : i32 to vector<16xi32>
      %lt3A_202 = arith.cmpi ult, %sub3A_171, %lt3A_201 : vector<16xi32>
      %lt3A_203 = vector.broadcast %select_n3A : i32 to vector<16xi32>
      %lt3A_204 = arith.cmpi ult, %sub3A_173, %lt3A_203 : vector<16xi32>
      %lt3A_205 = vector.broadcast %select_n3A : i32 to vector<16xi32>
      %lt3A_206 = arith.cmpi ult, %sub3A_175, %lt3A_205 : vector<16xi32>
      %lt3A_207 = vector.broadcast %select_n3A : i32 to vector<16xi32>
      %lt3A_208 = arith.cmpi ult, %sub3A_177, %lt3A_207 : vector<16xi32>
      %lt3A_209 = vector.broadcast %select_n3A : i32 to vector<16xi32>
      %lt3A_210 = arith.cmpi ult, %sub3A_179, %lt3A_209 : vector<16xi32>
      %lt3A_211 = vector.broadcast %select_n3A : i32 to vector<16xi32>
      %lt3A_212 = arith.cmpi ult, %sub3A_181, %lt3A_211 : vector<16xi32>
      %lt3A_213 = vector.broadcast %select_n3A : i32 to vector<16xi32>
      %lt3A_214 = arith.cmpi ult, %sub3A_183, %lt3A_213 : vector<16xi32>
      %lt3A_215 = vector.broadcast %select_n3A : i32 to vector<16xi32>
      %lt3A_216 = arith.cmpi ult, %sub3A_185, %lt3A_215 : vector<16xi32>
      %lt3A_217 = vector.broadcast %select_n3A : i32 to vector<16xi32>
      %lt3A_218 = arith.cmpi ult, %sub3A_187, %lt3A_217 : vector<16xi32>
      %lt3A_219 = vector.broadcast %select_n3A : i32 to vector<16xi32>
      %lt3A_220 = arith.cmpi ult, %sub3A_189, %lt3A_219 : vector<16xi32>
      %lt3A_221 = vector.broadcast %select_n3A : i32 to vector<16xi32>
      %lt3A_222 = arith.cmpi ult, %sub3A_191, %lt3A_221 : vector<16xi32>
      %lt3A_223 = vector.broadcast %select_n3A : i32 to vector<16xi32>
      %lt3A_224 = arith.cmpi ult, %sub3A_193, %lt3A_223 : vector<16xi32>
      %lt3A_225 = vector.broadcast %select_n3A : i32 to vector<16xi32>
      %lt3A_226 = arith.cmpi ult, %sub3A_195, %lt3A_225 : vector<16xi32>
      %unique3A, %unique3A_227 = tpu.scan_count mask(%lt3A_196 : vector<16xi1>) value(%get3A_73 : vector<16xi32>) : vector<16xi1>, vector<16xi32>
      %unique3A_228, %unique3A_229 = tpu.scan_count mask(%lt3A_198 : vector<16xi1>) value(%get3A_79 : vector<16xi32>) : vector<16xi1>, vector<16xi32>
      %unique3A_230, %unique3A_231 = tpu.scan_count mask(%lt3A_200 : vector<16xi1>) value(%get3A_85 : vector<16xi32>) : vector<16xi1>, vector<16xi32>
      %unique3A_232, %unique3A_233 = tpu.scan_count mask(%lt3A_202 : vector<16xi1>) value(%get3A_91 : vector<16xi32>) : vector<16xi1>, vector<16xi32>
      %unique3A_234, %unique3A_235 = tpu.scan_count mask(%lt3A_204 : vector<16xi1>) value(%get3A_97 : vector<16xi32>) : vector<16xi1>, vector<16xi32>
      %unique3A_236, %unique3A_237 = tpu.scan_count mask(%lt3A_206 : vector<16xi1>) value(%get3A_103 : vector<16xi32>) : vector<16xi1>, vector<16xi32>
      %unique3A_238, %unique3A_239 = tpu.scan_count mask(%lt3A_208 : vector<16xi1>) value(%get3A_109 : vector<16xi32>) : vector<16xi1>, vector<16xi32>
      %unique3A_240, %unique3A_241 = tpu.scan_count mask(%lt3A_210 : vector<16xi1>) value(%get3A_115 : vector<16xi32>) : vector<16xi1>, vector<16xi32>
      %unique3A_242, %unique3A_243 = tpu.scan_count mask(%lt3A_212 : vector<16xi1>) value(%get3A_121 : vector<16xi32>) : vector<16xi1>, vector<16xi32>
      %unique3A_244, %unique3A_245 = tpu.scan_count mask(%lt3A_214 : vector<16xi1>) value(%get3A_127 : vector<16xi32>) : vector<16xi1>, vector<16xi32>
      %unique3A_246, %unique3A_247 = tpu.scan_count mask(%lt3A_216 : vector<16xi1>) value(%get3A_133 : vector<16xi32>) : vector<16xi1>, vector<16xi32>
      %unique3A_248, %unique3A_249 = tpu.scan_count mask(%lt3A_218 : vector<16xi1>) value(%get3A_139 : vector<16xi32>) : vector<16xi1>, vector<16xi32>
      %unique3A_250, %unique3A_251 = tpu.scan_count mask(%lt3A_220 : vector<16xi1>) value(%get3A_145 : vector<16xi32>) : vector<16xi1>, vector<16xi32>
      %unique3A_252, %unique3A_253 = tpu.scan_count mask(%lt3A_222 : vector<16xi1>) value(%get3A_151 : vector<16xi32>) : vector<16xi1>, vector<16xi32>
      %unique3A_254, %unique3A_255 = tpu.scan_count mask(%lt3A_224 : vector<16xi1>) value(%get3A_157 : vector<16xi32>) : vector<16xi1>, vector<16xi32>
      %unique3A_256, %unique3A_257 = tpu.scan_count mask(%lt3A_226 : vector<16xi1>) value(%get3A_163 : vector<16xi32>) : vector<16xi1>, vector<16xi32>
      %and3A_258 = arith.andi %lt3A_196, %unique3A : vector<16xi1>
      %jit3A_259 = arith.constant 0 : i32
      %broadcast_in_dim3A_260 = vector.broadcast %jit3A_259 : i32 to vector<16xi32>
      %select_n3A_261 = arith.select %and3A_258, %sub3A_165, %broadcast_in_dim3A_260 : vector<16xi1>, vector<16xi32>
      %add3A_262 = arith.constant 0 : i32
      %add3A_263 = arith.addi %mul3A_68, %add3A_262 : i32
      %mul3A_264 = arith.constant 16 : i32
      %mul3A_265 = arith.muli %add3A_263, %mul3A_264 : i32
      %add3A_266 = vector.broadcast %mul3A_265 : i32 to vector<16xi32>
      %add3A_267 = arith.addi %add3A_266, %iota3A : vector<16xi32>
      tpu.vector_store_idx %arg7[%select_n3A_261], %add3A_267 masked %and3A_258 : memref<3136xi32, #tpu.memory_space<vmem>>[vector<16xi32>], vector<16xi32>, vector<16xi1>
      %and3A_268 = arith.andi %lt3A_198, %unique3A_228 : vector<16xi1>
      %jit3A_269 = arith.constant 0 : i32
      %broadcast_in_dim3A_270 = vector.broadcast %jit3A_269 : i32 to vector<16xi32>
      %select_n3A_271 = arith.select %and3A_268, %sub3A_167, %broadcast_in_dim3A_270 : vector<16xi1>, vector<16xi32>
      %add3A_272 = arith.constant 1 : i32
      %add3A_273 = arith.addi %mul3A_68, %add3A_272 : i32
      %mul3A_274 = arith.constant 16 : i32
      %mul3A_275 = arith.muli %add3A_273, %mul3A_274 : i32
      %add3A_276 = vector.broadcast %mul3A_275 : i32 to vector<16xi32>
      %add3A_277 = arith.addi %add3A_276, %iota3A : vector<16xi32>
      tpu.vector_store_idx %arg7[%select_n3A_271], %add3A_277 masked %and3A_268 : memref<3136xi32, #tpu.memory_space<vmem>>[vector<16xi32>], vector<16xi32>, vector<16xi1>
      %and3A_278 = arith.andi %lt3A_200, %unique3A_230 : vector<16xi1>
      %jit3A_279 = arith.constant 0 : i32
      %broadcast_in_dim3A_280 = vector.broadcast %jit3A_279 : i32 to vector<16xi32>
      %select_n3A_281 = arith.select %and3A_278, %sub3A_169, %broadcast_in_dim3A_280 : vector<16xi1>, vector<16xi32>
      %add3A_282 = arith.constant 2 : i32
      %add3A_283 = arith.addi %mul3A_68, %add3A_282 : i32
      %mul3A_284 = arith.constant 16 : i32
      %mul3A_285 = arith.muli %add3A_283, %mul3A_284 : i32
      %add3A_286 = vector.broadcast %mul3A_285 : i32 to vector<16xi32>
      %add3A_287 = arith.addi %add3A_286, %iota3A : vector<16xi32>
      tpu.vector_store_idx %arg7[%select_n3A_281], %add3A_287 masked %and3A_278 : memref<3136xi32, #tpu.memory_space<vmem>>[vector<16xi32>], vector<16xi32>, vector<16xi1>
      %and3A_288 = arith.andi %lt3A_202, %unique3A_232 : vector<16xi1>
      %jit3A_289 = arith.constant 0 : i32
      %broadcast_in_dim3A_290 = vector.broadcast %jit3A_289 : i32 to vector<16xi32>
      %select_n3A_291 = arith.select %and3A_288, %sub3A_171, %broadcast_in_dim3A_290 : vector<16xi1>, vector<16xi32>
      %add3A_292 = arith.constant 3 : i32
      %add3A_293 = arith.addi %mul3A_68, %add3A_292 : i32
      %mul3A_294 = arith.constant 16 : i32
      %mul3A_295 = arith.muli %add3A_293, %mul3A_294 : i32
      %add3A_296 = vector.broadcast %mul3A_295 : i32 to vector<16xi32>
      %add3A_297 = arith.addi %add3A_296, %iota3A : vector<16xi32>
      tpu.vector_store_idx %arg7[%select_n3A_291], %add3A_297 masked %and3A_288 : memref<3136xi32, #tpu.memory_space<vmem>>[vector<16xi32>], vector<16xi32>, vector<16xi1>
      %and3A_298 = arith.andi %lt3A_204, %unique3A_234 : vector<16xi1>
      %jit3A_299 = arith.constant 0 : i32
      %broadcast_in_dim3A_300 = vector.broadcast %jit3A_299 : i32 to vector<16xi32>
      %select_n3A_301 = arith.select %and3A_298, %sub3A_173, %broadcast_in_dim3A_300 : vector<16xi1>, vector<16xi32>
      %add3A_302 = arith.constant 4 : i32
      %add3A_303 = arith.addi %mul3A_68, %add3A_302 : i32
      %mul3A_304 = arith.constant 16 : i32
      %mul3A_305 = arith.muli %add3A_303, %mul3A_304 : i32
      %add3A_306 = vector.broadcast %mul3A_305 : i32 to vector<16xi32>
      %add3A_307 = arith.addi %add3A_306, %iota3A : vector<16xi32>
      tpu.vector_store_idx %arg7[%select_n3A_301], %add3A_307 masked %and3A_298 : memref<3136xi32, #tpu.memory_space<vmem>>[vector<16xi32>], vector<16xi32>, vector<16xi1>
      %and3A_308 = arith.andi %lt3A_206, %unique3A_236 : vector<16xi1>
      %jit3A_309 = arith.constant 0 : i32
      %broadcast_in_dim3A_310 = vector.broadcast %jit3A_309 : i32 to vector<16xi32>
      %select_n3A_311 = arith.select %and3A_308, %sub3A_175, %broadcast_in_dim3A_310 : vector<16xi1>, vector<16xi32>
      %add3A_312 = arith.constant 5 : i32
      %add3A_313 = arith.addi %mul3A_68, %add3A_312 : i32
      %mul3A_314 = arith.constant 16 : i32
      %mul3A_315 = arith.muli %add3A_313, %mul3A_314 : i32
      %add3A_316 = vector.broadcast %mul3A_315 : i32 to vector<16xi32>
      %add3A_317 = arith.addi %add3A_316, %iota3A : vector<16xi32>
      tpu.vector_store_idx %arg7[%select_n3A_311], %add3A_317 masked %and3A_308 : memref<3136xi32, #tpu.memory_space<vmem>>[vector<16xi32>], vector<16xi32>, vector<16xi1>
      %and3A_318 = arith.andi %lt3A_208, %unique3A_238 : vector<16xi1>
      %jit3A_319 = arith.constant 0 : i32
      %broadcast_in_dim3A_320 = vector.broadcast %jit3A_319 : i32 to vector<16xi32>
      %select_n3A_321 = arith.select %and3A_318, %sub3A_177, %broadcast_in_dim3A_320 : vector<16xi1>, vector<16xi32>
      %add3A_322 = arith.constant 6 : i32
      %add3A_323 = arith.addi %mul3A_68, %add3A_322 : i32
      %mul3A_324 = arith.constant 16 : i32
      %mul3A_325 = arith.muli %add3A_323, %mul3A_324 : i32
      %add3A_326 = vector.broadcast %mul3A_325 : i32 to vector<16xi32>
      %add3A_327 = arith.addi %add3A_326, %iota3A : vector<16xi32>
      tpu.vector_store_idx %arg7[%select_n3A_321], %add3A_327 masked %and3A_318 : memref<3136xi32, #tpu.memory_space<vmem>>[vector<16xi32>], vector<16xi32>, vector<16xi1>
      %and3A_328 = arith.andi %lt3A_210, %unique3A_240 : vector<16xi1>
      %jit3A_329 = arith.constant 0 : i32
      %broadcast_in_dim3A_330 = vector.broadcast %jit3A_329 : i32 to vector<16xi32>
      %select_n3A_331 = arith.select %and3A_328, %sub3A_179, %broadcast_in_dim3A_330 : vector<16xi1>, vector<16xi32>
      %add3A_332 = arith.constant 7 : i32
      %add3A_333 = arith.addi %mul3A_68, %add3A_332 : i32
      %mul3A_334 = arith.constant 16 : i32
      %mul3A_335 = arith.muli %add3A_333, %mul3A_334 : i32
      %add3A_336 = vector.broadcast %mul3A_335 : i32 to vector<16xi32>
      %add3A_337 = arith.addi %add3A_336, %iota3A : vector<16xi32>
      tpu.vector_store_idx %arg7[%select_n3A_331], %add3A_337 masked %and3A_328 : memref<3136xi32, #tpu.memory_space<vmem>>[vector<16xi32>], vector<16xi32>, vector<16xi1>
      %and3A_338 = arith.andi %lt3A_212, %unique3A_242 : vector<16xi1>
      %jit3A_339 = arith.constant 0 : i32
      %broadcast_in_dim3A_340 = vector.broadcast %jit3A_339 : i32 to vector<16xi32>
      %select_n3A_341 = arith.select %and3A_338, %sub3A_181, %broadcast_in_dim3A_340 : vector<16xi1>, vector<16xi32>
      %add3A_342 = arith.constant 8 : i32
      %add3A_343 = arith.addi %mul3A_68, %add3A_342 : i32
      %mul3A_344 = arith.constant 16 : i32
      %mul3A_345 = arith.muli %add3A_343, %mul3A_344 : i32
      %add3A_346 = vector.broadcast %mul3A_345 : i32 to vector<16xi32>
      %add3A_347 = arith.addi %add3A_346, %iota3A : vector<16xi32>
      tpu.vector_store_idx %arg7[%select_n3A_341], %add3A_347 masked %and3A_338 : memref<3136xi32, #tpu.memory_space<vmem>>[vector<16xi32>], vector<16xi32>, vector<16xi1>
      %and3A_348 = arith.andi %lt3A_214, %unique3A_244 : vector<16xi1>
      %jit3A_349 = arith.constant 0 : i32
      %broadcast_in_dim3A_350 = vector.broadcast %jit3A_349 : i32 to vector<16xi32>
      %select_n3A_351 = arith.select %and3A_348, %sub3A_183, %broadcast_in_dim3A_350 : vector<16xi1>, vector<16xi32>
      %add3A_352 = arith.constant 9 : i32
      %add3A_353 = arith.addi %mul3A_68, %add3A_352 : i32
      %mul3A_354 = arith.constant 16 : i32
      %mul3A_355 = arith.muli %add3A_353, %mul3A_354 : i32
      %add3A_356 = vector.broadcast %mul3A_355 : i32 to vector<16xi32>
      %add3A_357 = arith.addi %add3A_356, %iota3A : vector<16xi32>
      tpu.vector_store_idx %arg7[%select_n3A_351], %add3A_357 masked %and3A_348 : memref<3136xi32, #tpu.memory_space<vmem>>[vector<16xi32>], vector<16xi32>, vector<16xi1>
      %and3A_358 = arith.andi %lt3A_216, %unique3A_246 : vector<16xi1>
      %jit3A_359 = arith.constant 0 : i32
      %broadcast_in_dim3A_360 = vector.broadcast %jit3A_359 : i32 to vector<16xi32>
      %select_n3A_361 = arith.select %and3A_358, %sub3A_185, %broadcast_in_dim3A_360 : vector<16xi1>, vector<16xi32>
      %add3A_362 = arith.constant 10 : i32
      %add3A_363 = arith.addi %mul3A_68, %add3A_362 : i32
      %mul3A_364 = arith.constant 16 : i32
      %mul3A_365 = arith.muli %add3A_363, %mul3A_364 : i32
      %add3A_366 = vector.broadcast %mul3A_365 : i32 to vector<16xi32>
      %add3A_367 = arith.addi %add3A_366, %iota3A : vector<16xi32>
      tpu.vector_store_idx %arg7[%select_n3A_361], %add3A_367 masked %and3A_358 : memref<3136xi32, #tpu.memory_space<vmem>>[vector<16xi32>], vector<16xi32>, vector<16xi1>
      %and3A_368 = arith.andi %lt3A_218, %unique3A_248 : vector<16xi1>
      %jit3A_369 = arith.constant 0 : i32
      %broadcast_in_dim3A_370 = vector.broadcast %jit3A_369 : i32 to vector<16xi32>
      %select_n3A_371 = arith.select %and3A_368, %sub3A_187, %broadcast_in_dim3A_370 : vector<16xi1>, vector<16xi32>
      %add3A_372 = arith.constant 11 : i32
      %add3A_373 = arith.addi %mul3A_68, %add3A_372 : i32
      %mul3A_374 = arith.constant 16 : i32
      %mul3A_375 = arith.muli %add3A_373, %mul3A_374 : i32
      %add3A_376 = vector.broadcast %mul3A_375 : i32 to vector<16xi32>
      %add3A_377 = arith.addi %add3A_376, %iota3A : vector<16xi32>
      tpu.vector_store_idx %arg7[%select_n3A_371], %add3A_377 masked %and3A_368 : memref<3136xi32, #tpu.memory_space<vmem>>[vector<16xi32>], vector<16xi32>, vector<16xi1>
      %and3A_378 = arith.andi %lt3A_220, %unique3A_250 : vector<16xi1>
      %jit3A_379 = arith.constant 0 : i32
      %broadcast_in_dim3A_380 = vector.broadcast %jit3A_379 : i32 to vector<16xi32>
      %select_n3A_381 = arith.select %and3A_378, %sub3A_189, %broadcast_in_dim3A_380 : vector<16xi1>, vector<16xi32>
      %add3A_382 = arith.constant 12 : i32
      %add3A_383 = arith.addi %mul3A_68, %add3A_382 : i32
      %mul3A_384 = arith.constant 16 : i32
      %mul3A_385 = arith.muli %add3A_383, %mul3A_384 : i32
      %add3A_386 = vector.broadcast %mul3A_385 : i32 to vector<16xi32>
      %add3A_387 = arith.addi %add3A_386, %iota3A : vector<16xi32>
      tpu.vector_store_idx %arg7[%select_n3A_381], %add3A_387 masked %and3A_378 : memref<3136xi32, #tpu.memory_space<vmem>>[vector<16xi32>], vector<16xi32>, vector<16xi1>
      %and3A_388 = arith.andi %lt3A_222, %unique3A_252 : vector<16xi1>
      %jit3A_389 = arith.constant 0 : i32
      %broadcast_in_dim3A_390 = vector.broadcast %jit3A_389 : i32 to vector<16xi32>
      %select_n3A_391 = arith.select %and3A_388, %sub3A_191, %broadcast_in_dim3A_390 : vector<16xi1>, vector<16xi32>
      %add3A_392 = arith.constant 13 : i32
      %add3A_393 = arith.addi %mul3A_68, %add3A_392 : i32
      %mul3A_394 = arith.constant 16 : i32
      %mul3A_395 = arith.muli %add3A_393, %mul3A_394 : i32
      %add3A_396 = vector.broadcast %mul3A_395 : i32 to vector<16xi32>
      %add3A_397 = arith.addi %add3A_396, %iota3A : vector<16xi32>
      tpu.vector_store_idx %arg7[%select_n3A_391], %add3A_397 masked %and3A_388 : memref<3136xi32, #tpu.memory_space<vmem>>[vector<16xi32>], vector<16xi32>, vector<16xi1>
      %and3A_398 = arith.andi %lt3A_224, %unique3A_254 : vector<16xi1>
      %jit3A_399 = arith.constant 0 : i32
      %broadcast_in_dim3A_400 = vector.broadcast %jit3A_399 : i32 to vector<16xi32>
      %select_n3A_401 = arith.select %and3A_398, %sub3A_193, %broadcast_in_dim3A_400 : vector<16xi1>, vector<16xi32>
      %add3A_402 = arith.constant 14 : i32
      %add3A_403 = arith.addi %mul3A_68, %add3A_402 : i32
      %mul3A_404 = arith.constant 16 : i32
      %mul3A_405 = arith.muli %add3A_403, %mul3A_404 : i32
      %add3A_406 = vector.broadcast %mul3A_405 : i32 to vector<16xi32>
      %add3A_407 = arith.addi %add3A_406, %iota3A : vector<16xi32>
      tpu.vector_store_idx %arg7[%select_n3A_401], %add3A_407 masked %and3A_398 : memref<3136xi32, #tpu.memory_space<vmem>>[vector<16xi32>], vector<16xi32>, vector<16xi1>
      %and3A_408 = arith.andi %lt3A_226, %unique3A_256 : vector<16xi1>
      %jit3A_409 = arith.constant 0 : i32
      %broadcast_in_dim3A_410 = vector.broadcast %jit3A_409 : i32 to vector<16xi32>
      %select_n3A_411 = arith.select %and3A_408, %sub3A_195, %broadcast_in_dim3A_410 : vector<16xi1>, vector<16xi32>
      %add3A_412 = arith.constant 15 : i32
      %add3A_413 = arith.addi %mul3A_68, %add3A_412 : i32
      %mul3A_414 = arith.constant 16 : i32
      %mul3A_415 = arith.muli %add3A_413, %mul3A_414 : i32
      %add3A_416 = vector.broadcast %mul3A_415 : i32 to vector<16xi32>
      %add3A_417 = arith.addi %add3A_416, %iota3A : vector<16xi32>
      tpu.vector_store_idx %arg7[%select_n3A_411], %add3A_417 masked %and3A_408 : memref<3136xi32, #tpu.memory_space<vmem>>[vector<16xi32>], vector<16xi32>, vector<16xi1>
      %add3A_418 = arith.constant 16 : i32
      %add3A_419 = arith.addi %mul3A_68, %add3A_418 : i32
      %mul3A_420 = arith.constant 16 : i32
      %mul3A_421 = arith.muli %add3A_419, %mul3A_420 : i32
      %get3A_422 = arith.index_cast %mul3A_421 : i32 to index
      %get3A_423 = tpu.vector_load %arg6[%get3A_422] {strides = array<i32>} : memref<16384xi32, #tpu.memory_space<vmem>>, vector<16xi32>,
      %add3A_424 = arith.constant 17 : i32
      %add3A_425 = arith.addi %mul3A_68, %add3A_424 : i32
      %mul3A_426 = arith.constant 16 : i32
      %mul3A_427 = arith.muli %add3A_425, %mul3A_426 : i32
      %get3A_428 = arith.index_cast %mul3A_427 : i32 to index
      %get3A_429 = tpu.vector_load %arg6[%get3A_428] {strides = array<i32>} : memref<16384xi32, #tpu.memory_space<vmem>>, vector<16xi32>,
      %add3A_430 = arith.constant 18 : i32
      %add3A_431 = arith.addi %mul3A_68, %add3A_430 : i32
      %mul3A_432 = arith.constant 16 : i32
      %mul3A_433 = arith.muli %add3A_431, %mul3A_432 : i32
      %get3A_434 = arith.index_cast %mul3A_433 : i32 to index
      %get3A_435 = tpu.vector_load %arg6[%get3A_434] {strides = array<i32>} : memref<16384xi32, #tpu.memory_space<vmem>>, vector<16xi32>,
      %add3A_436 = arith.constant 19 : i32
      %add3A_437 = arith.addi %mul3A_68, %add3A_436 : i32
      %mul3A_438 = arith.constant 16 : i32
      %mul3A_439 = arith.muli %add3A_437, %mul3A_438 : i32
      %get3A_440 = arith.index_cast %mul3A_439 : i32 to index
      %get3A_441 = tpu.vector_load %arg6[%get3A_440] {strides = array<i32>} : memref<16384xi32, #tpu.memory_space<vmem>>, vector<16xi32>,
      %add3A_442 = arith.constant 20 : i32
      %add3A_443 = arith.addi %mul3A_68, %add3A_442 : i32
      %mul3A_444 = arith.constant 16 : i32
      %mul3A_445 = arith.muli %add3A_443, %mul3A_444 : i32
      %get3A_446 = arith.index_cast %mul3A_445 : i32 to index
      %get3A_447 = tpu.vector_load %arg6[%get3A_446] {strides = array<i32>} : memref<16384xi32, #tpu.memory_space<vmem>>, vector<16xi32>,
      %add3A_448 = arith.constant 21 : i32
      %add3A_449 = arith.addi %mul3A_68, %add3A_448 : i32
      %mul3A_450 = arith.constant 16 : i32
      %mul3A_451 = arith.muli %add3A_449, %mul3A_450 : i32
      %get3A_452 = arith.index_cast %mul3A_451 : i32 to index
      %get3A_453 = tpu.vector_load %arg6[%get3A_452] {strides = array<i32>} : memref<16384xi32, #tpu.memory_space<vmem>>, vector<16xi32>,
      %add3A_454 = arith.constant 22 : i32
      %add3A_455 = arith.addi %mul3A_68, %add3A_454 : i32
      %mul3A_456 = arith.constant 16 : i32
      %mul3A_457 = arith.muli %add3A_455, %mul3A_456 : i32
      %get3A_458 = arith.index_cast %mul3A_457 : i32 to index
      %get3A_459 = tpu.vector_load %arg6[%get3A_458] {strides = array<i32>} : memref<16384xi32, #tpu.memory_space<vmem>>, vector<16xi32>,
      %add3A_460 = arith.constant 23 : i32
      %add3A_461 = arith.addi %mul3A_68, %add3A_460 : i32
      %mul3A_462 = arith.constant 16 : i32
      %mul3A_463 = arith.muli %add3A_461, %mul3A_462 : i32
      %get3A_464 = arith.index_cast %mul3A_463 : i32 to index
      %get3A_465 = tpu.vector_load %arg6[%get3A_464] {strides = array<i32>} : memref<16384xi32, #tpu.memory_space<vmem>>, vector<16xi32>,
      %add3A_466 = arith.constant 24 : i32
      %add3A_467 = arith.addi %mul3A_68, %add3A_466 : i32
      %mul3A_468 = arith.constant 16 : i32
      %mul3A_469 = arith.muli %add3A_467, %mul3A_468 : i32
      %get3A_470 = arith.index_cast %mul3A_469 : i32 to index
      %get3A_471 = tpu.vector_load %arg6[%get3A_470] {strides = array<i32>} : memref<16384xi32, #tpu.memory_space<vmem>>, vector<16xi32>,
      %add3A_472 = arith.constant 25 : i32
      %add3A_473 = arith.addi %mul3A_68, %add3A_472 : i32
      %mul3A_474 = arith.constant 16 : i32
      %mul3A_475 = arith.muli %add3A_473, %mul3A_474 : i32
      %get3A_476 = arith.index_cast %mul3A_475 : i32 to index
      %get3A_477 = tpu.vector_load %arg6[%get3A_476] {strides = array<i32>} : memref<16384xi32, #tpu.memory_space<vmem>>, vector<16xi32>,
      %add3A_478 = arith.constant 26 : i32
      %add3A_479 = arith.addi %mul3A_68, %add3A_478 : i32
      %mul3A_480 = arith.constant 16 : i32
      %mul3A_481 = arith.muli %add3A_479, %mul3A_480 : i32
      %get3A_482 = arith.index_cast %mul3A_481 : i32 to index
      %get3A_483 = tpu.vector_load %arg6[%get3A_482] {strides = array<i32>} : memref<16384xi32, #tpu.memory_space<vmem>>, vector<16xi32>,
      %add3A_484 = arith.constant 27 : i32
      %add3A_485 = arith.addi %mul3A_68, %add3A_484 : i32
      %mul3A_486 = arith.constant 16 : i32
      %mul3A_487 = arith.muli %add3A_485, %mul3A_486 : i32
      %get3A_488 = arith.index_cast %mul3A_487 : i32 to index
      %get3A_489 = tpu.vector_load %arg6[%get3A_488] {strides = array<i32>} : memref<16384xi32, #tpu.memory_space<vmem>>, vector<16xi32>,
      %add3A_490 = arith.constant 28 : i32
      %add3A_491 = arith.addi %mul3A_68, %add3A_490 : i32
      %mul3A_492 = arith.constant 16 : i32
      %mul3A_493 = arith.muli %add3A_491, %mul3A_492 : i32
      %get3A_494 = arith.index_cast %mul3A_493 : i32 to index
      %get3A_495 = tpu.vector_load %arg6[%get3A_494] {strides = array<i32>} : memref<16384xi32, #tpu.memory_space<vmem>>, vector<16xi32>,
      %add3A_496 = arith.constant 29 : i32
      %add3A_497 = arith.addi %mul3A_68, %add3A_496 : i32
      %mul3A_498 = arith.constant 16 : i32
      %mul3A_499 = arith.muli %add3A_497, %mul3A_498 : i32
      %get3A_500 = arith.index_cast %mul3A_499 : i32 to index
      %get3A_501 = tpu.vector_load %arg6[%get3A_500] {strides = array<i32>} : memref<16384xi32, #tpu.memory_space<vmem>>, vector<16xi32>,
      %add3A_502 = arith.constant 30 : i32
      %add3A_503 = arith.addi %mul3A_68, %add3A_502 : i32
      %mul3A_504 = arith.constant 16 : i32
      %mul3A_505 = arith.muli %add3A_503, %mul3A_504 : i32
      %get3A_506 = arith.index_cast %mul3A_505 : i32 to index
      %get3A_507 = tpu.vector_load %arg6[%get3A_506] {strides = array<i32>} : memref<16384xi32, #tpu.memory_space<vmem>>, vector<16xi32>,
      %add3A_508 = arith.constant 31 : i32
      %add3A_509 = arith.addi %mul3A_68, %add3A_508 : i32
      %mul3A_510 = arith.constant 16 : i32
      %mul3A_511 = arith.muli %add3A_509, %mul3A_510 : i32
      %get3A_512 = arith.index_cast %mul3A_511 : i32 to index
      %get3A_513 = tpu.vector_load %arg6[%get3A_512] {strides = array<i32>} : memref<16384xi32, #tpu.memory_space<vmem>>, vector<16xi32>,
      %sub3A_514 = vector.broadcast %mul3A_2 : i32 to vector<16xi32>
      %sub3A_515 = arith.subi %get3A_423, %sub3A_514 : vector<16xi32>
      %sub3A_516 = vector.broadcast %mul3A_2 : i32 to vector<16xi32>
      %sub3A_517 = arith.subi %get3A_429, %sub3A_516 : vector<16xi32>
      %sub3A_518 = vector.broadcast %mul3A_2 : i32 to vector<16xi32>
      %sub3A_519 = arith.subi %get3A_435, %sub3A_518 : vector<16xi32>
      %sub3A_520 = vector.broadcast %mul3A_2 : i32 to vector<16xi32>
      %sub3A_521 = arith.subi %get3A_441, %sub3A_520 : vector<16xi32>
      %sub3A_522 = vector.broadcast %mul3A_2 : i32 to vector<16xi32>
      %sub3A_523 = arith.subi %get3A_447, %sub3A_522 : vector<16xi32>
      %sub3A_524 = vector.broadcast %mul3A_2 : i32 to vector<16xi32>
      %sub3A_525 = arith.subi %get3A_453, %sub3A_524 : vector<16xi32>
      %sub3A_526 = vector.broadcast %mul3A_2 : i32 to vector<16xi32>
      %sub3A_527 = arith.subi %get3A_459, %sub3A_526 : vector<16xi32>
      %sub3A_528 = vector.broadcast %mul3A_2 : i32 to vector<16xi32>
      %sub3A_529 = arith.subi %get3A_465, %sub3A_528 : vector<16xi32>
      %sub3A_530 = vector.broadcast %mul3A_2 : i32 to vector<16xi32>
      %sub3A_531 = arith.subi %get3A_471, %sub3A_530 : vector<16xi32>
      %sub3A_532 = vector.broadcast %mul3A_2 : i32 to vector<16xi32>
      %sub3A_533 = arith.subi %get3A_477, %sub3A_532 : vector<16xi32>
      %sub3A_534 = vector.broadcast %mul3A_2 : i32 to vector<16xi32>
      %sub3A_535 = arith.subi %get3A_483, %sub3A_534 : vector<16xi32>
      %sub3A_536 = vector.broadcast %mul3A_2 : i32 to vector<16xi32>
      %sub3A_537 = arith.subi %get3A_489, %sub3A_536 : vector<16xi32>
      %sub3A_538 = vector.broadcast %mul3A_2 : i32 to vector<16xi32>
      %sub3A_539 = arith.subi %get3A_495, %sub3A_538 : vector<16xi32>
      %sub3A_540 = vector.broadcast %mul3A_2 : i32 to vector<16xi32>
      %sub3A_541 = arith.subi %get3A_501, %sub3A_540 : vector<16xi32>
      %sub3A_542 = vector.broadcast %mul3A_2 : i32 to vector<16xi32>
      %sub3A_543 = arith.subi %get3A_507, %sub3A_542 : vector<16xi32>
      %sub3A_544 = vector.broadcast %mul3A_2 : i32 to vector<16xi32>
      %sub3A_545 = arith.subi %get3A_513, %sub3A_544 : vector<16xi32>
      %lt3A_546 = vector.broadcast %select_n3A : i32 to vector<16xi32>
      %lt3A_547 = arith.cmpi ult, %sub3A_515, %lt3A_546 : vector<16xi32>
      %lt3A_548 = vector.broadcast %select_n3A : i32 to vector<16xi32>
      %lt3A_549 = arith.cmpi ult, %sub3A_517, %lt3A_548 : vector<16xi32>
      %lt3A_550 = vector.broadcast %select_n3A : i32 to vector<16xi32>
      %lt3A_551 = arith.cmpi ult, %sub3A_519, %lt3A_550 : vector<16xi32>
      %lt3A_552 = vector.broadcast %select_n3A : i32 to vector<16xi32>
      %lt3A_553 = arith.cmpi ult, %sub3A_521, %lt3A_552 : vector<16xi32>
      %lt3A_554 = vector.broadcast %select_n3A : i32 to vector<16xi32>
      %lt3A_555 = arith.cmpi ult, %sub3A_523, %lt3A_554 : vector<16xi32>
      %lt3A_556 = vector.broadcast %select_n3A : i32 to vector<16xi32>
      %lt3A_557 = arith.cmpi ult, %sub3A_525, %lt3A_556 : vector<16xi32>
      %lt3A_558 = vector.broadcast %select_n3A : i32 to vector<16xi32>
      %lt3A_559 = arith.cmpi ult, %sub3A_527, %lt3A_558 : vector<16xi32>
      %lt3A_560 = vector.broadcast %select_n3A : i32 to vector<16xi32>
      %lt3A_561 = arith.cmpi ult, %sub3A_529, %lt3A_560 : vector<16xi32>
      %lt3A_562 = vector.broadcast %select_n3A : i32 to vector<16xi32>
      %lt3A_563 = arith.cmpi ult, %sub3A_531, %lt3A_562 : vector<16xi32>
      %lt3A_564 = vector.broadcast %select_n3A : i32 to vector<16xi32>
      %lt3A_565 = arith.cmpi ult, %sub3A_533, %lt3A_564 : vector<16xi32>
      %lt3A_566 = vector.broadcast %select_n3A : i32 to vector<16xi32>
      %lt3A_567 = arith.cmpi ult, %sub3A_535, %lt3A_566 : vector<16xi32>
      %lt3A_568 = vector.broadcast %select_n3A : i32 to vector<16xi32>
      %lt3A_569 = arith.cmpi ult, %sub3A_537, %lt3A_568 : vector<16xi32>
      %lt3A_570 = vector.broadcast %select_n3A : i32 to vector<16xi32>
      %lt3A_571 = arith.cmpi ult, %sub3A_539, %lt3A_570 : vector<16xi32>
      %lt3A_572 = vector.broadcast %select_n3A : i32 to vector<16xi32>
      %lt3A_573 = arith.cmpi ult, %sub3A_541, %lt3A_572 : vector<16xi32>
      %lt3A_574 = vector.broadcast %select_n3A : i32 to vector<16xi32>
      %lt3A_575 = arith.cmpi ult, %sub3A_543, %lt3A_574 : vector<16xi32>
      %lt3A_576 = vector.broadcast %select_n3A : i32 to vector<16xi32>
      %lt3A_577 = arith.cmpi ult, %sub3A_545, %lt3A_576 : vector<16xi32>
      %unique3A_578, %unique3A_579 = tpu.scan_count mask(%lt3A_547 : vector<16xi1>) value(%get3A_423 : vector<16xi32>) : vector<16xi1>, vector<16xi32>
      %unique3A_580, %unique3A_581 = tpu.scan_count mask(%lt3A_549 : vector<16xi1>) value(%get3A_429 : vector<16xi32>) : vector<16xi1>, vector<16xi32>
      %unique3A_582, %unique3A_583 = tpu.scan_count mask(%lt3A_551 : vector<16xi1>) value(%get3A_435 : vector<16xi32>) : vector<16xi1>, vector<16xi32>
      %unique3A_584, %unique3A_585 = tpu.scan_count mask(%lt3A_553 : vector<16xi1>) value(%get3A_441 : vector<16xi32>) : vector<16xi1>, vector<16xi32>
      %unique3A_586, %unique3A_587 = tpu.scan_count mask(%lt3A_555 : vector<16xi1>) value(%get3A_447 : vector<16xi32>) : vector<16xi1>, vector<16xi32>
      %unique3A_588, %unique3A_589 = tpu.scan_count mask(%lt3A_557 : vector<16xi1>) value(%get3A_453 : vector<16xi32>) : vector<16xi1>, vector<16xi32>
      %unique3A_590, %unique3A_591 = tpu.scan_count mask(%lt3A_559 : vector<16xi1>) value(%get3A_459 : vector<16xi32>) : vector<16xi1>, vector<16xi32>
      %unique3A_592, %unique3A_593 = tpu.scan_count mask(%lt3A_561 : vector<16xi1>) value(%get3A_465 : vector<16xi32>) : vector<16xi1>, vector<16xi32>
      %unique3A_594, %unique3A_595 = tpu.scan_count mask(%lt3A_563 : vector<16xi1>) value(%get3A_471 : vector<16xi32>) : vector<16xi1>, vector<16xi32>
      %unique3A_596, %unique3A_597 = tpu.scan_count mask(%lt3A_565 : vector<16xi1>) value(%get3A_477 : vector<16xi32>) : vector<16xi1>, vector<16xi32>
      %unique3A_598, %unique3A_599 = tpu.scan_count mask(%lt3A_567 : vector<16xi1>) value(%get3A_483 : vector<16xi32>) : vector<16xi1>, vector<16xi32>
      %unique3A_600, %unique3A_601 = tpu.scan_count mask(%lt3A_569 : vector<16xi1>) value(%get3A_489 : vector<16xi32>) : vector<16xi1>, vector<16xi32>
      %unique3A_602, %unique3A_603 = tpu.scan_count mask(%lt3A_571 : vector<16xi1>) value(%get3A_495 : vector<16xi32>) : vector<16xi1>, vector<16xi32>
      %unique3A_604, %unique3A_605 = tpu.scan_count mask(%lt3A_573 : vector<16xi1>) value(%get3A_501 : vector<16xi32>) : vector<16xi1>, vector<16xi32>
      %unique3A_606, %unique3A_607 = tpu.scan_count mask(%lt3A_575 : vector<16xi1>) value(%get3A_507 : vector<16xi32>) : vector<16xi1>, vector<16xi32>
      %unique3A_608, %unique3A_609 = tpu.scan_count mask(%lt3A_577 : vector<16xi1>) value(%get3A_513 : vector<16xi32>) : vector<16xi1>, vector<16xi32>
      %and3A_610 = arith.andi %lt3A_547, %unique3A_578 : vector<16xi1>
      %jit3A_611 = arith.constant 0 : i32
      %broadcast_in_dim3A_612 = vector.broadcast %jit3A_611 : i32 to vector<16xi32>
      %select_n3A_613 = arith.select %and3A_610, %sub3A_515, %broadcast_in_dim3A_612 : vector<16xi1>, vector<16xi32>
      %add3A_614 = arith.constant 16 : i32
      %add3A_615 = arith.addi %mul3A_68, %add3A_614 : i32
      %mul3A_616 = arith.constant 16 : i32
      %mul3A_617 = arith.muli %add3A_615, %mul3A_616 : i32
      %add3A_618 = vector.broadcast %mul3A_617 : i32 to vector<16xi32>
      %add3A_619 = arith.addi %add3A_618, %iota3A : vector<16xi32>
      tpu.vector_store_idx %arg7[%select_n3A_613], %add3A_619 masked %and3A_610 : memref<3136xi32, #tpu.memory_space<vmem>>[vector<16xi32>], vector<16xi32>, vector<16xi1>
      %and3A_620 = arith.andi %lt3A_549, %unique3A_580 : vector<16xi1>
      %jit3A_621 = arith.constant 0 : i32
      %broadcast_in_dim3A_622 = vector.broadcast %jit3A_621 : i32 to vector<16xi32>
      %select_n3A_623 = arith.select %and3A_620, %sub3A_517, %broadcast_in_dim3A_622 : vector<16xi1>, vector<16xi32>
      %add3A_624 = arith.constant 17 : i32
      %add3A_625 = arith.addi %mul3A_68, %add3A_624 : i32
      %mul3A_626 = arith.constant 16 : i32
      %mul3A_627 = arith.muli %add3A_625, %mul3A_626 : i32
      %add3A_628 = vector.broadcast %mul3A_627 : i32 to vector<16xi32>
      %add3A_629 = arith.addi %add3A_628, %iota3A : vector<16xi32>
      tpu.vector_store_idx %arg7[%select_n3A_623], %add3A_629 masked %and3A_620 : memref<3136xi32, #tpu.memory_space<vmem>>[vector<16xi32>], vector<16xi32>, vector<16xi1>
      %and3A_630 = arith.andi %lt3A_551, %unique3A_582 : vector<16xi1>
      %jit3A_631 = arith.constant 0 : i32
      %broadcast_in_dim3A_632 = vector.broadcast %jit3A_631 : i32 to vector<16xi32>
      %select_n3A_633 = arith.select %and3A_630, %sub3A_519, %broadcast_in_dim3A_632 : vector<16xi1>, vector<16xi32>
      %add3A_634 = arith.constant 18 : i32
      %add3A_635 = arith.addi %mul3A_68, %add3A_634 : i32
      %mul3A_636 = arith.constant 16 : i32
      %mul3A_637 = arith.muli %add3A_635, %mul3A_636 : i32
      %add3A_638 = vector.broadcast %mul3A_637 : i32 to vector<16xi32>
      %add3A_639 = arith.addi %add3A_638, %iota3A : vector<16xi32>
      tpu.vector_store_idx %arg7[%select_n3A_633], %add3A_639 masked %and3A_630 : memref<3136xi32, #tpu.memory_space<vmem>>[vector<16xi32>], vector<16xi32>, vector<16xi1>
      %and3A_640 = arith.andi %lt3A_553, %unique3A_584 : vector<16xi1>
      %jit3A_641 = arith.constant 0 : i32
      %broadcast_in_dim3A_642 = vector.broadcast %jit3A_641 : i32 to vector<16xi32>
      %select_n3A_643 = arith.select %and3A_640, %sub3A_521, %broadcast_in_dim3A_642 : vector<16xi1>, vector<16xi32>
      %add3A_644 = arith.constant 19 : i32
      %add3A_645 = arith.addi %mul3A_68, %add3A_644 : i32
      %mul3A_646 = arith.constant 16 : i32
      %mul3A_647 = arith.muli %add3A_645, %mul3A_646 : i32
      %add3A_648 = vector.broadcast %mul3A_647 : i32 to vector<16xi32>
      %add3A_649 = arith.addi %add3A_648, %iota3A : vector<16xi32>
      tpu.vector_store_idx %arg7[%select_n3A_643], %add3A_649 masked %and3A_640 : memref<3136xi32, #tpu.memory_space<vmem>>[vector<16xi32>], vector<16xi32>, vector<16xi1>
      %and3A_650 = arith.andi %lt3A_555, %unique3A_586 : vector<16xi1>
      %jit3A_651 = arith.constant 0 : i32
      %broadcast_in_dim3A_652 = vector.broadcast %jit3A_651 : i32 to vector<16xi32>
      %select_n3A_653 = arith.select %and3A_650, %sub3A_523, %broadcast_in_dim3A_652 : vector<16xi1>, vector<16xi32>
      %add3A_654 = arith.constant 20 : i32
      %add3A_655 = arith.addi %mul3A_68, %add3A_654 : i32
      %mul3A_656 = arith.constant 16 : i32
      %mul3A_657 = arith.muli %add3A_655, %mul3A_656 : i32
      %add3A_658 = vector.broadcast %mul3A_657 : i32 to vector<16xi32>
      %add3A_659 = arith.addi %add3A_658, %iota3A : vector<16xi32>
      tpu.vector_store_idx %arg7[%select_n3A_653], %add3A_659 masked %and3A_650 : memref<3136xi32, #tpu.memory_space<vmem>>[vector<16xi32>], vector<16xi32>, vector<16xi1>
      %and3A_660 = arith.andi %lt3A_557, %unique3A_588 : vector<16xi1>
      %jit3A_661 = arith.constant 0 : i32
      %broadcast_in_dim3A_662 = vector.broadcast %jit3A_661 : i32 to vector<16xi32>
      %select_n3A_663 = arith.select %and3A_660, %sub3A_525, %broadcast_in_dim3A_662 : vector<16xi1>, vector<16xi32>
      %add3A_664 = arith.constant 21 : i32
      %add3A_665 = arith.addi %mul3A_68, %add3A_664 : i32
      %mul3A_666 = arith.constant 16 : i32
      %mul3A_667 = arith.muli %add3A_665, %mul3A_666 : i32
      %add3A_668 = vector.broadcast %mul3A_667 : i32 to vector<16xi32>
      %add3A_669 = arith.addi %add3A_668, %iota3A : vector<16xi32>
      tpu.vector_store_idx %arg7[%select_n3A_663], %add3A_669 masked %and3A_660 : memref<3136xi32, #tpu.memory_space<vmem>>[vector<16xi32>], vector<16xi32>, vector<16xi1>
      %and3A_670 = arith.andi %lt3A_559, %unique3A_590 : vector<16xi1>
      %jit3A_671 = arith.constant 0 : i32
      %broadcast_in_dim3A_672 = vector.broadcast %jit3A_671 : i32 to vector<16xi32>
      %select_n3A_673 = arith.select %and3A_670, %sub3A_527, %broadcast_in_dim3A_672 : vector<16xi1>, vector<16xi32>
      %add3A_674 = arith.constant 22 : i32
      %add3A_675 = arith.addi %mul3A_68, %add3A_674 : i32
      %mul3A_676 = arith.constant 16 : i32
      %mul3A_677 = arith.muli %add3A_675, %mul3A_676 : i32
      %add3A_678 = vector.broadcast %mul3A_677 : i32 to vector<16xi32>
      %add3A_679 = arith.addi %add3A_678, %iota3A : vector<16xi32>
      tpu.vector_store_idx %arg7[%select_n3A_673], %add3A_679 masked %and3A_670 : memref<3136xi32, #tpu.memory_space<vmem>>[vector<16xi32>], vector<16xi32>, vector<16xi1>
      %and3A_680 = arith.andi %lt3A_561, %unique3A_592 : vector<16xi1>
      %jit3A_681 = arith.constant 0 : i32
      %broadcast_in_dim3A_682 = vector.broadcast %jit3A_681 : i32 to vector<16xi32>
      %select_n3A_683 = arith.select %and3A_680, %sub3A_529, %broadcast_in_dim3A_682 : vector<16xi1>, vector<16xi32>
      %add3A_684 = arith.constant 23 : i32
      %add3A_685 = arith.addi %mul3A_68, %add3A_684 : i32
      %mul3A_686 = arith.constant 16 : i32
      %mul3A_687 = arith.muli %add3A_685, %mul3A_686 : i32
      %add3A_688 = vector.broadcast %mul3A_687 : i32 to vector<16xi32>
      %add3A_689 = arith.addi %add3A_688, %iota3A : vector<16xi32>
      tpu.vector_store_idx %arg7[%select_n3A_683], %add3A_689 masked %and3A_680 : memref<3136xi32, #tpu.memory_space<vmem>>[vector<16xi32>], vector<16xi32>, vector<16xi1>
      %and3A_690 = arith.andi %lt3A_563, %unique3A_594 : vector<16xi1>
      %jit3A_691 = arith.constant 0 : i32
      %broadcast_in_dim3A_692 = vector.broadcast %jit3A_691 : i32 to vector<16xi32>
      %select_n3A_693 = arith.select %and3A_690, %sub3A_531, %broadcast_in_dim3A_692 : vector<16xi1>, vector<16xi32>
      %add3A_694 = arith.constant 24 : i32
      %add3A_695 = arith.addi %mul3A_68, %add3A_694 : i32
      %mul3A_696 = arith.constant 16 : i32
      %mul3A_697 = arith.muli %add3A_695, %mul3A_696 : i32
      %add3A_698 = vector.broadcast %mul3A_697 : i32 to vector<16xi32>
      %add3A_699 = arith.addi %add3A_698, %iota3A : vector<16xi32>
      tpu.vector_store_idx %arg7[%select_n3A_693], %add3A_699 masked %and3A_690 : memref<3136xi32, #tpu.memory_space<vmem>>[vector<16xi32>], vector<16xi32>, vector<16xi1>
      %and3A_700 = arith.andi %lt3A_565, %unique3A_596 : vector<16xi1>
      %jit3A_701 = arith.constant 0 : i32
      %broadcast_in_dim3A_702 = vector.broadcast %jit3A_701 : i32 to vector<16xi32>
      %select_n3A_703 = arith.select %and3A_700, %sub3A_533, %broadcast_in_dim3A_702 : vector<16xi1>, vector<16xi32>
      %add3A_704 = arith.constant 25 : i32
      %add3A_705 = arith.addi %mul3A_68, %add3A_704 : i32
      %mul3A_706 = arith.constant 16 : i32
      %mul3A_707 = arith.muli %add3A_705, %mul3A_706 : i32
      %add3A_708 = vector.broadcast %mul3A_707 : i32 to vector<16xi32>
      %add3A_709 = arith.addi %add3A_708, %iota3A : vector<16xi32>
      tpu.vector_store_idx %arg7[%select_n3A_703], %add3A_709 masked %and3A_700 : memref<3136xi32, #tpu.memory_space<vmem>>[vector<16xi32>], vector<16xi32>, vector<16xi1>
      %and3A_710 = arith.andi %lt3A_567, %unique3A_598 : vector<16xi1>
      %jit3A_711 = arith.constant 0 : i32
      %broadcast_in_dim3A_712 = vector.broadcast %jit3A_711 : i32 to vector<16xi32>
      %select_n3A_713 = arith.select %and3A_710, %sub3A_535, %broadcast_in_dim3A_712 : vector<16xi1>, vector<16xi32>
      %add3A_714 = arith.constant 26 : i32
      %add3A_715 = arith.addi %mul3A_68, %add3A_714 : i32
      %mul3A_716 = arith.constant 16 : i32
      %mul3A_717 = arith.muli %add3A_715, %mul3A_716 : i32
      %add3A_718 = vector.broadcast %mul3A_717 : i32 to vector<16xi32>
      %add3A_719 = arith.addi %add3A_718, %iota3A : vector<16xi32>
      tpu.vector_store_idx %arg7[%select_n3A_713], %add3A_719 masked %and3A_710 : memref<3136xi32, #tpu.memory_space<vmem>>[vector<16xi32>], vector<16xi32>, vector<16xi1>
      %and3A_720 = arith.andi %lt3A_569, %unique3A_600 : vector<16xi1>
      %jit3A_721 = arith.constant 0 : i32
      %broadcast_in_dim3A_722 = vector.broadcast %jit3A_721 : i32 to vector<16xi32>
      %select_n3A_723 = arith.select %and3A_720, %sub3A_537, %broadcast_in_dim3A_722 : vector<16xi1>, vector<16xi32>
      %add3A_724 = arith.constant 27 : i32
      %add3A_725 = arith.addi %mul3A_68, %add3A_724 : i32
      %mul3A_726 = arith.constant 16 : i32
      %mul3A_727 = arith.muli %add3A_725, %mul3A_726 : i32
      %add3A_728 = vector.broadcast %mul3A_727 : i32 to vector<16xi32>
      %add3A_729 = arith.addi %add3A_728, %iota3A : vector<16xi32>
      tpu.vector_store_idx %arg7[%select_n3A_723], %add3A_729 masked %and3A_720 : memref<3136xi32, #tpu.memory_space<vmem>>[vector<16xi32>], vector<16xi32>, vector<16xi1>
      %and3A_730 = arith.andi %lt3A_571, %unique3A_602 : vector<16xi1>
      %jit3A_731 = arith.constant 0 : i32
      %broadcast_in_dim3A_732 = vector.broadcast %jit3A_731 : i32 to vector<16xi32>
      %select_n3A_733 = arith.select %and3A_730, %sub3A_539, %broadcast_in_dim3A_732 : vector<16xi1>, vector<16xi32>
      %add3A_734 = arith.constant 28 : i32
      %add3A_735 = arith.addi %mul3A_68, %add3A_734 : i32
      %mul3A_736 = arith.constant 16 : i32
      %mul3A_737 = arith.muli %add3A_735, %mul3A_736 : i32
      %add3A_738 = vector.broadcast %mul3A_737 : i32 to vector<16xi32>
      %add3A_739 = arith.addi %add3A_738, %iota3A : vector<16xi32>
      tpu.vector_store_idx %arg7[%select_n3A_733], %add3A_739 masked %and3A_730 : memref<3136xi32, #tpu.memory_space<vmem>>[vector<16xi32>], vector<16xi32>, vector<16xi1>
      %and3A_740 = arith.andi %lt3A_573, %unique3A_604 : vector<16xi1>
      %jit3A_741 = arith.constant 0 : i32
      %broadcast_in_dim3A_742 = vector.broadcast %jit3A_741 : i32 to vector<16xi32>
      %select_n3A_743 = arith.select %and3A_740, %sub3A_541, %broadcast_in_dim3A_742 : vector<16xi1>, vector<16xi32>
      %add3A_744 = arith.constant 29 : i32
      %add3A_745 = arith.addi %mul3A_68, %add3A_744 : i32
      %mul3A_746 = arith.constant 16 : i32
      %mul3A_747 = arith.muli %add3A_745, %mul3A_746 : i32
      %add3A_748 = vector.broadcast %mul3A_747 : i32 to vector<16xi32>
      %add3A_749 = arith.addi %add3A_748, %iota3A : vector<16xi32>
      tpu.vector_store_idx %arg7[%select_n3A_743], %add3A_749 masked %and3A_740 : memref<3136xi32, #tpu.memory_space<vmem>>[vector<16xi32>], vector<16xi32>, vector<16xi1>
      %and3A_750 = arith.andi %lt3A_575, %unique3A_606 : vector<16xi1>
      %jit3A_751 = arith.constant 0 : i32
      %broadcast_in_dim3A_752 = vector.broadcast %jit3A_751 : i32 to vector<16xi32>
      %select_n3A_753 = arith.select %and3A_750, %sub3A_543, %broadcast_in_dim3A_752 : vector<16xi1>, vector<16xi32>
      %add3A_754 = arith.constant 30 : i32
      %add3A_755 = arith.addi %mul3A_68, %add3A_754 : i32
      %mul3A_756 = arith.constant 16 : i32
      %mul3A_757 = arith.muli %add3A_755, %mul3A_756 : i32
      %add3A_758 = vector.broadcast %mul3A_757 : i32 to vector<16xi32>
      %add3A_759 = arith.addi %add3A_758, %iota3A : vector<16xi32>
      tpu.vector_store_idx %arg7[%select_n3A_753], %add3A_759 masked %and3A_750 : memref<3136xi32, #tpu.memory_space<vmem>>[vector<16xi32>], vector<16xi32>, vector<16xi1>
      %and3A_760 = arith.andi %lt3A_577, %unique3A_608 : vector<16xi1>
      %jit3A_761 = arith.constant 0 : i32
      %broadcast_in_dim3A_762 = vector.broadcast %jit3A_761 : i32 to vector<16xi32>
      %select_n3A_763 = arith.select %and3A_760, %sub3A_545, %broadcast_in_dim3A_762 : vector<16xi1>, vector<16xi32>
      %add3A_764 = arith.constant 31 : i32
      %add3A_765 = arith.addi %mul3A_68, %add3A_764 : i32
      %mul3A_766 = arith.constant 16 : i32
      %mul3A_767 = arith.muli %add3A_765, %mul3A_766 : i32
      %add3A_768 = vector.broadcast %mul3A_767 : i32 to vector<16xi32>
      %add3A_769 = arith.addi %add3A_768, %iota3A : vector<16xi32>
      tpu.vector_store_idx %arg7[%select_n3A_763], %add3A_769 masked %and3A_760 : memref<3136xi32, #tpu.memory_space<vmem>>[vector<16xi32>], vector<16xi32>, vector<16xi1>
      %add3A_770 = arith.constant 32 : i32
      %add3A_771 = arith.addi %mul3A_68, %add3A_770 : i32
      %mul3A_772 = arith.constant 16 : i32
      %mul3A_773 = arith.muli %add3A_771, %mul3A_772 : i32
      %get3A_774 = arith.index_cast %mul3A_773 : i32 to index
      %get3A_775 = tpu.vector_load %arg6[%get3A_774] {strides = array<i32>} : memref<16384xi32, #tpu.memory_space<vmem>>, vector<16xi32>,
      %add3A_776 = arith.constant 33 : i32
      %add3A_777 = arith.addi %mul3A_68, %add3A_776 : i32
      %mul3A_778 = arith.constant 16 : i32
      %mul3A_779 = arith.muli %add3A_777, %mul3A_778 : i32
      %get3A_780 = arith.index_cast %mul3A_779 : i32 to index
      %get3A_781 = tpu.vector_load %arg6[%get3A_780] {strides = array<i32>} : memref<16384xi32, #tpu.memory_space<vmem>>, vector<16xi32>,
      %add3A_782 = arith.constant 34 : i32
      %add3A_783 = arith.addi %mul3A_68, %add3A_782 : i32
      %mul3A_784 = arith.constant 16 : i32
      %mul3A_785 = arith.muli %add3A_783, %mul3A_784 : i32
      %get3A_786 = arith.index_cast %mul3A_785 : i32 to index
      %get3A_787 = tpu.vector_load %arg6[%get3A_786] {strides = array<i32>} : memref<16384xi32, #tpu.memory_space<vmem>>, vector<16xi32>,
      %add3A_788 = arith.constant 35 : i32
      %add3A_789 = arith.addi %mul3A_68, %add3A_788 : i32
      %mul3A_790 = arith.constant 16 : i32
      %mul3A_791 = arith.muli %add3A_789, %mul3A_790 : i32
      %get3A_792 = arith.index_cast %mul3A_791 : i32 to index
      %get3A_793 = tpu.vector_load %arg6[%get3A_792] {strides = array<i32>} : memref<16384xi32, #tpu.memory_space<vmem>>, vector<16xi32>,
      %add3A_794 = arith.constant 36 : i32
      %add3A_795 = arith.addi %mul3A_68, %add3A_794 : i32
      %mul3A_796 = arith.constant 16 : i32
      %mul3A_797 = arith.muli %add3A_795, %mul3A_796 : i32
      %get3A_798 = arith.index_cast %mul3A_797 : i32 to index
      %get3A_799 = tpu.vector_load %arg6[%get3A_798] {strides = array<i32>} : memref<16384xi32, #tpu.memory_space<vmem>>, vector<16xi32>,
      %add3A_800 = arith.constant 37 : i32
      %add3A_801 = arith.addi %mul3A_68, %add3A_800 : i32
      %mul3A_802 = arith.constant 16 : i32
      %mul3A_803 = arith.muli %add3A_801, %mul3A_802 : i32
      %get3A_804 = arith.index_cast %mul3A_803 : i32 to index
      %get3A_805 = tpu.vector_load %arg6[%get3A_804] {strides = array<i32>} : memref<16384xi32, #tpu.memory_space<vmem>>, vector<16xi32>,
      %add3A_806 = arith.constant 38 : i32
      %add3A_807 = arith.addi %mul3A_68, %add3A_806 : i32
      %mul3A_808 = arith.constant 16 : i32
      %mul3A_809 = arith.muli %add3A_807, %mul3A_808 : i32
      %get3A_810 = arith.index_cast %mul3A_809 : i32 to index
      %get3A_811 = tpu.vector_load %arg6[%get3A_810] {strides = array<i32>} : memref<16384xi32, #tpu.memory_space<vmem>>, vector<16xi32>,
      %add3A_812 = arith.constant 39 : i32
      %add3A_813 = arith.addi %mul3A_68, %add3A_812 : i32
      %mul3A_814 = arith.constant 16 : i32
      %mul3A_815 = arith.muli %add3A_813, %mul3A_814 : i32
      %get3A_816 = arith.index_cast %mul3A_815 : i32 to index
      %get3A_817 = tpu.vector_load %arg6[%get3A_816] {strides = array<i32>} : memref<16384xi32, #tpu.memory_space<vmem>>, vector<16xi32>,
      %add3A_818 = arith.constant 40 : i32
      %add3A_819 = arith.addi %mul3A_68, %add3A_818 : i32
      %mul3A_820 = arith.constant 16 : i32
      %mul3A_821 = arith.muli %add3A_819, %mul3A_820 : i32
      %get3A_822 = arith.index_cast %mul3A_821 : i32 to index
      %get3A_823 = tpu.vector_load %arg6[%get3A_822] {strides = array<i32>} : memref<16384xi32, #tpu.memory_space<vmem>>, vector<16xi32>,
      %add3A_824 = arith.constant 41 : i32
      %add3A_825 = arith.addi %mul3A_68, %add3A_824 : i32
      %mul3A_826 = arith.constant 16 : i32
      %mul3A_827 = arith.muli %add3A_825, %mul3A_826 : i32
      %get3A_828 = arith.index_cast %mul3A_827 : i32 to index
      %get3A_829 = tpu.vector_load %arg6[%get3A_828] {strides = array<i32>} : memref<16384xi32, #tpu.memory_space<vmem>>, vector<16xi32>,
      %add3A_830 = arith.constant 42 : i32
      %add3A_831 = arith.addi %mul3A_68, %add3A_830 : i32
      %mul3A_832 = arith.constant 16 : i32
      %mul3A_833 = arith.muli %add3A_831, %mul3A_832 : i32
      %get3A_834 = arith.index_cast %mul3A_833 : i32 to index
      %get3A_835 = tpu.vector_load %arg6[%get3A_834] {strides = array<i32>} : memref<16384xi32, #tpu.memory_space<vmem>>, vector<16xi32>,
      %add3A_836 = arith.constant 43 : i32
      %add3A_837 = arith.addi %mul3A_68, %add3A_836 : i32
      %mul3A_838 = arith.constant 16 : i32
      %mul3A_839 = arith.muli %add3A_837, %mul3A_838 : i32
      %get3A_840 = arith.index_cast %mul3A_839 : i32 to index
      %get3A_841 = tpu.vector_load %arg6[%get3A_840] {strides = array<i32>} : memref<16384xi32, #tpu.memory_space<vmem>>, vector<16xi32>,
      %add3A_842 = arith.constant 44 : i32
      %add3A_843 = arith.addi %mul3A_68, %add3A_842 : i32
      %mul3A_844 = arith.constant 16 : i32
      %mul3A_845 = arith.muli %add3A_843, %mul3A_844 : i32
      %get3A_846 = arith.index_cast %mul3A_845 : i32 to index
      %get3A_847 = tpu.vector_load %arg6[%get3A_846] {strides = array<i32>} : memref<16384xi32, #tpu.memory_space<vmem>>, vector<16xi32>,
      %add3A_848 = arith.constant 45 : i32
      %add3A_849 = arith.addi %mul3A_68, %add3A_848 : i32
      %mul3A_850 = arith.constant 16 : i32
      %mul3A_851 = arith.muli %add3A_849, %mul3A_850 : i32
      %get3A_852 = arith.index_cast %mul3A_851 : i32 to index
      %get3A_853 = tpu.vector_load %arg6[%get3A_852] {strides = array<i32>} : memref<16384xi32, #tpu.memory_space<vmem>>, vector<16xi32>,
      %add3A_854 = arith.constant 46 : i32
      %add3A_855 = arith.addi %mul3A_68, %add3A_854 : i32
      %mul3A_856 = arith.constant 16 : i32
      %mul3A_857 = arith.muli %add3A_855, %mul3A_856 : i32
      %get3A_858 = arith.index_cast %mul3A_857 : i32 to index
      %get3A_859 = tpu.vector_load %arg6[%get3A_858] {strides = array<i32>} : memref<16384xi32, #tpu.memory_space<vmem>>, vector<16xi32>,
      %add3A_860 = arith.constant 47 : i32
      %add3A_861 = arith.addi %mul3A_68, %add3A_860 : i32
      %mul3A_862 = arith.constant 16 : i32
      %mul3A_863 = arith.muli %add3A_861, %mul3A_862 : i32
      %get3A_864 = arith.index_cast %mul3A_863 : i32 to index
      %get3A_865 = tpu.vector_load %arg6[%get3A_864] {strides = array<i32>} : memref<16384xi32, #tpu.memory_space<vmem>>, vector<16xi32>,
      %sub3A_866 = vector.broadcast %mul3A_2 : i32 to vector<16xi32>
      %sub3A_867 = arith.subi %get3A_775, %sub3A_866 : vector<16xi32>
      %sub3A_868 = vector.broadcast %mul3A_2 : i32 to vector<16xi32>
      %sub3A_869 = arith.subi %get3A_781, %sub3A_868 : vector<16xi32>
      %sub3A_870 = vector.broadcast %mul3A_2 : i32 to vector<16xi32>
      %sub3A_871 = arith.subi %get3A_787, %sub3A_870 : vector<16xi32>
      %sub3A_872 = vector.broadcast %mul3A_2 : i32 to vector<16xi32>
      %sub3A_873 = arith.subi %get3A_793, %sub3A_872 : vector<16xi32>
      %sub3A_874 = vector.broadcast %mul3A_2 : i32 to vector<16xi32>
      %sub3A_875 = arith.subi %get3A_799, %sub3A_874 : vector<16xi32>
      %sub3A_876 = vector.broadcast %mul3A_2 : i32 to vector<16xi32>
      %sub3A_877 = arith.subi %get3A_805, %sub3A_876 : vector<16xi32>
      %sub3A_878 = vector.broadcast %mul3A_2 : i32 to vector<16xi32>
      %sub3A_879 = arith.subi %get3A_811, %sub3A_878 : vector<16xi32>
      %sub3A_880 = vector.broadcast %mul3A_2 : i32 to vector<16xi32>
      %sub3A_881 = arith.subi %get3A_817, %sub3A_880 : vector<16xi32>
      %sub3A_882 = vector.broadcast %mul3A_2 : i32 to vector<16xi32>
      %sub3A_883 = arith.subi %get3A_823, %sub3A_882 : vector<16xi32>
      %sub3A_884 = vector.broadcast %mul3A_2 : i32 to vector<16xi32>
      %sub3A_885 = arith.subi %get3A_829, %sub3A_884 : vector<16xi32>
      %sub3A_886 = vector.broadcast %mul3A_2 : i32 to vector<16xi32>
      %sub3A_887 = arith.subi %get3A_835, %sub3A_886 : vector<16xi32>
      %sub3A_888 = vector.broadcast %mul3A_2 : i32 to vector<16xi32>
      %sub3A_889 = arith.subi %get3A_841, %sub3A_888 : vector<16xi32>
      %sub3A_890 = vector.broadcast %mul3A_2 : i32 to vector<16xi32>
      %sub3A_891 = arith.subi %get3A_847, %sub3A_890 : vector<16xi32>
      %sub3A_892 = vector.broadcast %mul3A_2 : i32 to vector<16xi32>
      %sub3A_893 = arith.subi %get3A_853, %sub3A_892 : vector<16xi32>
      %sub3A_894 = vector.broadcast %mul3A_2 : i32 to vector<16xi32>
      %sub3A_895 = arith.subi %get3A_859, %sub3A_894 : vector<16xi32>
      %sub3A_896 = vector.broadcast %mul3A_2 : i32 to vector<16xi32>
      %sub3A_897 = arith.subi %get3A_865, %sub3A_896 : vector<16xi32>
      %lt3A_898 = vector.broadcast %select_n3A : i32 to vector<16xi32>
      %lt3A_899 = arith.cmpi ult, %sub3A_867, %lt3A_898 : vector<16xi32>
      %lt3A_900 = vector.broadcast %select_n3A : i32 to vector<16xi32>
      %lt3A_901 = arith.cmpi ult, %sub3A_869, %lt3A_900 : vector<16xi32>
      %lt3A_902 = vector.broadcast %select_n3A : i32 to vector<16xi32>
      %lt3A_903 = arith.cmpi ult, %sub3A_871, %lt3A_902 : vector<16xi32>
      %lt3A_904 = vector.broadcast %select_n3A : i32 to vector<16xi32>
      %lt3A_905 = arith.cmpi ult, %sub3A_873, %lt3A_904 : vector<16xi32>
      %lt3A_906 = vector.broadcast %select_n3A : i32 to vector<16xi32>
      %lt3A_907 = arith.cmpi ult, %sub3A_875, %lt3A_906 : vector<16xi32>
      %lt3A_908 = vector.broadcast %select_n3A : i32 to vector<16xi32>
      %lt3A_909 = arith.cmpi ult, %sub3A_877, %lt3A_908 : vector<16xi32>
      %lt3A_910 = vector.broadcast %select_n3A : i32 to vector<16xi32>
      %lt3A_911 = arith.cmpi ult, %sub3A_879, %lt3A_910 : vector<16xi32>
      %lt3A_912 = vector.broadcast %select_n3A : i32 to vector<16xi32>
      %lt3A_913 = arith.cmpi ult, %sub3A_881, %lt3A_912 : vector<16xi32>
      %lt3A_914 = vector.broadcast %select_n3A : i32 to vector<16xi32>
      %lt3A_915 = arith.cmpi ult, %sub3A_883, %lt3A_914 : vector<16xi32>
      %lt3A_916 = vector.broadcast %select_n3A : i32 to vector<16xi32>
      %lt3A_917 = arith.cmpi ult, %sub3A_885, %lt3A_916 : vector<16xi32>
      %lt3A_918 = vector.broadcast %select_n3A : i32 to vector<16xi32>
      %lt3A_919 = arith.cmpi ult, %sub3A_887, %lt3A_918 : vector<16xi32>
      %lt3A_920 = vector.broadcast %select_n3A : i32 to vector<16xi32>
      %lt3A_921 = arith.cmpi ult, %sub3A_889, %lt3A_920 : vector<16xi32>
      %lt3A_922 = vector.broadcast %select_n3A : i32 to vector<16xi32>
      %lt3A_923 = arith.cmpi ult, %sub3A_891, %lt3A_922 : vector<16xi32>
      %lt3A_924 = vector.broadcast %select_n3A : i32 to vector<16xi32>
      %lt3A_925 = arith.cmpi ult, %sub3A_893, %lt3A_924 : vector<16xi32>
      %lt3A_926 = vector.broadcast %select_n3A : i32 to vector<16xi32>
      %lt3A_927 = arith.cmpi ult, %sub3A_895, %lt3A_926 : vector<16xi32>
      %lt3A_928 = vector.broadcast %select_n3A : i32 to vector<16xi32>
      %lt3A_929 = arith.cmpi ult, %sub3A_897, %lt3A_928 : vector<16xi32>
      %unique3A_930, %unique3A_931 = tpu.scan_count mask(%lt3A_899 : vector<16xi1>) value(%get3A_775 : vector<16xi32>) : vector<16xi1>, vector<16xi32>
      %unique3A_932, %unique3A_933 = tpu.scan_count mask(%lt3A_901 : vector<16xi1>) value(%get3A_781 : vector<16xi32>) : vector<16xi1>, vector<16xi32>
      %unique3A_934, %unique3A_935 = tpu.scan_count mask(%lt3A_903 : vector<16xi1>) value(%get3A_787 : vector<16xi32>) : vector<16xi1>, vector<16xi32>
      %unique3A_936, %unique3A_937 = tpu.scan_count mask(%lt3A_905 : vector<16xi1>) value(%get3A_793 : vector<16xi32>) : vector<16xi1>, vector<16xi32>
      %unique3A_938, %unique3A_939 = tpu.scan_count mask(%lt3A_907 : vector<16xi1>) value(%get3A_799 : vector<16xi32>) : vector<16xi1>, vector<16xi32>
      %unique3A_940, %unique3A_941 = tpu.scan_count mask(%lt3A_909 : vector<16xi1>) value(%get3A_805 : vector<16xi32>) : vector<16xi1>, vector<16xi32>
      %unique3A_942, %unique3A_943 = tpu.scan_count mask(%lt3A_911 : vector<16xi1>) value(%get3A_811 : vector<16xi32>) : vector<16xi1>, vector<16xi32>
      %unique3A_944, %unique3A_945 = tpu.scan_count mask(%lt3A_913 : vector<16xi1>) value(%get3A_817 : vector<16xi32>) : vector<16xi1>, vector<16xi32>
      %unique3A_946, %unique3A_947 = tpu.scan_count mask(%lt3A_915 : vector<16xi1>) value(%get3A_823 : vector<16xi32>) : vector<16xi1>, vector<16xi32>
      %unique3A_948, %unique3A_949 = tpu.scan_count mask(%lt3A_917 : vector<16xi1>) value(%get3A_829 : vector<16xi32>) : vector<16xi1>, vector<16xi32>
      %unique3A_950, %unique3A_951 = tpu.scan_count mask(%lt3A_919 : vector<16xi1>) value(%get3A_835 : vector<16xi32>) : vector<16xi1>, vector<16xi32>
      %unique3A_952, %unique3A_953 = tpu.scan_count mask(%lt3A_921 : vector<16xi1>) value(%get3A_841 : vector<16xi32>) : vector<16xi1>, vector<16xi32>
      %unique3A_954, %unique3A_955 = tpu.scan_count mask(%lt3A_923 : vector<16xi1>) value(%get3A_847 : vector<16xi32>) : vector<16xi1>, vector<16xi32>
      %unique3A_956, %unique3A_957 = tpu.scan_count mask(%lt3A_925 : vector<16xi1>) value(%get3A_853 : vector<16xi32>) : vector<16xi1>, vector<16xi32>
      %unique3A_958, %unique3A_959 = tpu.scan_count mask(%lt3A_927 : vector<16xi1>) value(%get3A_859 : vector<16xi32>) : vector<16xi1>, vector<16xi32>
      %unique3A_960, %unique3A_961 = tpu.scan_count mask(%lt3A_929 : vector<16xi1>) value(%get3A_865 : vector<16xi32>) : vector<16xi1>, vector<16xi32>
      %and3A_962 = arith.andi %lt3A_899, %unique3A_930 : vector<16xi1>
      %jit3A_963 = arith.constant 0 : i32
      %broadcast_in_dim3A_964 = vector.broadcast %jit3A_963 : i32 to vector<16xi32>
      %select_n3A_965 = arith.select %and3A_962, %sub3A_867, %broadcast_in_dim3A_964 : vector<16xi1>, vector<16xi32>
      %add3A_966 = arith.constant 32 : i32
      %add3A_967 = arith.addi %mul3A_68, %add3A_966 : i32
      %mul3A_968 = arith.constant 16 : i32
      %mul3A_969 = arith.muli %add3A_967, %mul3A_968 : i32
      %add3A_970 = vector.broadcast %mul3A_969 : i32 to vector<16xi32>
      %add3A_971 = arith.addi %add3A_970, %iota3A : vector<16xi32>
      tpu.vector_store_idx %arg7[%select_n3A_965], %add3A_971 masked %and3A_962 : memref<3136xi32, #tpu.memory_space<vmem>>[vector<16xi32>], vector<16xi32>, vector<16xi1>
      %and3A_972 = arith.andi %lt3A_901, %unique3A_932 : vector<16xi1>
      %jit3A_973 = arith.constant 0 : i32
      %broadcast_in_dim3A_974 = vector.broadcast %jit3A_973 : i32 to vector<16xi32>
      %select_n3A_975 = arith.select %and3A_972, %sub3A_869, %broadcast_in_dim3A_974 : vector<16xi1>, vector<16xi32>
      %add3A_976 = arith.constant 33 : i32
      %add3A_977 = arith.addi %mul3A_68, %add3A_976 : i32
      %mul3A_978 = arith.constant 16 : i32
      %mul3A_979 = arith.muli %add3A_977, %mul3A_978 : i32
      %add3A_980 = vector.broadcast %mul3A_979 : i32 to vector<16xi32>
      %add3A_981 = arith.addi %add3A_980, %iota3A : vector<16xi32>
      tpu.vector_store_idx %arg7[%select_n3A_975], %add3A_981 masked %and3A_972 : memref<3136xi32, #tpu.memory_space<vmem>>[vector<16xi32>], vector<16xi32>, vector<16xi1>
      %and3A_982 = arith.andi %lt3A_903, %unique3A_934 : vector<16xi1>
      %jit3A_983 = arith.constant 0 : i32
      %broadcast_in_dim3A_984 = vector.broadcast %jit3A_983 : i32 to vector<16xi32>
      %select_n3A_985 = arith.select %and3A_982, %sub3A_871, %broadcast_in_dim3A_984 : vector<16xi1>, vector<16xi32>
      %add3A_986 = arith.constant 34 : i32
      %add3A_987 = arith.addi %mul3A_68, %add3A_986 : i32
      %mul3A_988 = arith.constant 16 : i32
      %mul3A_989 = arith.muli %add3A_987, %mul3A_988 : i32
      %add3A_990 = vector.broadcast %mul3A_989 : i32 to vector<16xi32>
      %add3A_991 = arith.addi %add3A_990, %iota3A : vector<16xi32>
      tpu.vector_store_idx %arg7[%select_n3A_985], %add3A_991 masked %and3A_982 : memref<3136xi32, #tpu.memory_space<vmem>>[vector<16xi32>], vector<16xi32>, vector<16xi1>
      %and3A_992 = arith.andi %lt3A_905, %unique3A_936 : vector<16xi1>
      %jit3A_993 = arith.constant 0 : i32
      %broadcast_in_dim3A_994 = vector.broadcast %jit3A_993 : i32 to vector<16xi32>
      %select_n3A_995 = arith.select %and3A_992, %sub3A_873, %broadcast_in_dim3A_994 : vector<16xi1>, vector<16xi32>
      %add3A_996 = arith.constant 35 : i32
      %add3A_997 = arith.addi %mul3A_68, %add3A_996 : i32
      %mul3A_998 = arith.constant 16 : i32
      %mul3A_999 = arith.muli %add3A_997, %mul3A_998 : i32
      %add3A_1000 = vector.broadcast %mul3A_999 : i32 to vector<16xi32>
      %add3A_1001 = arith.addi %add3A_1000, %iota3A : vector<16xi32>
      tpu.vector_store_idx %arg7[%select_n3A_995], %add3A_1001 masked %and3A_992 : memref<3136xi32, #tpu.memory_space<vmem>>[vector<16xi32>], vector<16xi32>, vector<16xi1>
      %and3A_1002 = arith.andi %lt3A_907, %unique3A_938 : vector<16xi1>
      %jit3A_1003 = arith.constant 0 : i32
      %broadcast_in_dim3A_1004 = vector.broadcast %jit3A_1003 : i32 to vector<16xi32>
      %select_n3A_1005 = arith.select %and3A_1002, %sub3A_875, %broadcast_in_dim3A_1004 : vector<16xi1>, vector<16xi32>
      %add3A_1006 = arith.constant 36 : i32
      %add3A_1007 = arith.addi %mul3A_68, %add3A_1006 : i32
      %mul3A_1008 = arith.constant 16 : i32
      %mul3A_1009 = arith.muli %add3A_1007, %mul3A_1008 : i32
      %add3A_1010 = vector.broadcast %mul3A_1009 : i32 to vector<16xi32>
      %add3A_1011 = arith.addi %add3A_1010, %iota3A : vector<16xi32>
      tpu.vector_store_idx %arg7[%select_n3A_1005], %add3A_1011 masked %and3A_1002 : memref<3136xi32, #tpu.memory_space<vmem>>[vector<16xi32>], vector<16xi32>, vector<16xi1>
      %and3A_1012 = arith.andi %lt3A_909, %unique3A_940 : vector<16xi1>
      %jit3A_1013 = arith.constant 0 : i32
      %broadcast_in_dim3A_1014 = vector.broadcast %jit3A_1013 : i32 to vector<16xi32>
      %select_n3A_1015 = arith.select %and3A_1012, %sub3A_877, %broadcast_in_dim3A_1014 : vector<16xi1>, vector<16xi32>
      %add3A_1016 = arith.constant 37 : i32
      %add3A_1017 = arith.addi %mul3A_68, %add3A_1016 : i32
      %mul3A_1018 = arith.constant 16 : i32
      %mul3A_1019 = arith.muli %add3A_1017, %mul3A_1018 : i32
      %add3A_1020 = vector.broadcast %mul3A_1019 : i32 to vector<16xi32>
      %add3A_1021 = arith.addi %add3A_1020, %iota3A : vector<16xi32>
      tpu.vector_store_idx %arg7[%select_n3A_1015], %add3A_1021 masked %and3A_1012 : memref<3136xi32, #tpu.memory_space<vmem>>[vector<16xi32>], vector<16xi32>, vector<16xi1>
      %and3A_1022 = arith.andi %lt3A_911, %unique3A_942 : vector<16xi1>
      %jit3A_1023 = arith.constant 0 : i32
      %broadcast_in_dim3A_1024 = vector.broadcast %jit3A_1023 : i32 to vector<16xi32>
      %select_n3A_1025 = arith.select %and3A_1022, %sub3A_879, %broadcast_in_dim3A_1024 : vector<16xi1>, vector<16xi32>
      %add3A_1026 = arith.constant 38 : i32
      %add3A_1027 = arith.addi %mul3A_68, %add3A_1026 : i32
      %mul3A_1028 = arith.constant 16 : i32
      %mul3A_1029 = arith.muli %add3A_1027, %mul3A_1028 : i32
      %add3A_1030 = vector.broadcast %mul3A_1029 : i32 to vector<16xi32>
      %add3A_1031 = arith.addi %add3A_1030, %iota3A : vector<16xi32>
      tpu.vector_store_idx %arg7[%select_n3A_1025], %add3A_1031 masked %and3A_1022 : memref<3136xi32, #tpu.memory_space<vmem>>[vector<16xi32>], vector<16xi32>, vector<16xi1>
      %and3A_1032 = arith.andi %lt3A_913, %unique3A_944 : vector<16xi1>
      %jit3A_1033 = arith.constant 0 : i32
      %broadcast_in_dim3A_1034 = vector.broadcast %jit3A_1033 : i32 to vector<16xi32>
      %select_n3A_1035 = arith.select %and3A_1032, %sub3A_881, %broadcast_in_dim3A_1034 : vector<16xi1>, vector<16xi32>
      %add3A_1036 = arith.constant 39 : i32
      %add3A_1037 = arith.addi %mul3A_68, %add3A_1036 : i32
      %mul3A_1038 = arith.constant 16 : i32
      %mul3A_1039 = arith.muli %add3A_1037, %mul3A_1038 : i32
      %add3A_1040 = vector.broadcast %mul3A_1039 : i32 to vector<16xi32>
      %add3A_1041 = arith.addi %add3A_1040, %iota3A : vector<16xi32>
      tpu.vector_store_idx %arg7[%select_n3A_1035], %add3A_1041 masked %and3A_1032 : memref<3136xi32, #tpu.memory_space<vmem>>[vector<16xi32>], vector<16xi32>, vector<16xi1>
      %and3A_1042 = arith.andi %lt3A_915, %unique3A_946 : vector<16xi1>
      %jit3A_1043 = arith.constant 0 : i32
      %broadcast_in_dim3A_1044 = vector.broadcast %jit3A_1043 : i32 to vector<16xi32>
      %select_n3A_1045 = arith.select %and3A_1042, %sub3A_883, %broadcast_in_dim3A_1044 : vector<16xi1>, vector<16xi32>
      %add3A_1046 = arith.constant 40 : i32
      %add3A_1047 = arith.addi %mul3A_68, %add3A_1046 : i32
      %mul3A_1048 = arith.constant 16 : i32
      %mul3A_1049 = arith.muli %add3A_1047, %mul3A_1048 : i32
      %add3A_1050 = vector.broadcast %mul3A_1049 : i32 to vector<16xi32>
      %add3A_1051 = arith.addi %add3A_1050, %iota3A : vector<16xi32>
      tpu.vector_store_idx %arg7[%select_n3A_1045], %add3A_1051 masked %and3A_1042 : memref<3136xi32, #tpu.memory_space<vmem>>[vector<16xi32>], vector<16xi32>, vector<16xi1>
      %and3A_1052 = arith.andi %lt3A_917, %unique3A_948 : vector<16xi1>
      %jit3A_1053 = arith.constant 0 : i32
      %broadcast_in_dim3A_1054 = vector.broadcast %jit3A_1053 : i32 to vector<16xi32>
      %select_n3A_1055 = arith.select %and3A_1052, %sub3A_885, %broadcast_in_dim3A_1054 : vector<16xi1>, vector<16xi32>
      %add3A_1056 = arith.constant 41 : i32
      %add3A_1057 = arith.addi %mul3A_68, %add3A_1056 : i32
      %mul3A_1058 = arith.constant 16 : i32
      %mul3A_1059 = arith.muli %add3A_1057, %mul3A_1058 : i32
      %add3A_1060 = vector.broadcast %mul3A_1059 : i32 to vector<16xi32>
      %add3A_1061 = arith.addi %add3A_1060, %iota3A : vector<16xi32>
      tpu.vector_store_idx %arg7[%select_n3A_1055], %add3A_1061 masked %and3A_1052 : memref<3136xi32, #tpu.memory_space<vmem>>[vector<16xi32>], vector<16xi32>, vector<16xi1>
      %and3A_1062 = arith.andi %lt3A_919, %unique3A_950 : vector<16xi1>
      %jit3A_1063 = arith.constant 0 : i32
      %broadcast_in_dim3A_1064 = vector.broadcast %jit3A_1063 : i32 to vector<16xi32>
      %select_n3A_1065 = arith.select %and3A_1062, %sub3A_887, %broadcast_in_dim3A_1064 : vector<16xi1>, vector<16xi32>
      %add3A_1066 = arith.constant 42 : i32
      %add3A_1067 = arith.addi %mul3A_68, %add3A_1066 : i32
      %mul3A_1068 = arith.constant 16 : i32
      %mul3A_1069 = arith.muli %add3A_1067, %mul3A_1068 : i32
      %add3A_1070 = vector.broadcast %mul3A_1069 : i32 to vector<16xi32>
      %add3A_1071 = arith.addi %add3A_1070, %iota3A : vector<16xi32>
      tpu.vector_store_idx %arg7[%select_n3A_1065], %add3A_1071 masked %and3A_1062 : memref<3136xi32, #tpu.memory_space<vmem>>[vector<16xi32>], vector<16xi32>, vector<16xi1>
      %and3A_1072 = arith.andi %lt3A_921, %unique3A_952 : vector<16xi1>
      %jit3A_1073 = arith.constant 0 : i32
      %broadcast_in_dim3A_1074 = vector.broadcast %jit3A_1073 : i32 to vector<16xi32>
      %select_n3A_1075 = arith.select %and3A_1072, %sub3A_889, %broadcast_in_dim3A_1074 : vector<16xi1>, vector<16xi32>
      %add3A_1076 = arith.constant 43 : i32
      %add3A_1077 = arith.addi %mul3A_68, %add3A_1076 : i32
      %mul3A_1078 = arith.constant 16 : i32
      %mul3A_1079 = arith.muli %add3A_1077, %mul3A_1078 : i32
      %add3A_1080 = vector.broadcast %mul3A_1079 : i32 to vector<16xi32>
      %add3A_1081 = arith.addi %add3A_1080, %iota3A : vector<16xi32>
      tpu.vector_store_idx %arg7[%select_n3A_1075], %add3A_1081 masked %and3A_1072 : memref<3136xi32, #tpu.memory_space<vmem>>[vector<16xi32>], vector<16xi32>, vector<16xi1>
      %and3A_1082 = arith.andi %lt3A_923, %unique3A_954 : vector<16xi1>
      %jit3A_1083 = arith.constant 0 : i32
      %broadcast_in_dim3A_1084 = vector.broadcast %jit3A_1083 : i32 to vector<16xi32>
      %select_n3A_1085 = arith.select %and3A_1082, %sub3A_891, %broadcast_in_dim3A_1084 : vector<16xi1>, vector<16xi32>
      %add3A_1086 = arith.constant 44 : i32
      %add3A_1087 = arith.addi %mul3A_68, %add3A_1086 : i32
      %mul3A_1088 = arith.constant 16 : i32
      %mul3A_1089 = arith.muli %add3A_1087, %mul3A_1088 : i32
      %add3A_1090 = vector.broadcast %mul3A_1089 : i32 to vector<16xi32>
      %add3A_1091 = arith.addi %add3A_1090, %iota3A : vector<16xi32>
      tpu.vector_store_idx %arg7[%select_n3A_1085], %add3A_1091 masked %and3A_1082 : memref<3136xi32, #tpu.memory_space<vmem>>[vector<16xi32>], vector<16xi32>, vector<16xi1>
      %and3A_1092 = arith.andi %lt3A_925, %unique3A_956 : vector<16xi1>
      %jit3A_1093 = arith.constant 0 : i32
      %broadcast_in_dim3A_1094 = vector.broadcast %jit3A_1093 : i32 to vector<16xi32>
      %select_n3A_1095 = arith.select %and3A_1092, %sub3A_893, %broadcast_in_dim3A_1094 : vector<16xi1>, vector<16xi32>
      %add3A_1096 = arith.constant 45 : i32
      %add3A_1097 = arith.addi %mul3A_68, %add3A_1096 : i32
      %mul3A_1098 = arith.constant 16 : i32
      %mul3A_1099 = arith.muli %add3A_1097, %mul3A_1098 : i32
      %add3A_1100 = vector.broadcast %mul3A_1099 : i32 to vector<16xi32>
      %add3A_1101 = arith.addi %add3A_1100, %iota3A : vector<16xi32>
      tpu.vector_store_idx %arg7[%select_n3A_1095], %add3A_1101 masked %and3A_1092 : memref<3136xi32, #tpu.memory_space<vmem>>[vector<16xi32>], vector<16xi32>, vector<16xi1>
      %and3A_1102 = arith.andi %lt3A_927, %unique3A_958 : vector<16xi1>
      %jit3A_1103 = arith.constant 0 : i32
      %broadcast_in_dim3A_1104 = vector.broadcast %jit3A_1103 : i32 to vector<16xi32>
      %select_n3A_1105 = arith.select %and3A_1102, %sub3A_895, %broadcast_in_dim3A_1104 : vector<16xi1>, vector<16xi32>
      %add3A_1106 = arith.constant 46 : i32
      %add3A_1107 = arith.addi %mul3A_68, %add3A_1106 : i32
      %mul3A_1108 = arith.constant 16 : i32
      %mul3A_1109 = arith.muli %add3A_1107, %mul3A_1108 : i32
      %add3A_1110 = vector.broadcast %mul3A_1109 : i32 to vector<16xi32>
      %add3A_1111 = arith.addi %add3A_1110, %iota3A : vector<16xi32>
      tpu.vector_store_idx %arg7[%select_n3A_1105], %add3A_1111 masked %and3A_1102 : memref<3136xi32, #tpu.memory_space<vmem>>[vector<16xi32>], vector<16xi32>, vector<16xi1>
      %and3A_1112 = arith.andi %lt3A_929, %unique3A_960 : vector<16xi1>
      %jit3A_1113 = arith.constant 0 : i32
      %broadcast_in_dim3A_1114 = vector.broadcast %jit3A_1113 : i32 to vector<16xi32>
      %select_n3A_1115 = arith.select %and3A_1112, %sub3A_897, %broadcast_in_dim3A_1114 : vector<16xi1>, vector<16xi32>
      %add3A_1116 = arith.constant 47 : i32
      %add3A_1117 = arith.addi %mul3A_68, %add3A_1116 : i32
      %mul3A_1118 = arith.constant 16 : i32
      %mul3A_1119 = arith.muli %add3A_1117, %mul3A_1118 : i32
      %add3A_1120 = vector.broadcast %mul3A_1119 : i32 to vector<16xi32>
      %add3A_1121 = arith.addi %add3A_1120, %iota3A : vector<16xi32>
      tpu.vector_store_idx %arg7[%select_n3A_1115], %add3A_1121 masked %and3A_1112 : memref<3136xi32, #tpu.memory_space<vmem>>[vector<16xi32>], vector<16xi32>, vector<16xi1>
      %add3A_1122 = arith.constant 48 : i32
      %add3A_1123 = arith.addi %mul3A_68, %add3A_1122 : i32
      %mul3A_1124 = arith.constant 16 : i32
      %mul3A_1125 = arith.muli %add3A_1123, %mul3A_1124 : i32
      %get3A_1126 = arith.index_cast %mul3A_1125 : i32 to index
      %get3A_1127 = tpu.vector_load %arg6[%get3A_1126] {strides = array<i32>} : memref<16384xi32, #tpu.memory_space<vmem>>, vector<16xi32>,
      %add3A_1128 = arith.constant 49 : i32
      %add3A_1129 = arith.addi %mul3A_68, %add3A_1128 : i32
      %mul3A_1130 = arith.constant 16 : i32
      %mul3A_1131 = arith.muli %add3A_1129, %mul3A_1130 : i32
      %get3A_1132 = arith.index_cast %mul3A_1131 : i32 to index
      %get3A_1133 = tpu.vector_load %arg6[%get3A_1132] {strides = array<i32>} : memref<16384xi32, #tpu.memory_space<vmem>>, vector<16xi32>,
      %add3A_1134 = arith.constant 50 : i32
      %add3A_1135 = arith.addi %mul3A_68, %add3A_1134 : i32
      %mul3A_1136 = arith.constant 16 : i32
      %mul3A_1137 = arith.muli %add3A_1135, %mul3A_1136 : i32
      %get3A_1138 = arith.index_cast %mul3A_1137 : i32 to index
      %get3A_1139 = tpu.vector_load %arg6[%get3A_1138] {strides = array<i32>} : memref<16384xi32, #tpu.memory_space<vmem>>, vector<16xi32>,
      %add3A_1140 = arith.constant 51 : i32
      %add3A_1141 = arith.addi %mul3A_68, %add3A_1140 : i32
      %mul3A_1142 = arith.constant 16 : i32
      %mul3A_1143 = arith.muli %add3A_1141, %mul3A_1142 : i32
      %get3A_1144 = arith.index_cast %mul3A_1143 : i32 to index
      %get3A_1145 = tpu.vector_load %arg6[%get3A_1144] {strides = array<i32>} : memref<16384xi32, #tpu.memory_space<vmem>>, vector<16xi32>,
      %add3A_1146 = arith.constant 52 : i32
      %add3A_1147 = arith.addi %mul3A_68, %add3A_1146 : i32
      %mul3A_1148 = arith.constant 16 : i32
      %mul3A_1149 = arith.muli %add3A_1147, %mul3A_1148 : i32
      %get3A_1150 = arith.index_cast %mul3A_1149 : i32 to index
      %get3A_1151 = tpu.vector_load %arg6[%get3A_1150] {strides = array<i32>} : memref<16384xi32, #tpu.memory_space<vmem>>, vector<16xi32>,
      %add3A_1152 = arith.constant 53 : i32
      %add3A_1153 = arith.addi %mul3A_68, %add3A_1152 : i32
      %mul3A_1154 = arith.constant 16 : i32
      %mul3A_1155 = arith.muli %add3A_1153, %mul3A_1154 : i32
      %get3A_1156 = arith.index_cast %mul3A_1155 : i32 to index
      %get3A_1157 = tpu.vector_load %arg6[%get3A_1156] {strides = array<i32>} : memref<16384xi32, #tpu.memory_space<vmem>>, vector<16xi32>,
      %add3A_1158 = arith.constant 54 : i32
      %add3A_1159 = arith.addi %mul3A_68, %add3A_1158 : i32
      %mul3A_1160 = arith.constant 16 : i32
      %mul3A_1161 = arith.muli %add3A_1159, %mul3A_1160 : i32
      %get3A_1162 = arith.index_cast %mul3A_1161 : i32 to index
      %get3A_1163 = tpu.vector_load %arg6[%get3A_1162] {strides = array<i32>} : memref<16384xi32, #tpu.memory_space<vmem>>, vector<16xi32>,
      %add3A_1164 = arith.constant 55 : i32
      %add3A_1165 = arith.addi %mul3A_68, %add3A_1164 : i32
      %mul3A_1166 = arith.constant 16 : i32
      %mul3A_1167 = arith.muli %add3A_1165, %mul3A_1166 : i32
      %get3A_1168 = arith.index_cast %mul3A_1167 : i32 to index
      %get3A_1169 = tpu.vector_load %arg6[%get3A_1168] {strides = array<i32>} : memref<16384xi32, #tpu.memory_space<vmem>>, vector<16xi32>,
      %add3A_1170 = arith.constant 56 : i32
      %add3A_1171 = arith.addi %mul3A_68, %add3A_1170 : i32
      %mul3A_1172 = arith.constant 16 : i32
      %mul3A_1173 = arith.muli %add3A_1171, %mul3A_1172 : i32
      %get3A_1174 = arith.index_cast %mul3A_1173 : i32 to index
      %get3A_1175 = tpu.vector_load %arg6[%get3A_1174] {strides = array<i32>} : memref<16384xi32, #tpu.memory_space<vmem>>, vector<16xi32>,
      %add3A_1176 = arith.constant 57 : i32
      %add3A_1177 = arith.addi %mul3A_68, %add3A_1176 : i32
      %mul3A_1178 = arith.constant 16 : i32
      %mul3A_1179 = arith.muli %add3A_1177, %mul3A_1178 : i32
      %get3A_1180 = arith.index_cast %mul3A_1179 : i32 to index
      %get3A_1181 = tpu.vector_load %arg6[%get3A_1180] {strides = array<i32>} : memref<16384xi32, #tpu.memory_space<vmem>>, vector<16xi32>,
      %add3A_1182 = arith.constant 58 : i32
      %add3A_1183 = arith.addi %mul3A_68, %add3A_1182 : i32
      %mul3A_1184 = arith.constant 16 : i32
      %mul3A_1185 = arith.muli %add3A_1183, %mul3A_1184 : i32
      %get3A_1186 = arith.index_cast %mul3A_1185 : i32 to index
      %get3A_1187 = tpu.vector_load %arg6[%get3A_1186] {strides = array<i32>} : memref<16384xi32, #tpu.memory_space<vmem>>, vector<16xi32>,
      %add3A_1188 = arith.constant 59 : i32
      %add3A_1189 = arith.addi %mul3A_68, %add3A_1188 : i32
      %mul3A_1190 = arith.constant 16 : i32
      %mul3A_1191 = arith.muli %add3A_1189, %mul3A_1190 : i32
      %get3A_1192 = arith.index_cast %mul3A_1191 : i32 to index
      %get3A_1193 = tpu.vector_load %arg6[%get3A_1192] {strides = array<i32>} : memref<16384xi32, #tpu.memory_space<vmem>>, vector<16xi32>,
      %add3A_1194 = arith.constant 60 : i32
      %add3A_1195 = arith.addi %mul3A_68, %add3A_1194 : i32
      %mul3A_1196 = arith.constant 16 : i32
      %mul3A_1197 = arith.muli %add3A_1195, %mul3A_1196 : i32
      %get3A_1198 = arith.index_cast %mul3A_1197 : i32 to index
      %get3A_1199 = tpu.vector_load %arg6[%get3A_1198] {strides = array<i32>} : memref<16384xi32, #tpu.memory_space<vmem>>, vector<16xi32>,
      %add3A_1200 = arith.constant 61 : i32
      %add3A_1201 = arith.addi %mul3A_68, %add3A_1200 : i32
      %mul3A_1202 = arith.constant 16 : i32
      %mul3A_1203 = arith.muli %add3A_1201, %mul3A_1202 : i32
      %get3A_1204 = arith.index_cast %mul3A_1203 : i32 to index
      %get3A_1205 = tpu.vector_load %arg6[%get3A_1204] {strides = array<i32>} : memref<16384xi32, #tpu.memory_space<vmem>>, vector<16xi32>,
      %add3A_1206 = arith.constant 62 : i32
      %add3A_1207 = arith.addi %mul3A_68, %add3A_1206 : i32
      %mul3A_1208 = arith.constant 16 : i32
      %mul3A_1209 = arith.muli %add3A_1207, %mul3A_1208 : i32
      %get3A_1210 = arith.index_cast %mul3A_1209 : i32 to index
      %get3A_1211 = tpu.vector_load %arg6[%get3A_1210] {strides = array<i32>} : memref<16384xi32, #tpu.memory_space<vmem>>, vector<16xi32>,
      %add3A_1212 = arith.constant 63 : i32
      %add3A_1213 = arith.addi %mul3A_68, %add3A_1212 : i32
      %mul3A_1214 = arith.constant 16 : i32
      %mul3A_1215 = arith.muli %add3A_1213, %mul3A_1214 : i32
      %get3A_1216 = arith.index_cast %mul3A_1215 : i32 to index
      %get3A_1217 = tpu.vector_load %arg6[%get3A_1216] {strides = array<i32>} : memref<16384xi32, #tpu.memory_space<vmem>>, vector<16xi32>,
      %sub3A_1218 = vector.broadcast %mul3A_2 : i32 to vector<16xi32>
      %sub3A_1219 = arith.subi %get3A_1127, %sub3A_1218 : vector<16xi32>
      %sub3A_1220 = vector.broadcast %mul3A_2 : i32 to vector<16xi32>
      %sub3A_1221 = arith.subi %get3A_1133, %sub3A_1220 : vector<16xi32>
      %sub3A_1222 = vector.broadcast %mul3A_2 : i32 to vector<16xi32>
      %sub3A_1223 = arith.subi %get3A_1139, %sub3A_1222 : vector<16xi32>
      %sub3A_1224 = vector.broadcast %mul3A_2 : i32 to vector<16xi32>
      %sub3A_1225 = arith.subi %get3A_1145, %sub3A_1224 : vector<16xi32>
      %sub3A_1226 = vector.broadcast %mul3A_2 : i32 to vector<16xi32>
      %sub3A_1227 = arith.subi %get3A_1151, %sub3A_1226 : vector<16xi32>
      %sub3A_1228 = vector.broadcast %mul3A_2 : i32 to vector<16xi32>
      %sub3A_1229 = arith.subi %get3A_1157, %sub3A_1228 : vector<16xi32>
      %sub3A_1230 = vector.broadcast %mul3A_2 : i32 to vector<16xi32>
      %sub3A_1231 = arith.subi %get3A_1163, %sub3A_1230 : vector<16xi32>
      %sub3A_1232 = vector.broadcast %mul3A_2 : i32 to vector<16xi32>
      %sub3A_1233 = arith.subi %get3A_1169, %sub3A_1232 : vector<16xi32>
      %sub3A_1234 = vector.broadcast %mul3A_2 : i32 to vector<16xi32>
      %sub3A_1235 = arith.subi %get3A_1175, %sub3A_1234 : vector<16xi32>
      %sub3A_1236 = vector.broadcast %mul3A_2 : i32 to vector<16xi32>
      %sub3A_1237 = arith.subi %get3A_1181, %sub3A_1236 : vector<16xi32>
      %sub3A_1238 = vector.broadcast %mul3A_2 : i32 to vector<16xi32>
      %sub3A_1239 = arith.subi %get3A_1187, %sub3A_1238 : vector<16xi32>
      %sub3A_1240 = vector.broadcast %mul3A_2 : i32 to vector<16xi32>
      %sub3A_1241 = arith.subi %get3A_1193, %sub3A_1240 : vector<16xi32>
      %sub3A_1242 = vector.broadcast %mul3A_2 : i32 to vector<16xi32>
      %sub3A_1243 = arith.subi %get3A_1199, %sub3A_1242 : vector<16xi32>
      %sub3A_1244 = vector.broadcast %mul3A_2 : i32 to vector<16xi32>
      %sub3A_1245 = arith.subi %get3A_1205, %sub3A_1244 : vector<16xi32>
      %sub3A_1246 = vector.broadcast %mul3A_2 : i32 to vector<16xi32>
      %sub3A_1247 = arith.subi %get3A_1211, %sub3A_1246 : vector<16xi32>
      %sub3A_1248 = vector.broadcast %mul3A_2 : i32 to vector<16xi32>
      %sub3A_1249 = arith.subi %get3A_1217, %sub3A_1248 : vector<16xi32>
      %lt3A_1250 = vector.broadcast %select_n3A : i32 to vector<16xi32>
      %lt3A_1251 = arith.cmpi ult, %sub3A_1219, %lt3A_1250 : vector<16xi32>
      %lt3A_1252 = vector.broadcast %select_n3A : i32 to vector<16xi32>
      %lt3A_1253 = arith.cmpi ult, %sub3A_1221, %lt3A_1252 : vector<16xi32>
      %lt3A_1254 = vector.broadcast %select_n3A : i32 to vector<16xi32>
      %lt3A_1255 = arith.cmpi ult, %sub3A_1223, %lt3A_1254 : vector<16xi32>
      %lt3A_1256 = vector.broadcast %select_n3A : i32 to vector<16xi32>
      %lt3A_1257 = arith.cmpi ult, %sub3A_1225, %lt3A_1256 : vector<16xi32>
      %lt3A_1258 = vector.broadcast %select_n3A : i32 to vector<16xi32>
      %lt3A_1259 = arith.cmpi ult, %sub3A_1227, %lt3A_1258 : vector<16xi32>
      %lt3A_1260 = vector.broadcast %select_n3A : i32 to vector<16xi32>
      %lt3A_1261 = arith.cmpi ult, %sub3A_1229, %lt3A_1260 : vector<16xi32>
      %lt3A_1262 = vector.broadcast %select_n3A : i32 to vector<16xi32>
      %lt3A_1263 = arith.cmpi ult, %sub3A_1231, %lt3A_1262 : vector<16xi32>
      %lt3A_1264 = vector.broadcast %select_n3A : i32 to vector<16xi32>
      %lt3A_1265 = arith.cmpi ult, %sub3A_1233, %lt3A_1264 : vector<16xi32>
      %lt3A_1266 = vector.broadcast %select_n3A : i32 to vector<16xi32>
      %lt3A_1267 = arith.cmpi ult, %sub3A_1235, %lt3A_1266 : vector<16xi32>
      %lt3A_1268 = vector.broadcast %select_n3A : i32 to vector<16xi32>
      %lt3A_1269 = arith.cmpi ult, %sub3A_1237, %lt3A_1268 : vector<16xi32>
      %lt3A_1270 = vector.broadcast %select_n3A : i32 to vector<16xi32>
      %lt3A_1271 = arith.cmpi ult, %sub3A_1239, %lt3A_1270 : vector<16xi32>
      %lt3A_1272 = vector.broadcast %select_n3A : i32 to vector<16xi32>
      %lt3A_1273 = arith.cmpi ult, %sub3A_1241, %lt3A_1272 : vector<16xi32>
      %lt3A_1274 = vector.broadcast %select_n3A : i32 to vector<16xi32>
      %lt3A_1275 = arith.cmpi ult, %sub3A_1243, %lt3A_1274 : vector<16xi32>
      %lt3A_1276 = vector.broadcast %select_n3A : i32 to vector<16xi32>
      %lt3A_1277 = arith.cmpi ult, %sub3A_1245, %lt3A_1276 : vector<16xi32>
      %lt3A_1278 = vector.broadcast %select_n3A : i32 to vector<16xi32>
      %lt3A_1279 = arith.cmpi ult, %sub3A_1247, %lt3A_1278 : vector<16xi32>
      %lt3A_1280 = vector.broadcast %select_n3A : i32 to vector<16xi32>
      %lt3A_1281 = arith.cmpi ult, %sub3A_1249, %lt3A_1280 : vector<16xi32>
      %unique3A_1282, %unique3A_1283 = tpu.scan_count mask(%lt3A_1251 : vector<16xi1>) value(%get3A_1127 : vector<16xi32>) : vector<16xi1>, vector<16xi32>
      %unique3A_1284, %unique3A_1285 = tpu.scan_count mask(%lt3A_1253 : vector<16xi1>) value(%get3A_1133 : vector<16xi32>) : vector<16xi1>, vector<16xi32>
      %unique3A_1286, %unique3A_1287 = tpu.scan_count mask(%lt3A_1255 : vector<16xi1>) value(%get3A_1139 : vector<16xi32>) : vector<16xi1>, vector<16xi32>
      %unique3A_1288, %unique3A_1289 = tpu.scan_count mask(%lt3A_1257 : vector<16xi1>) value(%get3A_1145 : vector<16xi32>) : vector<16xi1>, vector<16xi32>
      %unique3A_1290, %unique3A_1291 = tpu.scan_count mask(%lt3A_1259 : vector<16xi1>) value(%get3A_1151 : vector<16xi32>) : vector<16xi1>, vector<16xi32>
      %unique3A_1292, %unique3A_1293 = tpu.scan_count mask(%lt3A_1261 : vector<16xi1>) value(%get3A_1157 : vector<16xi32>) : vector<16xi1>, vector<16xi32>
      %unique3A_1294, %unique3A_1295 = tpu.scan_count mask(%lt3A_1263 : vector<16xi1>) value(%get3A_1163 : vector<16xi32>) : vector<16xi1>, vector<16xi32>
      %unique3A_1296, %unique3A_1297 = tpu.scan_count mask(%lt3A_1265 : vector<16xi1>) value(%get3A_1169 : vector<16xi32>) : vector<16xi1>, vector<16xi32>
      %unique3A_1298, %unique3A_1299 = tpu.scan_count mask(%lt3A_1267 : vector<16xi1>) value(%get3A_1175 : vector<16xi32>) : vector<16xi1>, vector<16xi32>
      %unique3A_1300, %unique3A_1301 = tpu.scan_count mask(%lt3A_1269 : vector<16xi1>) value(%get3A_1181 : vector<16xi32>) : vector<16xi1>, vector<16xi32>
      %unique3A_1302, %unique3A_1303 = tpu.scan_count mask(%lt3A_1271 : vector<16xi1>) value(%get3A_1187 : vector<16xi32>) : vector<16xi1>, vector<16xi32>
      %unique3A_1304, %unique3A_1305 = tpu.scan_count mask(%lt3A_1273 : vector<16xi1>) value(%get3A_1193 : vector<16xi32>) : vector<16xi1>, vector<16xi32>
      %unique3A_1306, %unique3A_1307 = tpu.scan_count mask(%lt3A_1275 : vector<16xi1>) value(%get3A_1199 : vector<16xi32>) : vector<16xi1>, vector<16xi32>
      %unique3A_1308, %unique3A_1309 = tpu.scan_count mask(%lt3A_1277 : vector<16xi1>) value(%get3A_1205 : vector<16xi32>) : vector<16xi1>, vector<16xi32>
      %unique3A_1310, %unique3A_1311 = tpu.scan_count mask(%lt3A_1279 : vector<16xi1>) value(%get3A_1211 : vector<16xi32>) : vector<16xi1>, vector<16xi32>
      %unique3A_1312, %unique3A_1313 = tpu.scan_count mask(%lt3A_1281 : vector<16xi1>) value(%get3A_1217 : vector<16xi32>) : vector<16xi1>, vector<16xi32>
      %and3A_1314 = arith.andi %lt3A_1251, %unique3A_1282 : vector<16xi1>
      %jit3A_1315 = arith.constant 0 : i32
      %broadcast_in_dim3A_1316 = vector.broadcast %jit3A_1315 : i32 to vector<16xi32>
      %select_n3A_1317 = arith.select %and3A_1314, %sub3A_1219, %broadcast_in_dim3A_1316 : vector<16xi1>, vector<16xi32>
      %add3A_1318 = arith.constant 48 : i32
      %add3A_1319 = arith.addi %mul3A_68, %add3A_1318 : i32
      %mul3A_1320 = arith.constant 16 : i32
      %mul3A_1321 = arith.muli %add3A_1319, %mul3A_1320 : i32
      %add3A_1322 = vector.broadcast %mul3A_1321 : i32 to vector<16xi32>
      %add3A_1323 = arith.addi %add3A_1322, %iota3A : vector<16xi32>
      tpu.vector_store_idx %arg7[%select_n3A_1317], %add3A_1323 masked %and3A_1314 : memref<3136xi32, #tpu.memory_space<vmem>>[vector<16xi32>], vector<16xi32>, vector<16xi1>
      %and3A_1324 = arith.andi %lt3A_1253, %unique3A_1284 : vector<16xi1>
      %jit3A_1325 = arith.constant 0 : i32
      %broadcast_in_dim3A_1326 = vector.broadcast %jit3A_1325 : i32 to vector<16xi32>
      %select_n3A_1327 = arith.select %and3A_1324, %sub3A_1221, %broadcast_in_dim3A_1326 : vector<16xi1>, vector<16xi32>
      %add3A_1328 = arith.constant 49 : i32
      %add3A_1329 = arith.addi %mul3A_68, %add3A_1328 : i32
      %mul3A_1330 = arith.constant 16 : i32
      %mul3A_1331 = arith.muli %add3A_1329, %mul3A_1330 : i32
      %add3A_1332 = vector.broadcast %mul3A_1331 : i32 to vector<16xi32>
      %add3A_1333 = arith.addi %add3A_1332, %iota3A : vector<16xi32>
      tpu.vector_store_idx %arg7[%select_n3A_1327], %add3A_1333 masked %and3A_1324 : memref<3136xi32, #tpu.memory_space<vmem>>[vector<16xi32>], vector<16xi32>, vector<16xi1>
      %and3A_1334 = arith.andi %lt3A_1255, %unique3A_1286 : vector<16xi1>
      %jit3A_1335 = arith.constant 0 : i32
      %broadcast_in_dim3A_1336 = vector.broadcast %jit3A_1335 : i32 to vector<16xi32>
      %select_n3A_1337 = arith.select %and3A_1334, %sub3A_1223, %broadcast_in_dim3A_1336 : vector<16xi1>, vector<16xi32>
      %add3A_1338 = arith.constant 50 : i32
      %add3A_1339 = arith.addi %mul3A_68, %add3A_1338 : i32
      %mul3A_1340 = arith.constant 16 : i32
      %mul3A_1341 = arith.muli %add3A_1339, %mul3A_1340 : i32
      %add3A_1342 = vector.broadcast %mul3A_1341 : i32 to vector<16xi32>
      %add3A_1343 = arith.addi %add3A_1342, %iota3A : vector<16xi32>
      tpu.vector_store_idx %arg7[%select_n3A_1337], %add3A_1343 masked %and3A_1334 : memref<3136xi32, #tpu.memory_space<vmem>>[vector<16xi32>], vector<16xi32>, vector<16xi1>
      %and3A_1344 = arith.andi %lt3A_1257, %unique3A_1288 : vector<16xi1>
      %jit3A_1345 = arith.constant 0 : i32
      %broadcast_in_dim3A_1346 = vector.broadcast %jit3A_1345 : i32 to vector<16xi32>
      %select_n3A_1347 = arith.select %and3A_1344, %sub3A_1225, %broadcast_in_dim3A_1346 : vector<16xi1>, vector<16xi32>
      %add3A_1348 = arith.constant 51 : i32
      %add3A_1349 = arith.addi %mul3A_68, %add3A_1348 : i32
      %mul3A_1350 = arith.constant 16 : i32
      %mul3A_1351 = arith.muli %add3A_1349, %mul3A_1350 : i32
      %add3A_1352 = vector.broadcast %mul3A_1351 : i32 to vector<16xi32>
      %add3A_1353 = arith.addi %add3A_1352, %iota3A : vector<16xi32>
      tpu.vector_store_idx %arg7[%select_n3A_1347], %add3A_1353 masked %and3A_1344 : memref<3136xi32, #tpu.memory_space<vmem>>[vector<16xi32>], vector<16xi32>, vector<16xi1>
      %and3A_1354 = arith.andi %lt3A_1259, %unique3A_1290 : vector<16xi1>
      %jit3A_1355 = arith.constant 0 : i32
      %broadcast_in_dim3A_1356 = vector.broadcast %jit3A_1355 : i32 to vector<16xi32>
      %select_n3A_1357 = arith.select %and3A_1354, %sub3A_1227, %broadcast_in_dim3A_1356 : vector<16xi1>, vector<16xi32>
      %add3A_1358 = arith.constant 52 : i32
      %add3A_1359 = arith.addi %mul3A_68, %add3A_1358 : i32
      %mul3A_1360 = arith.constant 16 : i32
      %mul3A_1361 = arith.muli %add3A_1359, %mul3A_1360 : i32
      %add3A_1362 = vector.broadcast %mul3A_1361 : i32 to vector<16xi32>
      %add3A_1363 = arith.addi %add3A_1362, %iota3A : vector<16xi32>
      tpu.vector_store_idx %arg7[%select_n3A_1357], %add3A_1363 masked %and3A_1354 : memref<3136xi32, #tpu.memory_space<vmem>>[vector<16xi32>], vector<16xi32>, vector<16xi1>
      %and3A_1364 = arith.andi %lt3A_1261, %unique3A_1292 : vector<16xi1>
      %jit3A_1365 = arith.constant 0 : i32
      %broadcast_in_dim3A_1366 = vector.broadcast %jit3A_1365 : i32 to vector<16xi32>
      %select_n3A_1367 = arith.select %and3A_1364, %sub3A_1229, %broadcast_in_dim3A_1366 : vector<16xi1>, vector<16xi32>
      %add3A_1368 = arith.constant 53 : i32
      %add3A_1369 = arith.addi %mul3A_68, %add3A_1368 : i32
      %mul3A_1370 = arith.constant 16 : i32
      %mul3A_1371 = arith.muli %add3A_1369, %mul3A_1370 : i32
      %add3A_1372 = vector.broadcast %mul3A_1371 : i32 to vector<16xi32>
      %add3A_1373 = arith.addi %add3A_1372, %iota3A : vector<16xi32>
      tpu.vector_store_idx %arg7[%select_n3A_1367], %add3A_1373 masked %and3A_1364 : memref<3136xi32, #tpu.memory_space<vmem>>[vector<16xi32>], vector<16xi32>, vector<16xi1>
      %and3A_1374 = arith.andi %lt3A_1263, %unique3A_1294 : vector<16xi1>
      %jit3A_1375 = arith.constant 0 : i32
      %broadcast_in_dim3A_1376 = vector.broadcast %jit3A_1375 : i32 to vector<16xi32>
      %select_n3A_1377 = arith.select %and3A_1374, %sub3A_1231, %broadcast_in_dim3A_1376 : vector<16xi1>, vector<16xi32>
      %add3A_1378 = arith.constant 54 : i32
      %add3A_1379 = arith.addi %mul3A_68, %add3A_1378 : i32
      %mul3A_1380 = arith.constant 16 : i32
      %mul3A_1381 = arith.muli %add3A_1379, %mul3A_1380 : i32
      %add3A_1382 = vector.broadcast %mul3A_1381 : i32 to vector<16xi32>
      %add3A_1383 = arith.addi %add3A_1382, %iota3A : vector<16xi32>
      tpu.vector_store_idx %arg7[%select_n3A_1377], %add3A_1383 masked %and3A_1374 : memref<3136xi32, #tpu.memory_space<vmem>>[vector<16xi32>], vector<16xi32>, vector<16xi1>
      %and3A_1384 = arith.andi %lt3A_1265, %unique3A_1296 : vector<16xi1>
      %jit3A_1385 = arith.constant 0 : i32
      %broadcast_in_dim3A_1386 = vector.broadcast %jit3A_1385 : i32 to vector<16xi32>
      %select_n3A_1387 = arith.select %and3A_1384, %sub3A_1233, %broadcast_in_dim3A_1386 : vector<16xi1>, vector<16xi32>
      %add3A_1388 = arith.constant 55 : i32
      %add3A_1389 = arith.addi %mul3A_68, %add3A_1388 : i32
      %mul3A_1390 = arith.constant 16 : i32
      %mul3A_1391 = arith.muli %add3A_1389, %mul3A_1390 : i32
      %add3A_1392 = vector.broadcast %mul3A_1391 : i32 to vector<16xi32>
      %add3A_1393 = arith.addi %add3A_1392, %iota3A : vector<16xi32>
      tpu.vector_store_idx %arg7[%select_n3A_1387], %add3A_1393 masked %and3A_1384 : memref<3136xi32, #tpu.memory_space<vmem>>[vector<16xi32>], vector<16xi32>, vector<16xi1>
      %and3A_1394 = arith.andi %lt3A_1267, %unique3A_1298 : vector<16xi1>
      %jit3A_1395 = arith.constant 0 : i32
      %broadcast_in_dim3A_1396 = vector.broadcast %jit3A_1395 : i32 to vector<16xi32>
      %select_n3A_1397 = arith.select %and3A_1394, %sub3A_1235, %broadcast_in_dim3A_1396 : vector<16xi1>, vector<16xi32>
      %add3A_1398 = arith.constant 56 : i32
      %add3A_1399 = arith.addi %mul3A_68, %add3A_1398 : i32
      %mul3A_1400 = arith.constant 16 : i32
      %mul3A_1401 = arith.muli %add3A_1399, %mul3A_1400 : i32
      %add3A_1402 = vector.broadcast %mul3A_1401 : i32 to vector<16xi32>
      %add3A_1403 = arith.addi %add3A_1402, %iota3A : vector<16xi32>
      tpu.vector_store_idx %arg7[%select_n3A_1397], %add3A_1403 masked %and3A_1394 : memref<3136xi32, #tpu.memory_space<vmem>>[vector<16xi32>], vector<16xi32>, vector<16xi1>
      %and3A_1404 = arith.andi %lt3A_1269, %unique3A_1300 : vector<16xi1>
      %jit3A_1405 = arith.constant 0 : i32
      %broadcast_in_dim3A_1406 = vector.broadcast %jit3A_1405 : i32 to vector<16xi32>
      %select_n3A_1407 = arith.select %and3A_1404, %sub3A_1237, %broadcast_in_dim3A_1406 : vector<16xi1>, vector<16xi32>
      %add3A_1408 = arith.constant 57 : i32
      %add3A_1409 = arith.addi %mul3A_68, %add3A_1408 : i32
      %mul3A_1410 = arith.constant 16 : i32
      %mul3A_1411 = arith.muli %add3A_1409, %mul3A_1410 : i32
      %add3A_1412 = vector.broadcast %mul3A_1411 : i32 to vector<16xi32>
      %add3A_1413 = arith.addi %add3A_1412, %iota3A : vector<16xi32>
      tpu.vector_store_idx %arg7[%select_n3A_1407], %add3A_1413 masked %and3A_1404 : memref<3136xi32, #tpu.memory_space<vmem>>[vector<16xi32>], vector<16xi32>, vector<16xi1>
      %and3A_1414 = arith.andi %lt3A_1271, %unique3A_1302 : vector<16xi1>
      %jit3A_1415 = arith.constant 0 : i32
      %broadcast_in_dim3A_1416 = vector.broadcast %jit3A_1415 : i32 to vector<16xi32>
      %select_n3A_1417 = arith.select %and3A_1414, %sub3A_1239, %broadcast_in_dim3A_1416 : vector<16xi1>, vector<16xi32>
      %add3A_1418 = arith.constant 58 : i32
      %add3A_1419 = arith.addi %mul3A_68, %add3A_1418 : i32
      %mul3A_1420 = arith.constant 16 : i32
      %mul3A_1421 = arith.muli %add3A_1419, %mul3A_1420 : i32
      %add3A_1422 = vector.broadcast %mul3A_1421 : i32 to vector<16xi32>
      %add3A_1423 = arith.addi %add3A_1422, %iota3A : vector<16xi32>
      tpu.vector_store_idx %arg7[%select_n3A_1417], %add3A_1423 masked %and3A_1414 : memref<3136xi32, #tpu.memory_space<vmem>>[vector<16xi32>], vector<16xi32>, vector<16xi1>
      %and3A_1424 = arith.andi %lt3A_1273, %unique3A_1304 : vector<16xi1>
      %jit3A_1425 = arith.constant 0 : i32
      %broadcast_in_dim3A_1426 = vector.broadcast %jit3A_1425 : i32 to vector<16xi32>
      %select_n3A_1427 = arith.select %and3A_1424, %sub3A_1241, %broadcast_in_dim3A_1426 : vector<16xi1>, vector<16xi32>
      %add3A_1428 = arith.constant 59 : i32
      %add3A_1429 = arith.addi %mul3A_68, %add3A_1428 : i32
      %mul3A_1430 = arith.constant 16 : i32
      %mul3A_1431 = arith.muli %add3A_1429, %mul3A_1430 : i32
      %add3A_1432 = vector.broadcast %mul3A_1431 : i32 to vector<16xi32>
      %add3A_1433 = arith.addi %add3A_1432, %iota3A : vector<16xi32>
      tpu.vector_store_idx %arg7[%select_n3A_1427], %add3A_1433 masked %and3A_1424 : memref<3136xi32, #tpu.memory_space<vmem>>[vector<16xi32>], vector<16xi32>, vector<16xi1>
      %and3A_1434 = arith.andi %lt3A_1275, %unique3A_1306 : vector<16xi1>
      %jit3A_1435 = arith.constant 0 : i32
      %broadcast_in_dim3A_1436 = vector.broadcast %jit3A_1435 : i32 to vector<16xi32>
      %select_n3A_1437 = arith.select %and3A_1434, %sub3A_1243, %broadcast_in_dim3A_1436 : vector<16xi1>, vector<16xi32>
      %add3A_1438 = arith.constant 60 : i32
      %add3A_1439 = arith.addi %mul3A_68, %add3A_1438 : i32
      %mul3A_1440 = arith.constant 16 : i32
      %mul3A_1441 = arith.muli %add3A_1439, %mul3A_1440 : i32
      %add3A_1442 = vector.broadcast %mul3A_1441 : i32 to vector<16xi32>
      %add3A_1443 = arith.addi %add3A_1442, %iota3A : vector<16xi32>
      tpu.vector_store_idx %arg7[%select_n3A_1437], %add3A_1443 masked %and3A_1434 : memref<3136xi32, #tpu.memory_space<vmem>>[vector<16xi32>], vector<16xi32>, vector<16xi1>
      %and3A_1444 = arith.andi %lt3A_1277, %unique3A_1308 : vector<16xi1>
      %jit3A_1445 = arith.constant 0 : i32
      %broadcast_in_dim3A_1446 = vector.broadcast %jit3A_1445 : i32 to vector<16xi32>
      %select_n3A_1447 = arith.select %and3A_1444, %sub3A_1245, %broadcast_in_dim3A_1446 : vector<16xi1>, vector<16xi32>
      %add3A_1448 = arith.constant 61 : i32
      %add3A_1449 = arith.addi %mul3A_68, %add3A_1448 : i32
      %mul3A_1450 = arith.constant 16 : i32
      %mul3A_1451 = arith.muli %add3A_1449, %mul3A_1450 : i32
      %add3A_1452 = vector.broadcast %mul3A_1451 : i32 to vector<16xi32>
      %add3A_1453 = arith.addi %add3A_1452, %iota3A : vector<16xi32>
      tpu.vector_store_idx %arg7[%select_n3A_1447], %add3A_1453 masked %and3A_1444 : memref<3136xi32, #tpu.memory_space<vmem>>[vector<16xi32>], vector<16xi32>, vector<16xi1>
      %and3A_1454 = arith.andi %lt3A_1279, %unique3A_1310 : vector<16xi1>
      %jit3A_1455 = arith.constant 0 : i32
      %broadcast_in_dim3A_1456 = vector.broadcast %jit3A_1455 : i32 to vector<16xi32>
      %select_n3A_1457 = arith.select %and3A_1454, %sub3A_1247, %broadcast_in_dim3A_1456 : vector<16xi1>, vector<16xi32>
      %add3A_1458 = arith.constant 62 : i32
      %add3A_1459 = arith.addi %mul3A_68, %add3A_1458 : i32
      %mul3A_1460 = arith.constant 16 : i32
      %mul3A_1461 = arith.muli %add3A_1459, %mul3A_1460 : i32
      %add3A_1462 = vector.broadcast %mul3A_1461 : i32 to vector<16xi32>
      %add3A_1463 = arith.addi %add3A_1462, %iota3A : vector<16xi32>
      tpu.vector_store_idx %arg7[%select_n3A_1457], %add3A_1463 masked %and3A_1454 : memref<3136xi32, #tpu.memory_space<vmem>>[vector<16xi32>], vector<16xi32>, vector<16xi1>
      %and3A_1464 = arith.andi %lt3A_1281, %unique3A_1312 : vector<16xi1>
      %jit3A_1465 = arith.constant 0 : i32
      %broadcast_in_dim3A_1466 = vector.broadcast %jit3A_1465 : i32 to vector<16xi32>
      %select_n3A_1467 = arith.select %and3A_1464, %sub3A_1249, %broadcast_in_dim3A_1466 : vector<16xi1>, vector<16xi32>
      %add3A_1468 = arith.constant 63 : i32
      %add3A_1469 = arith.addi %mul3A_68, %add3A_1468 : i32
      %mul3A_1470 = arith.constant 16 : i32
      %mul3A_1471 = arith.muli %add3A_1469, %mul3A_1470 : i32
      %add3A_1472 = vector.broadcast %mul3A_1471 : i32 to vector<16xi32>
      %add3A_1473 = arith.addi %add3A_1472, %iota3A : vector<16xi32>
      tpu.vector_store_idx %arg7[%select_n3A_1467], %add3A_1473 masked %and3A_1464 : memref<3136xi32, #tpu.memory_space<vmem>>[vector<16xi32>], vector<16xi32>, vector<16xi1>
    }
    %scan3A_16 = arith.constant 16 : i32
    %scan3A_17 = arith.constant 0 : i32
    %scan3A_18 = arith.constant 0 : i32
    %scan3A_19 = arith.constant 196 : i32
    %scan3A_20 = arith.addi %scan3A_18, %scan3A_19 : i32
    %scan3A_21 = arith.constant 1 : i32
    %scan3A_22 = scf.for %scan3A_66 = %scan3A_18 to %scan3A_20 step %scan3A_21 iter_args(%scan3A_67 = %scan3A_17) -> (i32)  : i32 {
      %mul3A_68 = arith.constant 16 : i32
      %mul3A_69 = arith.muli %scan3A_66, %mul3A_68 : i32
      %get3A = arith.index_cast %mul3A_69 : i32 to index
      %get3A_70 = tpu.vector_load %arg7[%get3A] {strides = array<i32>} : memref<3136xi32, #tpu.memory_space<vmem>>, vector<16xi32>,
      %ge3A_71 = arith.constant 0 : i32
      %ge3A_72 = vector.broadcast %ge3A_71 : i32 to vector<16xi32>
      %ge3A_73 = arith.cmpi sge, %get3A_70, %ge3A_72 : vector<16xi32>
      %mul3A_74 = arith.constant 16 : i32
      %mul3A_75 = arith.muli %scan3A_66, %mul3A_74 : i32
      %add3A_76 = arith.addi %mul3A_2, %mul3A_75 : i32
      %add3A_77 = vector.broadcast %add3A_76 : i32 to vector<16xi32>
      %add3A_78 = arith.addi %add3A_77, %iota3A : vector<16xi32>
      %swap3A = arith.index_cast %scan3A_67 : i32 to index
      %swap3A_79 = tpu.vector_load %arg8[%swap3A] masked %ge3A_73 {strides = array<i32>} : memref<3200xi32, #tpu.memory_space<vmem>>, vector<16xi32>, vector<16xi1>
      tpu.vector_store %arg8[%swap3A], %add3A_78 masked %ge3A_73 {strides = array<i32>} : memref<3200xi32, #tpu.memory_space<vmem>>, vector<16xi32>, vector<16xi1>
      %swap3A_80 = arith.index_cast %scan3A_67 : i32 to index
      %swap3A_81 = tpu.vector_load %arg9[%swap3A_80] masked %ge3A_73 {strides = array<i32>} : memref<3200xi32, #tpu.memory_space<vmem>>, vector<16xi32>, vector<16xi1>
      tpu.vector_store %arg9[%swap3A_80], %get3A_70 masked %ge3A_73 {strides = array<i32>} : memref<3200xi32, #tpu.memory_space<vmem>>, vector<16xi32>, vector<16xi1>
      %convert_element_type3A_82 = arith.extui %ge3A_73 : vector<16xi1> to vector<16xi32>
      %reduce_sum3A = arith.constant true
      %reduce_sum3A_83 = vector.broadcast %reduce_sum3A : i1 to vector<16xi1>
      %reduce_sum3A_84 = tpu.scan <sum>, %convert_element_type3A_82 masked %reduce_sum3A_83 : vector<16xi32>, vector<16xi1> -> vector<16xi32>
      %reduce_sum3A_85 = vector.extract %reduce_sum3A_84[15] : i32 from vector<16xi32>
      %add3A_86 = arith.addi %scan3A_67, %reduce_sum3A_85 : i32
      scf.yield %add3A_86 : i32
    }
    %scan3A_23 = arith.constant 196 : i32
    %gt3A = arith.constant 0 : i32
    %gt3A_24 = arith.cmpi sgt, %scan3A_22, %gt3A : i32
    %convert_element_type3A = arith.extui %gt3A_24 : i1 to i32
    %cond3A = arith.constant 0 : i32
    %cond3A_25 = arith.cmpi ne, %convert_element_type3A, %cond3A : i32
    scf.if %cond3A_25 {
      %eq3A_66 = arith.constant 0 : i32
      %eq3A_67 = vector.broadcast %eq3A_66 : i32 to vector<16xi32>
      %eq3A_68 = arith.cmpi eq, %iota3A, %eq3A_67 : vector<16xi32>
      %convert_element_type3A_69 = arith.extui %eq3A_68 : vector<16xi1> to vector<16xi32>
      %get3A = arith.constant 0 : index
      %get3A_70 = tpu.vector_load %arg8[%get3A] {strides = array<i32>} : memref<3200xi32, #tpu.memory_space<vmem>>, vector<16xi32>,
      %mul3A_71 = arith.muli %get3A_70, %convert_element_type3A_69 : vector<16xi32>
      %reduce_sum3A = arith.constant true
      %reduce_sum3A_72 = vector.broadcast %reduce_sum3A : i1 to vector<16xi1>
      %reduce_sum3A_73 = tpu.scan <sum>, %mul3A_71 masked %reduce_sum3A_72 : vector<16xi32>, vector<16xi1> -> vector<16xi32>
      %reduce_sum3A_74 = vector.extract %reduce_sum3A_73[15] : i32 from vector<16xi32>
      %get3A_75 = arith.constant 0 : index
      %get3A_76 = tpu.vector_load %arg9[%get3A_75] {strides = array<i32>} : memref<3200xi32, #tpu.memory_space<vmem>>, vector<16xi32>,
      %mul3A_77 = arith.muli %get3A_76, %convert_element_type3A_69 : vector<16xi32>
      %reduce_sum3A_78 = arith.constant true
      %reduce_sum3A_79 = vector.broadcast %reduce_sum3A_78 : i1 to vector<16xi1>
      %reduce_sum3A_80 = tpu.scan <sum>, %mul3A_77 masked %reduce_sum3A_79 : vector<16xi32>, vector<16xi1> -> vector<16xi32>
      %reduce_sum3A_81 = vector.extract %reduce_sum3A_80[15] : i32 from vector<16xi32>
      %broadcast_in_dim3A_82 = arith.constant 0 : i32
      %broadcast_in_dim3A_83 = vector.broadcast %broadcast_in_dim3A_82 : i32 to vector<16xi32>
      %add3A_84 = vector.broadcast %reduce_sum3A_74 : i32 to vector<16xi32>
      %add3A_85 = arith.addi %broadcast_in_dim3A_83, %add3A_84 : vector<16xi32>
      %broadcast_in_dim3A_86 = arith.constant 0 : i32
      %broadcast_in_dim3A_87 = vector.broadcast %broadcast_in_dim3A_86 : i32 to vector<16xi32>
      %add3A_88 = vector.broadcast %reduce_sum3A_81 : i32 to vector<16xi32>
      %add3A_89 = arith.addi %broadcast_in_dim3A_87, %add3A_88 : vector<16xi32>
      %add3A_90 = arith.constant 0 : i32
      %add3A_91 = arith.addi %scan3A_22, %add3A_90 : i32
      %swap3A = arith.index_cast %add3A_91 : i32 to index
      %swap3A_92 = tpu.vector_load %arg8[%swap3A] {strides = array<i32>} : memref<3200xi32, #tpu.memory_space<vmem>>, vector<16xi32>,
      tpu.vector_store %arg8[%swap3A], %add3A_85 {strides = array<i32>} : memref<3200xi32, #tpu.memory_space<vmem>>, vector<16xi32>,
      %add3A_93 = arith.constant 0 : i32
      %add3A_94 = arith.addi %scan3A_22, %add3A_93 : i32
      %swap3A_95 = arith.index_cast %add3A_94 : i32 to index
      %swap3A_96 = tpu.vector_load %arg9[%swap3A_95] {strides = array<i32>} : memref<3200xi32, #tpu.memory_space<vmem>>, vector<16xi32>,
      tpu.vector_store %arg9[%swap3A_95], %add3A_89 {strides = array<i32>} : memref<3200xi32, #tpu.memory_space<vmem>>, vector<16xi32>,
      %add3A_97 = arith.constant 16 : i32
      %add3A_98 = arith.addi %scan3A_22, %add3A_97 : i32
      %swap3A_99 = arith.index_cast %add3A_98 : i32 to index
      %swap3A_100 = tpu.vector_load %arg8[%swap3A_99] {strides = array<i32>} : memref<3200xi32, #tpu.memory_space<vmem>>, vector<16xi32>,
      tpu.vector_store %arg8[%swap3A_99], %add3A_85 {strides = array<i32>} : memref<3200xi32, #tpu.memory_space<vmem>>, vector<16xi32>,
      %add3A_101 = arith.constant 16 : i32
      %add3A_102 = arith.addi %scan3A_22, %add3A_101 : i32
      %swap3A_103 = arith.index_cast %add3A_102 : i32 to index
      %swap3A_104 = tpu.vector_load %arg9[%swap3A_103] {strides = array<i32>} : memref<3200xi32, #tpu.memory_space<vmem>>, vector<16xi32>,
      tpu.vector_store %arg9[%swap3A_103], %add3A_89 {strides = array<i32>} : memref<3200xi32, #tpu.memory_space<vmem>>, vector<16xi32>,
      %add3A_105 = arith.constant 32 : i32
      %add3A_106 = arith.addi %scan3A_22, %add3A_105 : i32
      %swap3A_107 = arith.index_cast %add3A_106 : i32 to index
      %swap3A_108 = tpu.vector_load %arg8[%swap3A_107] {strides = array<i32>} : memref<3200xi32, #tpu.memory_space<vmem>>, vector<16xi32>,
      tpu.vector_store %arg8[%swap3A_107], %add3A_85 {strides = array<i32>} : memref<3200xi32, #tpu.memory_space<vmem>>, vector<16xi32>,
      %add3A_109 = arith.constant 32 : i32
      %add3A_110 = arith.addi %scan3A_22, %add3A_109 : i32
      %swap3A_111 = arith.index_cast %add3A_110 : i32 to index
      %swap3A_112 = tpu.vector_load %arg9[%swap3A_111] {strides = array<i32>} : memref<3200xi32, #tpu.memory_space<vmem>>, vector<16xi32>,
      tpu.vector_store %arg9[%swap3A_111], %add3A_89 {strides = array<i32>} : memref<3200xi32, #tpu.memory_space<vmem>>, vector<16xi32>,
      %add3A_113 = arith.constant 48 : i32
      %add3A_114 = arith.addi %scan3A_22, %add3A_113 : i32
      %swap3A_115 = arith.index_cast %add3A_114 : i32 to index
      %swap3A_116 = tpu.vector_load %arg8[%swap3A_115] {strides = array<i32>} : memref<3200xi32, #tpu.memory_space<vmem>>, vector<16xi32>,
      tpu.vector_store %arg8[%swap3A_115], %add3A_85 {strides = array<i32>} : memref<3200xi32, #tpu.memory_space<vmem>>, vector<16xi32>,
      %add3A_117 = arith.constant 48 : i32
      %add3A_118 = arith.addi %scan3A_22, %add3A_117 : i32
      %swap3A_119 = arith.index_cast %add3A_118 : i32 to index
      %swap3A_120 = tpu.vector_load %arg9[%swap3A_119] {strides = array<i32>} : memref<3200xi32, #tpu.memory_space<vmem>>, vector<16xi32>,
      tpu.vector_store %arg9[%swap3A_119], %add3A_89 {strides = array<i32>} : memref<3200xi32, #tpu.memory_space<vmem>>, vector<16xi32>,
    } else {
    }
    %add3A_26 = arith.constant 64 : i32
    %add3A_27 = arith.addi %scan3A_22, %add3A_26 : i32
    %sub3A = arith.constant 1 : i32
    %sub3A_28 = arith.subi %add3A_27, %sub3A : i32
    %jit3A_29 = arith.constant 64 : i32
    %div3A = arith.divsi %sub3A_28, %jit3A_29 : i32
    %sign3A = arith.constant 0 : i32
    %sign3A_30 = arith.cmpi sgt, %sub3A_28, %sign3A : i32
    %sign3A_31 = arith.extui %sign3A_30 : i1 to i32
    %sign3A_32 = arith.constant 0 : i32
    %sign3A_33 = arith.cmpi slt, %sub3A_28, %sign3A_32 : i32
    %sign3A_34 = arith.extui %sign3A_33 : i1 to i32
    %sign3A_35 = arith.subi %sign3A_31, %sign3A_34 : i32
    %sign3A_36 = arith.constant 0 : i32
    %sign3A_37 = arith.cmpi sgt, %jit3A_29, %sign3A_36 : i32
    %sign3A_38 = arith.extui %sign3A_37 : i1 to i32
    %sign3A_39 = arith.constant 0 : i32
    %sign3A_40 = arith.cmpi slt, %jit3A_29, %sign3A_39 : i32
    %sign3A_41 = arith.extui %sign3A_40 : i1 to i32
    %sign3A_42 = arith.subi %sign3A_38, %sign3A_41 : i32
    %ne3A = arith.cmpi ne, %sign3A_35, %sign3A_42 : i32
    %rem3A = arith.remsi %sub3A_28, %jit3A_29 : i32
    %ne3A_43 = arith.constant 0 : i32
    %ne3A_44 = arith.cmpi ne, %rem3A, %ne3A_43 : i32
    %and3A = arith.andi %ne3A, %ne3A_44 : i1
    %sub3A_45 = arith.constant 1 : i32
    %sub3A_46 = arith.subi %div3A, %sub3A_45 : i32
    %select_n3A_47 = arith.select %and3A, %sub3A_46, %div3A : i32
    %ge3A = arith.constant 1 : i32
    %ge3A_48 = arith.cmpi sge, %select_n3A_47, %ge3A : i32
    %convert_element_type3A_49 = arith.extui %ge3A_48 : i1 to i32
    %cond3A_50 = arith.constant 0 : i32
    %cond3A_51 = arith.cmpi ne, %convert_element_type3A_49, %cond3A_50 : i32
    scf.if %cond3A_51 {
      %dma_start3A = arith.constant 0 : i32
      %dma_start3A_66 = tpu.memref_slice %arg9[%dma_start3A] : memref<3200xi32, #tpu.memory_space<vmem>> -> memref<64xi32, #tpu.memory_space<vmem>>
      %dma_start3A_67 = arith.constant 0 : i32
      %dma_start3A_68 = arith.constant 0 : i32
      %dma_start3A_69 = tpu.memref_slice %arg3[%dma_start3A_67, %dma_start3A_68] : memref<16384x128xf32, #tpu.memory_space<hbm>> -> memref<16384x128xf32, #tpu.memory_space<hbm>>
      tpu.enqueue_indirect_dma source(%dma_start3A_69 : memref<16384x128xf32, #tpu.memory_space<hbm>>) target(%arg12 : memref<64x128xf32, #tpu.memory_space<vmem>>) offsets(%dma_start3A_66 : memref<64xi32, #tpu.memory_space<vmem>>) semaphore(%arg14 : memref<!tpu.dma_semaphore, #tpu.memory_space<semaphore_mem>>)
    } else {
    }
    %while3A = arith.constant 0 : i32
    %while3A_52 = arith.constant 0 : i32
    %while3A_53 = arith.subi %select_n3A_47, %while3A_52 : i32
    %while3A_54 = arith.addi %while3A_52, %while3A_53 : i32
    %while3A_55 = arith.constant 1 : i32
    %while3A_56 = arith.divsi %while3A_53, %while3A_55 : i32
    %while3A_57 = arith.muli %while3A_56, %while3A_55 : i32
    %while3A_58 = arith.addi %while3A_52, %while3A_57 : i32
    %while3A_59 = arith.constant 1 : i32
    scf.for %while3A_66 = %while3A_52 to %while3A_58 step %while3A_59  : i32 {
      %mul3A_67 = arith.constant 64 : i32
      %mul3A_68 = arith.muli %while3A_66, %mul3A_67 : i32
      %rem3A_69 = arith.constant 2 : i32
      %rem3A_70 = arith.remsi %while3A_66, %rem3A_69 : i32
      %eq3A_71 = arith.constant 0 : i32
      %eq3A_72 = arith.cmpi eq, %rem3A_70, %eq3A_71 : i32
      %convert_element_type3A_73 = arith.extui %eq3A_72 : i1 to i32
      %cond3A_74 = arith.constant 0 : i32
      %cond3A_75 = arith.cmpi ne, %convert_element_type3A_73, %cond3A_74 : i32
      scf.if %cond3A_75 {
        %ge3A_83 = arith.constant 1 : i32
        %ge3A_84 = arith.cmpi sge, %while3A_66, %ge3A_83 : i32
        %convert_element_type3A_85 = arith.extui %ge3A_84 : i1 to i32
        %cond3A_86 = arith.constant 0 : i32
        %cond3A_87 = arith.cmpi ne, %convert_element_type3A_85, %cond3A_86 : i32
        scf.if %cond3A_87 {
          %dma_wait3A_120 = arith.constant 0 : i32
          %dma_wait3A_121 = arith.constant 0 : i32
          %dma_wait3A_122 = tpu.memref_slice %arg4[%dma_wait3A_120, %dma_wait3A_121] : memref<100000x128xf32, #tpu.memory_space<hbm>> -> memref<100000x128xf32, #tpu.memory_space<hbm>>
          tpu.wait_indirect_dma semaphore(%arg17 : memref<!tpu.dma_semaphore, #tpu.memory_space<semaphore_mem>>) src(%arg13 : memref<64x128xf32, #tpu.memory_space<vmem>>) dst(%dma_wait3A_122 : memref<100000x128xf32, #tpu.memory_space<hbm>>)
        } else {
        }
        %add3A_88 = arith.constant 1 : i32
        %add3A_89 = arith.addi %while3A_66, %add3A_88 : i32
        %lt3A = arith.cmpi slt, %add3A_89, %select_n3A_47 : i32
        %convert_element_type3A_90 = arith.extui %lt3A : i1 to i32
        %cond3A_91 = arith.constant 0 : i32
        %cond3A_92 = arith.cmpi ne, %convert_element_type3A_90, %cond3A_91 : i32
        scf.if %cond3A_92 {
          %add3A_120 = arith.constant 64 : i32
          %add3A_121 = arith.addi %mul3A_68, %add3A_120 : i32
          %dma_start3A_122 = tpu.memref_slice %arg9[%add3A_121] : memref<3200xi32, #tpu.memory_space<vmem>> -> memref<64xi32, #tpu.memory_space<vmem>>
          %dma_start3A_123 = arith.constant 0 : i32
          %dma_start3A_124 = arith.constant 0 : i32
          %dma_start3A_125 = tpu.memref_slice %arg3[%dma_start3A_123, %dma_start3A_124] : memref<16384x128xf32, #tpu.memory_space<hbm>> -> memref<16384x128xf32, #tpu.memory_space<hbm>>
          tpu.enqueue_indirect_dma source(%dma_start3A_125 : memref<16384x128xf32, #tpu.memory_space<hbm>>) target(%arg13 : memref<64x128xf32, #tpu.memory_space<vmem>>) offsets(%dma_start3A_122 : memref<64xi32, #tpu.memory_space<vmem>>) semaphore(%arg15 : memref<!tpu.dma_semaphore, #tpu.memory_space<semaphore_mem>>)
        } else {
        }
        %dma_wait3A = tpu.memref_slice %arg9[%mul3A_68] : memref<3200xi32, #tpu.memory_space<vmem>> -> memref<64xi32, #tpu.memory_space<vmem>>
        %dma_wait3A_93 = arith.constant 0 : i32
        %dma_wait3A_94 = arith.constant 0 : i32
        %dma_wait3A_95 = tpu.memref_slice %arg3[%dma_wait3A_93, %dma_wait3A_94] : memref<16384x128xf32, #tpu.memory_space<hbm>> -> memref<16384x128xf32, #tpu.memory_space<hbm>>
        tpu.wait_indirect_dma semaphore(%arg14 : memref<!tpu.dma_semaphore, #tpu.memory_space<semaphore_mem>>) src(%dma_wait3A_95 : memref<16384x128xf32, #tpu.memory_space<hbm>>) dst(%arg12 : memref<64x128xf32, #tpu.memory_space<vmem>>)
        %add3A_96 = arith.constant 0 : i32
        %add3A_97 = arith.addi %mul3A_68, %add3A_96 : i32
        %get3A = arith.index_cast %add3A_97 : i32 to index
        %get3A_98 = tpu.vector_load %arg8[%get3A] {strides = array<i32>} : memref<3200xi32, #tpu.memory_space<vmem>>, vector<16xi32>,
        %swap3A = arith.constant 0 : index
        %swap3A_99 = tpu.vector_load %arg10[%swap3A] {strides = array<i32>} : memref<64xi32, #tpu.memory_space<vmem>>, vector<16xi32>,
        tpu.vector_store %arg10[%swap3A], %get3A_98 {strides = array<i32>} : memref<64xi32, #tpu.memory_space<vmem>>, vector<16xi32>,
        %add3A_100 = arith.constant 16 : i32
        %add3A_101 = arith.addi %mul3A_68, %add3A_100 : i32
        %get3A_102 = arith.index_cast %add3A_101 : i32 to index
        %get3A_103 = tpu.vector_load %arg8[%get3A_102] {strides = array<i32>} : memref<3200xi32, #tpu.memory_space<vmem>>, vector<16xi32>,
        %swap3A_104 = arith.constant 16 : index
        %swap3A_105 = tpu.vector_load %arg10[%swap3A_104] {strides = array<i32>} : memref<64xi32, #tpu.memory_space<vmem>>, vector<16xi32>,
        tpu.vector_store %arg10[%swap3A_104], %get3A_103 {strides = array<i32>} : memref<64xi32, #tpu.memory_space<vmem>>, vector<16xi32>,
        %add3A_106 = arith.constant 32 : i32
        %add3A_107 = arith.addi %mul3A_68, %add3A_106 : i32
        %get3A_108 = arith.index_cast %add3A_107 : i32 to index
        %get3A_109 = tpu.vector_load %arg8[%get3A_108] {strides = array<i32>} : memref<3200xi32, #tpu.memory_space<vmem>>, vector<16xi32>,
        %swap3A_110 = arith.constant 32 : index
        %swap3A_111 = tpu.vector_load %arg10[%swap3A_110] {strides = array<i32>} : memref<64xi32, #tpu.memory_space<vmem>>, vector<16xi32>,
        tpu.vector_store %arg10[%swap3A_110], %get3A_109 {strides = array<i32>} : memref<64xi32, #tpu.memory_space<vmem>>, vector<16xi32>,
        %add3A_112 = arith.constant 48 : i32
        %add3A_113 = arith.addi %mul3A_68, %add3A_112 : i32
        %get3A_114 = arith.index_cast %add3A_113 : i32 to index
        %get3A_115 = tpu.vector_load %arg8[%get3A_114] {strides = array<i32>} : memref<3200xi32, #tpu.memory_space<vmem>>, vector<16xi32>,
        %swap3A_116 = arith.constant 48 : index
        %swap3A_117 = tpu.vector_load %arg10[%swap3A_116] {strides = array<i32>} : memref<64xi32, #tpu.memory_space<vmem>>, vector<16xi32>,
        tpu.vector_store %arg10[%swap3A_116], %get3A_115 {strides = array<i32>} : memref<64xi32, #tpu.memory_space<vmem>>, vector<16xi32>,
        %dma_start3A = arith.constant 0 : i32
        %dma_start3A_118 = arith.constant 0 : i32
        %dma_start3A_119 = tpu.memref_slice %arg4[%dma_start3A, %dma_start3A_118] : memref<100000x128xf32, #tpu.memory_space<hbm>> -> memref<100000x128xf32, #tpu.memory_space<hbm>>
        tpu.enqueue_indirect_dma source(%arg12 : memref<64x128xf32, #tpu.memory_space<vmem>>) target(%dma_start3A_119 : memref<100000x128xf32, #tpu.memory_space<hbm>>) offsets(%arg10 : memref<64xi32, #tpu.memory_space<vmem>>) semaphore(%arg16 : memref<!tpu.dma_semaphore, #tpu.memory_space<semaphore_mem>>)
      } else {
      }
      %rem3A_76 = arith.constant 2 : i32
      %rem3A_77 = arith.remsi %while3A_66, %rem3A_76 : i32
      %eq3A_78 = arith.constant 1 : i32
      %eq3A_79 = arith.cmpi eq, %rem3A_77, %eq3A_78 : i32
      %convert_element_type3A_80 = arith.extui %eq3A_79 : i1 to i32
      %cond3A_81 = arith.constant 0 : i32
      %cond3A_82 = arith.cmpi ne, %convert_element_type3A_80, %cond3A_81 : i32
      scf.if %cond3A_82 {
        %ge3A_83 = arith.constant 1 : i32
        %ge3A_84 = arith.cmpi sge, %while3A_66, %ge3A_83 : i32
        %convert_element_type3A_85 = arith.extui %ge3A_84 : i1 to i32
        %cond3A_86 = arith.constant 0 : i32
        %cond3A_87 = arith.cmpi ne, %convert_element_type3A_85, %cond3A_86 : i32
        scf.if %cond3A_87 {
          %dma_wait3A_120 = arith.constant 0 : i32
          %dma_wait3A_121 = arith.constant 0 : i32
          %dma_wait3A_122 = tpu.memref_slice %arg4[%dma_wait3A_120, %dma_wait3A_121] : memref<100000x128xf32, #tpu.memory_space<hbm>> -> memref<100000x128xf32, #tpu.memory_space<hbm>>
          tpu.wait_indirect_dma semaphore(%arg16 : memref<!tpu.dma_semaphore, #tpu.memory_space<semaphore_mem>>) src(%arg12 : memref<64x128xf32, #tpu.memory_space<vmem>>) dst(%dma_wait3A_122 : memref<100000x128xf32, #tpu.memory_space<hbm>>)
        } else {
        }
        %add3A_88 = arith.constant 1 : i32
        %add3A_89 = arith.addi %while3A_66, %add3A_88 : i32
        %lt3A = arith.cmpi slt, %add3A_89, %select_n3A_47 : i32
        %convert_element_type3A_90 = arith.extui %lt3A : i1 to i32
        %cond3A_91 = arith.constant 0 : i32
        %cond3A_92 = arith.cmpi ne, %convert_element_type3A_90, %cond3A_91 : i32
        scf.if %cond3A_92 {
          %add3A_120 = arith.constant 64 : i32
          %add3A_121 = arith.addi %mul3A_68, %add3A_120 : i32
          %dma_start3A_122 = tpu.memref_slice %arg9[%add3A_121] : memref<3200xi32, #tpu.memory_space<vmem>> -> memref<64xi32, #tpu.memory_space<vmem>>
          %dma_start3A_123 = arith.constant 0 : i32
          %dma_start3A_124 = arith.constant 0 : i32
          %dma_start3A_125 = tpu.memref_slice %arg3[%dma_start3A_123, %dma_start3A_124] : memref<16384x128xf32, #tpu.memory_space<hbm>> -> memref<16384x128xf32, #tpu.memory_space<hbm>>
          tpu.enqueue_indirect_dma source(%dma_start3A_125 : memref<16384x128xf32, #tpu.memory_space<hbm>>) target(%arg12 : memref<64x128xf32, #tpu.memory_space<vmem>>) offsets(%dma_start3A_122 : memref<64xi32, #tpu.memory_space<vmem>>) semaphore(%arg14 : memref<!tpu.dma_semaphore, #tpu.memory_space<semaphore_mem>>)
        } else {
        }
        %dma_wait3A = tpu.memref_slice %arg9[%mul3A_68] : memref<3200xi32, #tpu.memory_space<vmem>> -> memref<64xi32, #tpu.memory_space<vmem>>
        %dma_wait3A_93 = arith.constant 0 : i32
        %dma_wait3A_94 = arith.constant 0 : i32
        %dma_wait3A_95 = tpu.memref_slice %arg3[%dma_wait3A_93, %dma_wait3A_94] : memref<16384x128xf32, #tpu.memory_space<hbm>> -> memref<16384x128xf32, #tpu.memory_space<hbm>>
        tpu.wait_indirect_dma semaphore(%arg15 : memref<!tpu.dma_semaphore, #tpu.memory_space<semaphore_mem>>) src(%dma_wait3A_95 : memref<16384x128xf32, #tpu.memory_space<hbm>>) dst(%arg13 : memref<64x128xf32, #tpu.memory_space<vmem>>)
        %add3A_96 = arith.constant 0 : i32
        %add3A_97 = arith.addi %mul3A_68, %add3A_96 : i32
        %get3A = arith.index_cast %add3A_97 : i32 to index
        %get3A_98 = tpu.vector_load %arg8[%get3A] {strides = array<i32>} : memref<3200xi32, #tpu.memory_space<vmem>>, vector<16xi32>,
        %swap3A = arith.constant 0 : index
        %swap3A_99 = tpu.vector_load %arg11[%swap3A] {strides = array<i32>} : memref<64xi32, #tpu.memory_space<vmem>>, vector<16xi32>,
        tpu.vector_store %arg11[%swap3A], %get3A_98 {strides = array<i32>} : memref<64xi32, #tpu.memory_space<vmem>>, vector<16xi32>,
        %add3A_100 = arith.constant 16 : i32
        %add3A_101 = arith.addi %mul3A_68, %add3A_100 : i32
        %get3A_102 = arith.index_cast %add3A_101 : i32 to index
        %get3A_103 = tpu.vector_load %arg8[%get3A_102] {strides = array<i32>} : memref<3200xi32, #tpu.memory_space<vmem>>, vector<16xi32>,
        %swap3A_104 = arith.constant 16 : index
        %swap3A_105 = tpu.vector_load %arg11[%swap3A_104] {strides = array<i32>} : memref<64xi32, #tpu.memory_space<vmem>>, vector<16xi32>,
        tpu.vector_store %arg11[%swap3A_104], %get3A_103 {strides = array<i32>} : memref<64xi32, #tpu.memory_space<vmem>>, vector<16xi32>,
        %add3A_106 = arith.constant 32 : i32
        %add3A_107 = arith.addi %mul3A_68, %add3A_106 : i32
        %get3A_108 = arith.index_cast %add3A_107 : i32 to index
        %get3A_109 = tpu.vector_load %arg8[%get3A_108] {strides = array<i32>} : memref<3200xi32, #tpu.memory_space<vmem>>, vector<16xi32>,
        %swap3A_110 = arith.constant 32 : index
        %swap3A_111 = tpu.vector_load %arg11[%swap3A_110] {strides = array<i32>} : memref<64xi32, #tpu.memory_space<vmem>>, vector<16xi32>,
        tpu.vector_store %arg11[%swap3A_110], %get3A_109 {strides = array<i32>} : memref<64xi32, #tpu.memory_space<vmem>>, vector<16xi32>,
        %add3A_112 = arith.constant 48 : i32
        %add3A_113 = arith.addi %mul3A_68, %add3A_112 : i32
        %get3A_114 = arith.index_cast %add3A_113 : i32 to index
        %get3A_115 = tpu.vector_load %arg8[%get3A_114] {strides = array<i32>} : memref<3200xi32, #tpu.memory_space<vmem>>, vector<16xi32>,
        %swap3A_116 = arith.constant 48 : index
        %swap3A_117 = tpu.vector_load %arg11[%swap3A_116] {strides = array<i32>} : memref<64xi32, #tpu.memory_space<vmem>>, vector<16xi32>,
        tpu.vector_store %arg11[%swap3A_116], %get3A_115 {strides = array<i32>} : memref<64xi32, #tpu.memory_space<vmem>>, vector<16xi32>,
        %dma_start3A = arith.constant 0 : i32
        %dma_start3A_118 = arith.constant 0 : i32
        %dma_start3A_119 = tpu.memref_slice %arg4[%dma_start3A, %dma_start3A_118] : memref<100000x128xf32, #tpu.memory_space<hbm>> -> memref<100000x128xf32, #tpu.memory_space<hbm>>
        tpu.enqueue_indirect_dma source(%arg13 : memref<64x128xf32, #tpu.memory_space<vmem>>) target(%dma_start3A_119 : memref<100000x128xf32, #tpu.memory_space<hbm>>) offsets(%arg11 : memref<64xi32, #tpu.memory_space<vmem>>) semaphore(%arg17 : memref<!tpu.dma_semaphore, #tpu.memory_space<semaphore_mem>>)
      } else {
      }
    }
    %while3A_60 = arith.constant 1 : i32
    scf.for %while3A_66 = %while3A_58 to %while3A_54 step %while3A_60  : i32 {
      %mul3A_67 = arith.constant 64 : i32
      %mul3A_68 = arith.muli %while3A_66, %mul3A_67 : i32
      %rem3A_69 = arith.constant 2 : i32
      %rem3A_70 = arith.remsi %while3A_66, %rem3A_69 : i32
      %eq3A_71 = arith.constant 0 : i32
      %eq3A_72 = arith.cmpi eq, %rem3A_70, %eq3A_71 : i32
      %convert_element_type3A_73 = arith.extui %eq3A_72 : i1 to i32
      %cond3A_74 = arith.constant 0 : i32
      %cond3A_75 = arith.cmpi ne, %convert_element_type3A_73, %cond3A_74 : i32
      scf.if %cond3A_75 {
        %ge3A_83 = arith.constant 1 : i32
        %ge3A_84 = arith.cmpi sge, %while3A_66, %ge3A_83 : i32
        %convert_element_type3A_85 = arith.extui %ge3A_84 : i1 to i32
        %cond3A_86 = arith.constant 0 : i32
        %cond3A_87 = arith.cmpi ne, %convert_element_type3A_85, %cond3A_86 : i32
        scf.if %cond3A_87 {
          %dma_wait3A_120 = arith.constant 0 : i32
          %dma_wait3A_121 = arith.constant 0 : i32
          %dma_wait3A_122 = tpu.memref_slice %arg4[%dma_wait3A_120, %dma_wait3A_121] : memref<100000x128xf32, #tpu.memory_space<hbm>> -> memref<100000x128xf32, #tpu.memory_space<hbm>>
          tpu.wait_indirect_dma semaphore(%arg17 : memref<!tpu.dma_semaphore, #tpu.memory_space<semaphore_mem>>) src(%arg13 : memref<64x128xf32, #tpu.memory_space<vmem>>) dst(%dma_wait3A_122 : memref<100000x128xf32, #tpu.memory_space<hbm>>)
        } else {
        }
        %add3A_88 = arith.constant 1 : i32
        %add3A_89 = arith.addi %while3A_66, %add3A_88 : i32
        %lt3A = arith.cmpi slt, %add3A_89, %select_n3A_47 : i32
        %convert_element_type3A_90 = arith.extui %lt3A : i1 to i32
        %cond3A_91 = arith.constant 0 : i32
        %cond3A_92 = arith.cmpi ne, %convert_element_type3A_90, %cond3A_91 : i32
        scf.if %cond3A_92 {
          %add3A_120 = arith.constant 64 : i32
          %add3A_121 = arith.addi %mul3A_68, %add3A_120 : i32
          %dma_start3A_122 = tpu.memref_slice %arg9[%add3A_121] : memref<3200xi32, #tpu.memory_space<vmem>> -> memref<64xi32, #tpu.memory_space<vmem>>
          %dma_start3A_123 = arith.constant 0 : i32
          %dma_start3A_124 = arith.constant 0 : i32
          %dma_start3A_125 = tpu.memref_slice %arg3[%dma_start3A_123, %dma_start3A_124] : memref<16384x128xf32, #tpu.memory_space<hbm>> -> memref<16384x128xf32, #tpu.memory_space<hbm>>
          tpu.enqueue_indirect_dma source(%dma_start3A_125 : memref<16384x128xf32, #tpu.memory_space<hbm>>) target(%arg13 : memref<64x128xf32, #tpu.memory_space<vmem>>) offsets(%dma_start3A_122 : memref<64xi32, #tpu.memory_space<vmem>>) semaphore(%arg15 : memref<!tpu.dma_semaphore, #tpu.memory_space<semaphore_mem>>)
        } else {
        }
        %dma_wait3A = tpu.memref_slice %arg9[%mul3A_68] : memref<3200xi32, #tpu.memory_space<vmem>> -> memref<64xi32, #tpu.memory_space<vmem>>
        %dma_wait3A_93 = arith.constant 0 : i32
        %dma_wait3A_94 = arith.constant 0 : i32
        %dma_wait3A_95 = tpu.memref_slice %arg3[%dma_wait3A_93, %dma_wait3A_94] : memref<16384x128xf32, #tpu.memory_space<hbm>> -> memref<16384x128xf32, #tpu.memory_space<hbm>>
        tpu.wait_indirect_dma semaphore(%arg14 : memref<!tpu.dma_semaphore, #tpu.memory_space<semaphore_mem>>) src(%dma_wait3A_95 : memref<16384x128xf32, #tpu.memory_space<hbm>>) dst(%arg12 : memref<64x128xf32, #tpu.memory_space<vmem>>)
        %add3A_96 = arith.constant 0 : i32
        %add3A_97 = arith.addi %mul3A_68, %add3A_96 : i32
        %get3A = arith.index_cast %add3A_97 : i32 to index
        %get3A_98 = tpu.vector_load %arg8[%get3A] {strides = array<i32>} : memref<3200xi32, #tpu.memory_space<vmem>>, vector<16xi32>,
        %swap3A = arith.constant 0 : index
        %swap3A_99 = tpu.vector_load %arg10[%swap3A] {strides = array<i32>} : memref<64xi32, #tpu.memory_space<vmem>>, vector<16xi32>,
        tpu.vector_store %arg10[%swap3A], %get3A_98 {strides = array<i32>} : memref<64xi32, #tpu.memory_space<vmem>>, vector<16xi32>,
        %add3A_100 = arith.constant 16 : i32
        %add3A_101 = arith.addi %mul3A_68, %add3A_100 : i32
        %get3A_102 = arith.index_cast %add3A_101 : i32 to index
        %get3A_103 = tpu.vector_load %arg8[%get3A_102] {strides = array<i32>} : memref<3200xi32, #tpu.memory_space<vmem>>, vector<16xi32>,
        %swap3A_104 = arith.constant 16 : index
        %swap3A_105 = tpu.vector_load %arg10[%swap3A_104] {strides = array<i32>} : memref<64xi32, #tpu.memory_space<vmem>>, vector<16xi32>,
        tpu.vector_store %arg10[%swap3A_104], %get3A_103 {strides = array<i32>} : memref<64xi32, #tpu.memory_space<vmem>>, vector<16xi32>,
        %add3A_106 = arith.constant 32 : i32
        %add3A_107 = arith.addi %mul3A_68, %add3A_106 : i32
        %get3A_108 = arith.index_cast %add3A_107 : i32 to index
        %get3A_109 = tpu.vector_load %arg8[%get3A_108] {strides = array<i32>} : memref<3200xi32, #tpu.memory_space<vmem>>, vector<16xi32>,
        %swap3A_110 = arith.constant 32 : index
        %swap3A_111 = tpu.vector_load %arg10[%swap3A_110] {strides = array<i32>} : memref<64xi32, #tpu.memory_space<vmem>>, vector<16xi32>,
        tpu.vector_store %arg10[%swap3A_110], %get3A_109 {strides = array<i32>} : memref<64xi32, #tpu.memory_space<vmem>>, vector<16xi32>,
        %add3A_112 = arith.constant 48 : i32
        %add3A_113 = arith.addi %mul3A_68, %add3A_112 : i32
        %get3A_114 = arith.index_cast %add3A_113 : i32 to index
        %get3A_115 = tpu.vector_load %arg8[%get3A_114] {strides = array<i32>} : memref<3200xi32, #tpu.memory_space<vmem>>, vector<16xi32>,
        %swap3A_116 = arith.constant 48 : index
        %swap3A_117 = tpu.vector_load %arg10[%swap3A_116] {strides = array<i32>} : memref<64xi32, #tpu.memory_space<vmem>>, vector<16xi32>,
        tpu.vector_store %arg10[%swap3A_116], %get3A_115 {strides = array<i32>} : memref<64xi32, #tpu.memory_space<vmem>>, vector<16xi32>,
        %dma_start3A = arith.constant 0 : i32
        %dma_start3A_118 = arith.constant 0 : i32
        %dma_start3A_119 = tpu.memref_slice %arg4[%dma_start3A, %dma_start3A_118] : memref<100000x128xf32, #tpu.memory_space<hbm>> -> memref<100000x128xf32, #tpu.memory_space<hbm>>
        tpu.enqueue_indirect_dma source(%arg12 : memref<64x128xf32, #tpu.memory_space<vmem>>) target(%dma_start3A_119 : memref<100000x128xf32, #tpu.memory_space<hbm>>) offsets(%arg10 : memref<64xi32, #tpu.memory_space<vmem>>) semaphore(%arg16 : memref<!tpu.dma_semaphore, #tpu.memory_space<semaphore_mem>>)
      } else {
      }
      %rem3A_76 = arith.constant 2 : i32
      %rem3A_77 = arith.remsi %while3A_66, %rem3A_76 : i32
      %eq3A_78 = arith.constant 1 : i32
      %eq3A_79 = arith.cmpi eq, %rem3A_77, %eq3A_78 : i32
      %convert_element_type3A_80 = arith.extui %eq3A_79 : i1 to i32
      %cond3A_81 = arith.constant 0 : i32
      %cond3A_82 = arith.cmpi ne, %convert_element_type3A_80, %cond3A_81 : i32
      scf.if %cond3A_82 {
        %ge3A_83 = arith.constant 1 : i32
        %ge3A_84 = arith.cmpi sge, %while3A_66, %ge3A_83 : i32
        %convert_element_type3A_85 = arith.extui %ge3A_84 : i1 to i32
        %cond3A_86 = arith.constant 0 : i32
        %cond3A_87 = arith.cmpi ne, %convert_element_type3A_85, %cond3A_86 : i32
        scf.if %cond3A_87 {
          %dma_wait3A_120 = arith.constant 0 : i32
          %dma_wait3A_121 = arith.constant 0 : i32
          %dma_wait3A_122 = tpu.memref_slice %arg4[%dma_wait3A_120, %dma_wait3A_121] : memref<100000x128xf32, #tpu.memory_space<hbm>> -> memref<100000x128xf32, #tpu.memory_space<hbm>>
          tpu.wait_indirect_dma semaphore(%arg16 : memref<!tpu.dma_semaphore, #tpu.memory_space<semaphore_mem>>) src(%arg12 : memref<64x128xf32, #tpu.memory_space<vmem>>) dst(%dma_wait3A_122 : memref<100000x128xf32, #tpu.memory_space<hbm>>)
        } else {
        }
        %add3A_88 = arith.constant 1 : i32
        %add3A_89 = arith.addi %while3A_66, %add3A_88 : i32
        %lt3A = arith.cmpi slt, %add3A_89, %select_n3A_47 : i32
        %convert_element_type3A_90 = arith.extui %lt3A : i1 to i32
        %cond3A_91 = arith.constant 0 : i32
        %cond3A_92 = arith.cmpi ne, %convert_element_type3A_90, %cond3A_91 : i32
        scf.if %cond3A_92 {
          %add3A_120 = arith.constant 64 : i32
          %add3A_121 = arith.addi %mul3A_68, %add3A_120 : i32
          %dma_start3A_122 = tpu.memref_slice %arg9[%add3A_121] : memref<3200xi32, #tpu.memory_space<vmem>> -> memref<64xi32, #tpu.memory_space<vmem>>
          %dma_start3A_123 = arith.constant 0 : i32
          %dma_start3A_124 = arith.constant 0 : i32
          %dma_start3A_125 = tpu.memref_slice %arg3[%dma_start3A_123, %dma_start3A_124] : memref<16384x128xf32, #tpu.memory_space<hbm>> -> memref<16384x128xf32, #tpu.memory_space<hbm>>
          tpu.enqueue_indirect_dma source(%dma_start3A_125 : memref<16384x128xf32, #tpu.memory_space<hbm>>) target(%arg12 : memref<64x128xf32, #tpu.memory_space<vmem>>) offsets(%dma_start3A_122 : memref<64xi32, #tpu.memory_space<vmem>>) semaphore(%arg14 : memref<!tpu.dma_semaphore, #tpu.memory_space<semaphore_mem>>)
        } else {
        }
        %dma_wait3A = tpu.memref_slice %arg9[%mul3A_68] : memref<3200xi32, #tpu.memory_space<vmem>> -> memref<64xi32, #tpu.memory_space<vmem>>
        %dma_wait3A_93 = arith.constant 0 : i32
        %dma_wait3A_94 = arith.constant 0 : i32
        %dma_wait3A_95 = tpu.memref_slice %arg3[%dma_wait3A_93, %dma_wait3A_94] : memref<16384x128xf32, #tpu.memory_space<hbm>> -> memref<16384x128xf32, #tpu.memory_space<hbm>>
        tpu.wait_indirect_dma semaphore(%arg15 : memref<!tpu.dma_semaphore, #tpu.memory_space<semaphore_mem>>) src(%dma_wait3A_95 : memref<16384x128xf32, #tpu.memory_space<hbm>>) dst(%arg13 : memref<64x128xf32, #tpu.memory_space<vmem>>)
        %add3A_96 = arith.constant 0 : i32
        %add3A_97 = arith.addi %mul3A_68, %add3A_96 : i32
        %get3A = arith.index_cast %add3A_97 : i32 to index
        %get3A_98 = tpu.vector_load %arg8[%get3A] {strides = array<i32>} : memref<3200xi32, #tpu.memory_space<vmem>>, vector<16xi32>,
        %swap3A = arith.constant 0 : index
        %swap3A_99 = tpu.vector_load %arg11[%swap3A] {strides = array<i32>} : memref<64xi32, #tpu.memory_space<vmem>>, vector<16xi32>,
        tpu.vector_store %arg11[%swap3A], %get3A_98 {strides = array<i32>} : memref<64xi32, #tpu.memory_space<vmem>>, vector<16xi32>,
        %add3A_100 = arith.constant 16 : i32
        %add3A_101 = arith.addi %mul3A_68, %add3A_100 : i32
        %get3A_102 = arith.index_cast %add3A_101 : i32 to index
        %get3A_103 = tpu.vector_load %arg8[%get3A_102] {strides = array<i32>} : memref<3200xi32, #tpu.memory_space<vmem>>, vector<16xi32>,
        %swap3A_104 = arith.constant 16 : index
        %swap3A_105 = tpu.vector_load %arg11[%swap3A_104] {strides = array<i32>} : memref<64xi32, #tpu.memory_space<vmem>>, vector<16xi32>,
        tpu.vector_store %arg11[%swap3A_104], %get3A_103 {strides = array<i32>} : memref<64xi32, #tpu.memory_space<vmem>>, vector<16xi32>,
        %add3A_106 = arith.constant 32 : i32
        %add3A_107 = arith.addi %mul3A_68, %add3A_106 : i32
        %get3A_108 = arith.index_cast %add3A_107 : i32 to index
        %get3A_109 = tpu.vector_load %arg8[%get3A_108] {strides = array<i32>} : memref<3200xi32, #tpu.memory_space<vmem>>, vector<16xi32>,
        %swap3A_110 = arith.constant 32 : index
        %swap3A_111 = tpu.vector_load %arg11[%swap3A_110] {strides = array<i32>} : memref<64xi32, #tpu.memory_space<vmem>>, vector<16xi32>,
        tpu.vector_store %arg11[%swap3A_110], %get3A_109 {strides = array<i32>} : memref<64xi32, #tpu.memory_space<vmem>>, vector<16xi32>,
        %add3A_112 = arith.constant 48 : i32
        %add3A_113 = arith.addi %mul3A_68, %add3A_112 : i32
        %get3A_114 = arith.index_cast %add3A_113 : i32 to index
        %get3A_115 = tpu.vector_load %arg8[%get3A_114] {strides = array<i32>} : memref<3200xi32, #tpu.memory_space<vmem>>, vector<16xi32>,
        %swap3A_116 = arith.constant 48 : index
        %swap3A_117 = tpu.vector_load %arg11[%swap3A_116] {strides = array<i32>} : memref<64xi32, #tpu.memory_space<vmem>>, vector<16xi32>,
        tpu.vector_store %arg11[%swap3A_116], %get3A_115 {strides = array<i32>} : memref<64xi32, #tpu.memory_space<vmem>>, vector<16xi32>,
        %dma_start3A = arith.constant 0 : i32
        %dma_start3A_118 = arith.constant 0 : i32
        %dma_start3A_119 = tpu.memref_slice %arg4[%dma_start3A, %dma_start3A_118] : memref<100000x128xf32, #tpu.memory_space<hbm>> -> memref<100000x128xf32, #tpu.memory_space<hbm>>
        tpu.enqueue_indirect_dma source(%arg13 : memref<64x128xf32, #tpu.memory_space<vmem>>) target(%dma_start3A_119 : memref<100000x128xf32, #tpu.memory_space<hbm>>) offsets(%arg11 : memref<64xi32, #tpu.memory_space<vmem>>) semaphore(%arg17 : memref<!tpu.dma_semaphore, #tpu.memory_space<semaphore_mem>>)
      } else {
      }
    }
    %ge3A_61 = arith.constant 1 : i32
    %ge3A_62 = arith.cmpi sge, %select_n3A_47, %ge3A_61 : i32
    %convert_element_type3A_63 = arith.extui %ge3A_62 : i1 to i32
    %cond3A_64 = arith.constant 0 : i32
    %cond3A_65 = arith.cmpi ne, %convert_element_type3A_63, %cond3A_64 : i32
    scf.if %cond3A_65 {
      %sub3A_66 = arith.constant 1 : i32
      %sub3A_67 = arith.subi %select_n3A_47, %sub3A_66 : i32
      %rem3A_68 = arith.constant 2 : i32
      %rem3A_69 = arith.remsi %sub3A_67, %rem3A_68 : i32
      %eq3A_70 = arith.constant 0 : i32
      %eq3A_71 = arith.cmpi eq, %rem3A_69, %eq3A_70 : i32
      %convert_element_type3A_72 = arith.extui %eq3A_71 : i1 to i32
      %cond3A_73 = arith.constant 0 : i32
      %cond3A_74 = arith.cmpi ne, %convert_element_type3A_72, %cond3A_73 : i32
      scf.if %cond3A_74 {
        %dma_wait3A = arith.constant 0 : i32
        %dma_wait3A_80 = arith.constant 0 : i32
        %dma_wait3A_81 = tpu.memref_slice %arg4[%dma_wait3A, %dma_wait3A_80] : memref<100000x128xf32, #tpu.memory_space<hbm>> -> memref<100000x128xf32, #tpu.memory_space<hbm>>
        tpu.wait_indirect_dma semaphore(%arg16 : memref<!tpu.dma_semaphore, #tpu.memory_space<semaphore_mem>>) src(%arg12 : memref<64x128xf32, #tpu.memory_space<vmem>>) dst(%dma_wait3A_81 : memref<100000x128xf32, #tpu.memory_space<hbm>>)
      } else {
      }
      %eq3A_75 = arith.constant 1 : i32
      %eq3A_76 = arith.cmpi eq, %rem3A_69, %eq3A_75 : i32
      %convert_element_type3A_77 = arith.extui %eq3A_76 : i1 to i32
      %cond3A_78 = arith.constant 0 : i32
      %cond3A_79 = arith.cmpi ne, %convert_element_type3A_77, %cond3A_78 : i32
      scf.if %cond3A_79 {
        %dma_wait3A = arith.constant 0 : i32
        %dma_wait3A_80 = arith.constant 0 : i32
        %dma_wait3A_81 = tpu.memref_slice %arg4[%dma_wait3A, %dma_wait3A_80] : memref<100000x128xf32, #tpu.memory_space<hbm>> -> memref<100000x128xf32, #tpu.memory_space<hbm>>
        tpu.wait_indirect_dma semaphore(%arg17 : memref<!tpu.dma_semaphore, #tpu.memory_space<semaphore_mem>>) src(%arg13 : memref<64x128xf32, #tpu.memory_space<vmem>>) dst(%dma_wait3A_81 : memref<100000x128xf32, #tpu.memory_space<hbm>>)
      } else {
      }
    } else {
    }
    return
  }
}

</mosaic_0001>

<sc_bundles>
// kernel: kernel.3.cloned.1.call-start
scs
__scs_entry_jumppad:
0x0: {  	(pc) =	sbr.rel $0x88, $3  }
0x1: {  	(tag) =	ssettag $0x0;
	lr =	simm.s32 $0x1  }
0x2: {  	[smem:$0x3F9E] =	sst lr;
	_ =	strace $0xD0000000  }
0x3: {  	_ = 	snop  }
0x4: {  	_ = 	snop  }
0x5: {  	_ = 	snop  }
0x6: {  	_ = 	snop  }
0x7: {  	_ = 	snop  }
__scs_overlays_trampoline_lowered:
0x8: {  	[smem:$0x3FAD] =	sst s0  }
0x9: {  	[smem:$0x3FAE] =	sst s1  }
0xa: {  	[smem:$0x3FAF] =	sst s2  }
0xb: {  	[smem:$0x3FB0] =	sst s3  }
0xc: {  	[smem:$0x3FB1] =	sst s4  }
0xd: {  	[smem:$0x3FB2] =	sst s5  }
0xe: {  	[smem:$0x3FB3] =	sst s6  }
0xf: {  	[smem:$0x3FB4] =	sst s7  }
0x10: {  	[smem:$0x3FB5] =	sst s8  }
0x11: {  	[smem:$0x3FB6] =	sst s9;
	s0 =	simm.s32 @!p0 $0x0  }
0x12: {  	s1 =	sld [smem:$0x3F9C];
	s0 =	simm.s32 @p0 $0x1  }
0x13: {  	[smem:$0x3FB7] =	sst s0;
	s0 =	simm.s32 @!p1 $0x0  }
0x14: {  	s2 =	sld [smem:$0x3F9B];
	s0 =	simm.s32 @p1 $0x1  }
0x15: {  	[smem:$0x3FB8] =	sst s0;
	s0 =	simm.s32 @!p2 $0x0  }
0x16: {  	s3 =	sld [smem:$0x3FDB];
	s0 =	simm.s32 @p2 $0x1  }
0x17: {  	s4 =	simm.s32 $0x1BF5;
	[smem:$0x3FBA] =	sst s0  }
0x18: {  	s0 =	sld [smem:$0x3F9D];
	_ =	swait.ge [sflag:s4], $0x0  }
0x19: {  	s7 =	sld [smem:$0x3F9E]  }
0x1a: {  	s8 =	sadd.s32 $0xFFFFE003, lr  }
0x1b: {  	s9 =	sadd.s32 $0xFFFFFEF7, lr;
	s5 =	simm.s32 $0xFFFFFFFF;
	p2 =	slt.u32 s8, $0xFFFFF086  }
0x1c: {  	p1 =	slt.u32 s9, $0xF7A;
	s5 =	simm.s32 @!p2 $0x0  }
0x1d: {  	s5 =	simm.s32 @p1 $0x1;
	p0 =	seq.s32 s7, s2  }
0x1e: {  	s7 =	smul.u32 @!p0 $0xF7A, s2;
	p2 =	seq.s32 @!p0 s5, $0x0  }
0x1f: {  	s9 =	smul.u32 $0xF7A, s1;
	s8 =	simm.s32 @!p0 $0x1BF5;
	p2 =	por !p2, p0  }
0x20: {  	[sflag:s8] =	ssyncset.s32 @!p0 $0xFFFFF086;
	s6 =	sadd.s32 @!p0 s3, s7;
	s7 =	simm.s32 @!p0 $0x108  }
0x21: {  	s3 =	sadd.s32 s3, s9;
	s6 =	sadd.s32 @!p0 $0x88, s6;
	s7 =	simm.s32 @p2 $0x1082  }
0x22: {  	[simem:s7], [sflag:s8] =	dma.local @!p0 [hbm:s6], $0xF7A  }
0x23: {  	s9 =	sor.u32 $0xD0000000, s2;
	s6 =	simm.s32 $0x108;
	_ =	swait.ge @!p0 [sflag:s8], $0x0  }
0x24: {  	s3 =	sadd.s32 $0x88, s3;
	s6 =	simm.s32 @!p1 $0x1082;
	[sflag:s4] =	ssyncset.s32 $0xFFFFF086  }
0x25: {  	[simem:s6], [sflag:s4] =	dma.local [hbm:s3], $0xF7A  }
0x26: {  	[smem:$0x3F9E] =	sst s1;
	(tag) =	ssettag s2;
	_ =	strace s9  }
0x27: {  	s1 =	sld [smem:$0x3FAE]  }
0x28: {  	s2 =	sld [smem:$0x3FAF]  }
0x29: {  	s4 =	sld [smem:$0x3FB1]  }
0x2a: {  	p0 =	seq.s32 s5, $0x0;
	s5 =	sld [smem:$0x3FB2]  }
0x2b: {  	s6 =	sld [smem:$0x3FB3]  }
0x2c: {  	s7 =	sld [smem:$0x3FB4]  }
0x2d: {  	s3 =	simm.s32 $0x108;
	s8 =	sld [smem:$0x3FB5]  }
0x2e: {  	s3 =	simm.s32 @!p0 $0x1082;
	s9 =	sld [smem:$0x3FB6]  }
0x2f: {  	lr =	sadd.s32 s0, s3;
	s0 =	sld [smem:$0x3FAD]  }
0x30: {  	s3 =	sld [smem:$0x3FB0]  }
0x31: {  	[smem:$0x3FB9] =	sst s10  }
0x32: {  	s10 =	sld [smem:$0x3FB7];
	_ =	sdelay $0x3  }
0x33: {  	p0 =	seq.s32 s10, $0x1;
	s10 =	sld [smem:$0x3FB9];
	_ =	sdelay $0x3  }
0x34: {  	[smem:$0x3FB9] =	sst s10  }
0x35: {  	s10 =	sld [smem:$0x3FB8];
	_ =	sdelay $0x3  }
0x36: {  	p1 =	seq.s32 s10, $0x1;
	s10 =	sld [smem:$0x3FB9];
	_ =	sdelay $0x3  }
0x37: {  	[smem:$0x3FB9] =	sst s10  }
0x38: {  	s10 =	sld [smem:$0x3FBA]  }
0x39: {  	_ = 	snop;
	(pc) =	sbr.ind lr, $3  }
0x3a: {  	_ = 	snop  }
0x3b: {  	_ = 	snop  }
0x3c: {  	p2 =	seq.s32 s10, $0x1;
	s10 =	sld [smem:$0x3FB9]  }
0x3d: {  	_ =	shalt  }
0x3e: {  	_ =	shalt  }
0x3f: {  	_ =	shalt  }
0x40: {  	_ =	shalt  }
0x41: {  	_ =	shalt  }
0x42: {  	_ =	shalt  }
0x43: {  	_ =	shalt  }
0x44: {  	_ =	shalt  }
0x45: {  	_ =	shalt  }
0x46: {  	_ =	shalt  }
0x47: {  	_ =	shalt  }
0x48: {  	_ =	shalt  }
0x49: {  	_ =	shalt  }
0x4a: {  	_ =	shalt  }
0x4b: {  	_ =	shalt  }
0x4c: {  	_ =	shalt  }
0x4d: {  	_ =	shalt  }
0x4e: {  	_ =	shalt  }
0x4f: {  	_ =	shalt  }
0x50: {  	_ =	shalt  }
0x51: {  	_ =	shalt  }
0x52: {  	_ =	shalt  }
0x53: {  	_ =	shalt  }
0x54: {  	_ =	shalt  }
0x55: {  	_ =	shalt  }
0x56: {  	_ =	shalt  }
0x57: {  	_ =	shalt  }
0x58: {  	_ =	shalt  }
0x59: {  	_ =	shalt  }
0x5a: {  	_ =	shalt  }
0x5b: {  	_ =	shalt  }
0x5c: {  	_ =	shalt  }
0x5d: {  	_ =	shalt  }
0x5e: {  	_ =	shalt  }
0x5f: {  	_ =	shalt  }
0x60: {  	_ =	shalt  }
0x61: {  	_ =	shalt  }
0x62: {  	_ =	shalt  }
0x63: {  	_ =	shalt  }
0x64: {  	_ =	shalt  }
0x65: {  	_ =	shalt  }
0x66: {  	_ =	shalt  }
0x67: {  	_ =	shalt  }
0x68: {  	_ =	shalt  }
0x69: {  	_ =	shalt  }
0x6a: {  	_ =	shalt  }
0x6b: {  	_ =	shalt  }
0x6c: {  	_ =	shalt  }
0x6d: {  	_ =	shalt  }
0x6e: {  	_ =	shalt  }
0x6f: {  	_ =	shalt  }
0x70: {  	_ =	shalt  }
0x71: {  	_ =	shalt  }
0x72: {  	_ =	shalt  }
0x73: {  	_ =	shalt  }
0x74: {  	_ =	shalt  }
0x75: {  	_ =	shalt  }
0x76: {  	_ =	shalt  }
0x77: {  	_ =	shalt  }
0x78: {  	_ =	shalt  }
0x79: {  	_ =	shalt  }
0x7a: {  	_ =	shalt  }
0x7b: {  	_ =	shalt  }
0x7c: {  	_ =	shalt  }
0x7d: {  	_ =	shalt  }
0x7e: {  	_ =	shalt  }
0x7f: {  	_ =	shalt  }
0x80: {  	_ =	shalt  }
0x81: {  	_ =	shalt  }
0x82: {  	_ =	shalt  }
0x83: {  	_ =	shalt  }
0x84: {  	_ =	shalt  }
0x85: {  	_ =	shalt  }
0x86: {  	_ =	shalt  }
0x87: {  	_ =	shalt  }
.Lfunc_end0:
.L_simem_size_0:
called_computation_lowered:
.L_overlay_start_0:
0x88: {  	s2 =	sld [smem:$0x3FD9]  }
0x89: {  	s3 =	sld [smem:$0x3FFE];
	_ =	sdelay $0x1  }
0x8a: {  	s1 =	srdreg.scid  }
0x8b: {  	s0 =	sand.u32 $0x1, s1  }
0x8c: {  	s18 =	sshll.u32 s0, $0xA;
	s2 =	sadd.s32 s3, s2  }
0x8d: {  	s2 =	sadd.s32 s2, s18  }
0x8e: {  	[smem:$0x3FC5] =	sst s2  }
0x8f: {  	_ = 	snop  }
0x90: {  	s2 =	sld [smem:$0x3FC8]  }
0x91: {  	s19 =	sld [smem:$0x3FC7]  }
0x92: {  	s4 =	sld [smem:$0x3FD0];
	(tm) =	ssettm $0x1  }
0x93: {  	s5 =	sld [smem:$0x3FFB];
	_ =	sdelay $0x3  }
0x94: {  	_ =	strace s5  }
0x95: {  	s5 =	sld [smem:$0x3FFC];
	_ =	sdelay $0x3  }
0x96: {  	_ =	strace s5  }
0x97: {  	s5 =	sld [smem:$0x3FFD];
	_ =	sdelay $0x3  }
0x98: {  	_ =	strace s5  }
0x99: {  	_ =	strace $0x8FFFFFFF  }
0x9a: {  	s20 =	sld [smem:$0x3FDB];
	_ =	sdelay $0x1  }
0x9b: {  	s6 =	simm.s32 $_scs_section_size  }
0x9c: {  	s7 =	simm.s32 $_size__tile_overlayer_lowered;
	s8 =	simm.s32 $_tile_overlayer_lowered  }
0x9d: {  	s23 =	simm.s32 $0x1BFF;
	s22 =	sshll.u32 s8, $0x1;
	s5 =	sadd.s32 s6, s20  }
0x9e: {  	s9 =	simm.s32 $0x0;
	s21 =	sshll.u32 s7, $0x1;
	s7 =	sadd.s32 s22, s5  }
0x9f: {  	[timem:s9], [sflag:s23] =	dma.local [hbm:s7], s21  }
0xa0: {  	_ =	swait.ge [sflag:s23], s21  }
0xa1: {  	s6 =	ssub.s32 $0x0, s21;
	[sflag:s23] =	ssyncset.done $0x0  }
0xa2: {  	[sflag:s23] =	ssyncadd.s32 s6;
	_ =	sdelay $0x1  }
0xa3: {  	s24 =	simm.s32 $0x1B8B  }
0xa4: {  	_ =	swait.ge [sflag:s24], $0x1  }
0xa5: {  	[sflag:s24] =	ssyncset.done $0x0  }
0xa6: {  	s25 =	simm.s32 $0x1B8E;
	[sflag:s24] =	ssyncadd.s32 $0xFFFFFFFF  }
0xa7: {  	s26 =	simm.s32 $execute0_lowered;
	[smem:$0x3FD2] =	sst s25  }
0xa8: {  	s6 =	sshll.u32 s26, $0x1;
	_ =	strace $0x80000046;
	[dreg:$0x1] =	wrdreg $0xFFFFFFFF  }
0xa9: {  	s28 =	simm.s32 $_size_execute0_lowered;
	s5 =	sadd.s32 s5, s6;
	[dreg:$0x0] =	wrdreg $0x0  }
0xaa: {  	s6 =	sshll.u32 s28, $0x1;
	[dreg:$0x2] =	wrdreg s5  }
0xab: {  	[dreg:$0x3] =	wrdreg s6  }
0xac: {  	[dreg:$0x4] =	wrdreg $0xC0  }
0xad: {  	_ =	task [dreg:s9], $0x5FFFF  }
0xae: {  	[dreg:$0x1] =	wrdreg $0xFFFFFFFF  }
0xaf: {  	[dreg:$0x0] =	wrdreg $0x60  }
0xb0: {  	[dreg:$0x2] =	wrdreg s2  }
0xb1: {  	[dreg:$0x3] =	wrdreg s19  }
0xb2: {  	[dreg:$0x4] =	wrdreg s4  }
0xb3: {  	[dreg:$0x5] =	wrdreg $0x9  }
0xb4: {  	_ =	task.clear_ibuf [dreg:s9], $0x6FFFF;
	_ =	strace $0x90000046  }
0xb5: {  	s29 =	simm.s32 $0x9;
	_ =	strace $0x80000048  }
0xb6: {  	_ =	swait.ge [sflag:s29], $0x1  }
0xb7: {  	[sflag:s29] =	ssyncadd.s32 $0xFFFFFFFF  }
0xb8: {  	_ =	strace $0x90000048  }
0xb9: {  	_ =	sfence  }
0xba: {  	s30 =	sld [smem:$0x0];
	_ =	sdelay $0x2  }
0xbb: {  	s31 =	sshll.u32 s1, $0xD;
	s1 =	sshrl.u32 s1, $0x2  }
0xbc: {  	s3 =	sand.u32 $0x4000, s31;
	s1 =	sadd.s32 s1, s30  }
0xbd: {  	s0 =	sor.u32 s3, s0;
	s1 =	sshll.u32 s1, $0x11  }
0xbe: {  	s0 =	sor.u32 s1, s0  }
0xbf: {  	s0 =	sadd.s32 $0x8F2B, s0  }
0xc0: {  	[sflag:s0] =	ssyncadd.remote.s32 $0x1  }
0xc1: {  	_ =	sfence.sel $0xFFFF  }
0xc2: {  	[dreg:$0x0] =	wrdreg $0xFFFFFFFF;
	(pc) =	sbr.abs _section_cstart, $3  }
0xc3: {  	[dreg:$0x1] =	wrdreg $0xFFFFFFFF  }
0xc4: {  	_ =	task.clear_ibuf [dreg:s9], $0x2FFFF;
	_ =	strace $0x9FFFFFFF  }
0xc5: {  	(tm) =	ssettm $0x7FFFFFFF  }
tec
execute0_lowered:
.L_overlay_start_1:
0x0: {  	(tag) =	ssettag $0x1  }
0x1: {  	s1 =	rddreg [dreg:$0x0]  }
0x2: {  	s2 =	rddreg [dreg:$0x1];
	s0 =	srdreg.scid  }
0x3: {  	s4 =	rddreg [dreg:$0x2];
	s3 =	stileid.u32;
	s9 =	simm.s32 $0xAE0  }
0x4: {  	s12 =	simm.s32 $0x6680;
	s13 =	simm.s32 $0x6580;
	s14 =	simm.s32 $0x0  }
0x5: {  	s5 =	sand.u32 $0x1, s0;
	s0 =	rddreg [dreg:$0x3];
	s31 =	smul.u32 $0x1880, s3  }
0x6: {  	_ =	strace $0x80000047;
	s8 =	sshll.u32 s3, $0x1;
	s10 =	smul.u32 $0xC40, s5  }
.Ltmp0:
0x7: {  	s6 =	ssub.s32 $0x2, s5;
	s30 =	sor.u32 s5, s8;
	(pc) =	sbr.rel .LBB2_1-.Ltmp0, $4  }
0x8: {  	s8 =	simm.s32 $0x5;
	s7 =	sshrl.u32 s6, $0x1;
	p0 =	seq.s32 s30, $0x1F  }
0x9: {  	s11 =	smul.u32 $0xC40, s30;
	s6 =	ssub.s32 s6, s7;
	s9 =	simm.s32 @!p0 $0xC40  }
0xa: {  	v2 =	vimm.s32 $0xFFFFFFFF;
	v3 =	vlaneseq.u32;
	s7 =	simm.s32 $0x0;
	s5 =	smax.u32 s6, $0x1;
	s6 =	sadd.s32 s10, s31  }
0xb: {  	v4 =	vimm.s32 $0x0;
	v0 =	vmov s11;
	v1 =	vmov s9;
	s9 =	simm.s32 $0x4000;
	s10 =	simm.s32 $0x40;
	s11 =	simm.s32 $0x5900  }
.LBB2_10:
0xc: {  	s20 =	simm.s32 $0x5980  }
.LBB2_15:
0xd: {  	p0 =	por p0, !p1  }
0xe: {  	s19 =	simm.s32 @p3 $0x3;
	s20 =	sadd.s32 @p1 $0x40, s20;
	[tilespmem:$0x65B0] =	vst @!p0 v5  }
0xf: {  	[hbm4b:s4+s24] =	stream.indirect.scatter @!p0 [tilespmem:s23], [sflag:$0x3], $0x80, s25, s24, $0xb8;
	[tilespmem:$0xA680] =	vst v63  }
0x10: {  	s22 =	simm.s32 @p3 $0x2;
	p0 =	sge.s32 @p3 s21, s18;
	_ =	swait.ge @p3 [sflag:s19], $0x2000  }
0x11: {  	s17 =	smov.u32 @p1 s20;
	p0 =	por p0, !p3;
	[sflag:s19] =	ssyncset.done @p3 $0x0  }
0x12: {  	s23 =	simm.s32 @!p0 $0x6680;
	[sflag:s19] =	ssyncadd.s32 @p3 $0xFFFFE000;
	s19 =	simm.s32 @!p0 $0x40  }
0x13: {  	[tilespmem:s23], [sflag:$0x1] =	stream.indirect.gather @!p0 [hbm4b:s2+s19], $0x80, s17, s19, $0xb8;
	[tilespmem:$0xA680] =	vst v63  }
0x14: {  	p0 =	por p3, p3;
	_ =	swait.ge @p3 [sflag:s22], $0x2000  }
0x15: {  	[sflag:s22] =	ssyncset.done @p0 $0x0  }
0x16: {  	[sflag:s22] =	ssyncadd.s32 @p0 $0xFFFFE000  }
0x17: {  	v5 =	vld @p0 [tilespmem:s16+$0xFFFFFFD0];
	_ =	sdelay $0x4  }
0x18: {  	[tilespmem:$0x6600] =	vst @p0 v5  }
0x19: {  	v5 =	vld @p0 [tilespmem:s16+$0xFFFFFFE0];
	_ =	sdelay $0x4  }
0x1a: {  	[tilespmem:$0x6610] =	vst @p0 v5  }
0x1b: {  	v5 =	vld @p0 [tilespmem:s16+$0xFFFFFFF0];
	_ =	sdelay $0x4  }
0x1c: {  	[tilespmem:$0x6620] =	vst @p0 v5  }
0x1d: {  	v5 =	vld @p0 [tilespmem:s16+$0x0];
	_ =	sdelay $0x3  }
0x1e: {  	s19 =	simm.s32 @!p0 $0x4  }
0x1f: {  	s20 =	simm.s32 @p0 $0x40;
	s23 =	simm.s32 @p0 $0x8680;
	s22 =	simm.s32 @p0 $0x6600;
	[tilespmem:$0x6630] =	vst @p0 v5  }
0x20: {  	[hbm4b:s4+s20] =	stream.indirect.scatter @p0 [tilespmem:s23], [sflag:$0x4], $0x80, s22, s20, $0xb8;
	[tilespmem:$0xA680] =	vst v63  }
0x21: {  	p1 =	sge.s32 @!p0 s21, s18;
	_ =	swait.ge @!p0 [sflag:s19], $0x2000  }
0x22: {  	s18 =	simm.s32 @!p0 $0x1;
	p1 =	por p1, p0;
	[sflag:s19] =	ssyncset.done @!p0 $0x0  }
0x23: {  	s20 =	simm.s32 @!p1 $0x8680;
	[sflag:s19] =	ssyncadd.s32 @!p0 $0xFFFFE000;
	s19 =	simm.s32 @!p1 $0x40  }
0x24: {  	[tilespmem:s20], [sflag:$0x2] =	stream.indirect.gather @!p1 [hbm4b:s2+s19], $0x80, s17, s19, $0xb8;
	[tilespmem:$0xA680] =	vst v63  }
0x25: {  	_ =	swait.ge @!p0 [sflag:s18], $0x2000  }
0x26: {  	[sflag:s18] =	ssyncset.done @!p0 $0x0  }
0x27: {  	[sflag:s18] =	ssyncadd.s32 @!p0 $0xFFFFE000  }
0x28: {  	v5 =	vld @!p0 [tilespmem:s16+$0xFFFFFFD0];
	_ =	sdelay $0x4  }
0x29: {  	[tilespmem:$0x6580] =	vst @!p0 v5  }
0x2a: {  	v5 =	vld @!p0 [tilespmem:s16+$0xFFFFFFE0];
	_ =	sdelay $0x4  }
0x2b: {  	[tilespmem:$0x6590] =	vst @!p0 v5  }
0x2c: {  	v5 =	vld @!p0 [tilespmem:s16+$0xFFFFFFF0];
	_ =	sdelay $0x4  }
0x2d: {  	[tilespmem:$0x65A0] =	vst @!p0 v5  }
0x2e: {  	v5 =	vld @!p0 [tilespmem:s16+$0x0];
	_ =	sdelay $0x3  }
0x2f: {  	s15 =	sand.u32 $0x1, s15  }
0x30: {  	s17 =	simm.s32 @!p0 $0x40;
	s18 =	simm.s32 @!p0 $0x6580;
	s16 =	simm.s32 @!p0 $0x6680;
	[tilespmem:$0x65B0] =	vst @!p0 v5  }
0x31: {  	[hbm4b:s4+s17] =	stream.indirect.scatter @!p0 [tilespmem:s16], [sflag:$0x3], $0x80, s18, s17, $0xb8;
	[tilespmem:$0xA680] =	vst v63  }
0x32: {  	p0 =	seq.s32 s15, $0x1;
	s16 =	simm.s32 $0x3  }
0x33: {  	s16 =	simm.s32 @!p0 $0x4  }
.LBB2_16:
0x34: {  	_ =	swait.ge [sflag:s16], $0x2000  }
0x35: {  	[sflag:s16] =	ssyncset.done $0x0  }
0x36: {  	[sflag:s16] =	ssyncadd.s32 $0xFFFFE000  }
.LBB2_17:
0x37: {  	s14 =	sadd.s32 $0x1, s14  }
0x38: {  	p0 =	sne.s32 s14, s5  }
.Ltmp1:
0x39: {  	_ = 	snop;
	(pc) =	sbr.rel @!p0 .LBB2_18-.Ltmp1, $1  }
0x3a: {  	_ =	sdelay $0x3  }
.LBB2_1:
0x3b: {  	[tilespmem:s7], [sflag:$0x5] =	stream.linear.gather [hbm4b:s1+s7], $0x4000, $0x38;
	[tilespmem:$0xA680] =	vst v63  }
0x3c: {  	_ =	swait.ge [sflag:s8], $0x4000  }
0x3d: {  	[sflag:s8] =	ssyncset.done $0x0  }
0x3e: {  	s15 =	simm.s32 $0x0;
	[sflag:s8] =	ssyncadd.s32 $0xFFFFC000  }
.LBB2_2:
0x3f: {  	p0 =	sne.s32 s15, $0x3000  }
.Ltmp2:
0x40: {  	s16 =	sshra.s32 s15, $0x2;
	(pc) =	sbr.rel @p0 .LBB2_2-.Ltmp2, $4  }
0x41: {  	[tilespmem:s16+$0x4000] =	vst v2  }
0x42: {  	[tilespmem:s16+$0x4010] =	vst v2  }
0x43: {  	[tilespmem:s16+$0x4020] =	vst v2  }
0x44: {  	s15 =	sadd.s32 $0x100, s15;
	[tilespmem:s16+$0x4030] =	vst v2  }
0x45: {  	s15 =	simm.s32 $0x0;
	s16 =	simm.s32 $0x200;
	s17 =	simm.s32 $0x0  }
.LBB2_4:
0x46: {  	v5 =	vld [tilespmem:s16+$0xFFFFFE00]  }
0x47: {  	v6 =	vld [tilespmem:s16+$0xFFFFFE10]  }
0x48: {  	v7 =	vld [tilespmem:s16+$0xFFFFFE20]  }
0x49: {  	v8 =	vld [tilespmem:s16+$0xFFFFFE30]  }
0x4a: {  	v9 =	vld [tilespmem:s16+$0xFFFFFE40]  }
0x4b: {  	v10 =	vld [tilespmem:s16+$0xFFFFFE50];
	v11 =	vsub.s32 v5, v0  }
0x4c: {  	v12 =	vld [tilespmem:s16+$0xFFFFFE60];
	v13 =	vsub.s32 v6, v0;
	vm9 =	vlt.u32 v11, v1  }
0x4d: {  	v14 =	vld [tilespmem:s16+$0xFFFFFE70];
	v15 =	vsub.s32 v7, v0;
	vm10 =	vlt.u32 v13, v1;
	(xrf1) =	vunique.msk.u32 vm9, v5  }
0x4e: {  	v16 =	vsub.s32 v8, v0;
	vm11 =	vlt.u32 v15, v1;
	v5 =	vld [tilespmem:s16+$0xFFFFFE80];
	(xrf1) =	vunique.msk.u32 vm10, v6  }
0x4f: {  	v17 =	vsub.s32 v9, v0;
	vm13 =	vlt.u32 v16, v1;
	v6 =	vld [tilespmem:s16+$0xFFFFFE90];
	(xrf1) =	vunique.msk.u32 vm11, v7  }
0x50: {  	v18 =	vsub.s32 v10, v0;
	vm14 =	vlt.u32 v17, v1;
	v7 =	vld [tilespmem:s16+$0xFFFFFEA0];
	(xrf1) =	vunique.msk.u32 vm13, v8  }
0x51: {  	v39 =	vld [tilespmem:s16+$0xFFFFFEB0];
	v19 =	vsub.s32 v12, v0;
	vm15 =	vlt.u32 v18, v1;
	(xrf1) =	vunique.msk.u32 vm14, v9  }
0x52: {  	v40 =	vld [tilespmem:s16+$0xFFFFFEC0];
	v20 =	vsub.s32 v14, v0;
	vm12 =	vlt.u32 v19, v1;
	(xrf1) =	vunique.msk.u32 vm15, v10  }
0x53: {  	v41 =	vld [tilespmem:s16+$0xFFFFFED0];
	vm8 =	vlt.u32 v20, v1;
	v21 =	vsub.s32 v5, v0;
	(xrf1) =	vunique.msk.u32 vm12, v12  }
0x54: {  	v42 =	vld [tilespmem:s16+$0xFFFFFEE0];
	v22 =	vsub.s32 v6, v0;
	vm7 =	vlt.u32 v21, v1;
	(xrf1) =	vunique.msk.u32 vm8, v14  }
0x55: {  	v43 =	vld [tilespmem:s16+$0xFFFFFEF0];
	v23 =	vsub.s32 v7, v0;
	vm6 =	vlt.u32 v22, v1;
	(xrf1) =	vunique.msk.u32 vm7, v5  }
0x56: {  	v5 =	vsub.s32 v39, v0;
	vm5 =	vlt.u32 v23, v1;
	(xrf1) =	vunique.msk.u32 vm6, v6  }
0x57: {  	v24 =	vimm.s32 $0x0;
	v6 =	vsub.s32 v40, v0;
	vm4 =	vlt.u32 v5, v1;
	(xrf1) =	vunique.msk.u32 vm5, v7  }
0x58: {  	v46 =	vimm.s32 $0x0;
	v7 =	vsub.s32 v41, v0;
	vm3 =	vlt.u32 v6, v1;
	(xrf1) =	vunique.msk.u32 vm4, v39  }
0x59: {  	v47 =	vimm.s32 $0x0;
	v44 =	vsub.s32 v42, v0;
	vm1 =	vlt.u32 v7, v1;
	(xrf1) =	vunique.msk.u32 vm3, v40  }
0x5a: {  	v45 =	vsub.s32 v43, v0;
	vm0 =	vlt.u32 v44, v1;
	v24 =	vsel vm1, $0xFFFFFFFF, v24;
	(xrf1) =	vunique.msk.u32 vm1, v41  }
0x5b: {  	[tilespmem:$0x1FF40] =	vst v24;
	v24 =	vsel vm0, $0xFFFFFFFF, v46;
	vm1 =	vlt.u32 v45, v1;
	(xrf1) =	vunique.msk.u32 vm0, v42;
	_, v48, vm0 =	vpop (xrf1)  }
0x5c: {  	v10 =	vsel vm1, $0xFFFFFFFF, v47;
	vm0 =	vmand vm9, vm0;
	(xrf1) =	vunique.msk.u32 vm1, v43;
	_, v49, vm1 =	vpop (xrf1)  }
0x5d: {  	[tilespmem:$0x1FF60] =	vst v10;
	v10 =	vnsel vm0, $0x0, v11;
	_, v50, vm2 =	vpop (xrf1)  }
0x5e: {  	_, v51, vm9 =	vpop (xrf1)  }
0x5f: {  	vm13 =	vmand vm13, vm9;
	_, v52, vm9 =	vpop (xrf1)  }
0x60: {  	vm2 =	vmand vm11, vm2;
	vm11 =	vmand vm14, vm9;
	_, v53, vm14 =	vpop (xrf1)  }
0x61: {  	v14 =	vor.u32 s17, v3;
	vm1 =	vmand vm10, vm1;
	vm9 =	vmand vm15, vm14;
	_, v55, vm14 =	vpop (xrf1)  }
0x62: {  	s18 =	sadd.s32 $0x10, s17;
	v11 =	vnsel vm1, $0x0, v13;
	[tilespmem:v10+s9+$0x0] =	vst.idx.msk vm0, v14;
	_, v10, vm0 =	vpop (xrf1)  }
0x63: {  	v10 =	vor.u32 s18, v3  }
0x64: {  	v12 =	vnsel vm2, $0x0, v15  }
0x65: {  	v13 =	vnsel vm13, $0x0, v16  }
0x66: {  	v54 =	vnsel vm11, $0x0, v17  }
0x67: {  	s19 =	sadd.s32 $0x20, s17;
	v56 =	vnsel vm9, $0x0, v18;
	[tilespmem:v11+s9+$0x0] =	vst.idx.msk vm1, v10;
	_, v10, vm1 =	vpop (xrf1)  }
0x68: {  	s25 =	sadd.s32 $0x30, s17;
	[tilespmem:$0x1FF50] =	vst v24;
	v10 =	vor.u32 s19, v3;
	_, v58, vm15 =	vpop (xrf1)  }
0x69: {  	s26 =	sadd.s32 $0x40, s17;
	v59 =	vor.u32 s25, v3;
	vm10 =	vmand vm12, vm14;
	vm8 =	vmand vm8, vm0;
	v11 =	vld [tilespmem:$0x1FF40];
	[tilespmem:v12+s9+$0x0] =	vst.idx.msk vm2, v10;
	_, v61, vm12 =	vpop (xrf1)  }
0x6a: {  	s28 =	sadd.s32 $0x50, s17;
	v62 =	vor.u32 s26, v3;
	v60 =	vnsel vm8, $0x0, v20;
	vm7 =	vmand vm7, vm1;
	[tilespmem:v13+s9+$0x0] =	vst.idx.msk vm13, v59;
	_, v20, vm14 =	vpop (xrf1)  }
0x6b: {  	v63 =	vnsel vm7, $0x0, v21;
	vm0 =	vmand vm6, vm15;
	v21 =	vor.u32 s28, v3;
	[tilespmem:v54+s9+$0x0] =	vst.idx.msk vm11, v62;
	_, v24, vm15 =	vpop (xrf1)  }
0x6c: {  	[tilespmem:v56+s9+$0x0] =	vst.idx.msk vm9, v21;
	_, v27, vm9 =	vpop (xrf1)  }
0x6d: {  	_, v29, vm11 =	vpop (xrf1)  }
0x6e: {  	v57 =	vnsel vm10, $0x0, v19;
	vm1 =	vmand vm5, vm12;
	vm12 =	vnez.u8 v11;
	_, v11, vm13 =	vpop (xrf1)  }
0x6f: {  	v11 =	vld [tilespmem:$0x1FF50]  }
0x70: {  	s29 =	sadd.s32 $0x60, s17;
	s30 =	sadd.s32 $0x70, s17;
	v33 =	vld [tilespmem:$0x1FF60]  }
0x71: {  	s31 =	sadd.s32 $0x80, s17;
	v25 =	vor.u32 s29, v3;
	v28 =	vor.u32 s30, v3;
	v22 =	vnsel vm0, $0x0, v22  }
0x72: {  	s20 =	sadd.s32 $0x90, s17;
	v30 =	vor.u32 s31, v3;
	v26 =	vnsel vm1, $0x0, v23;
	vm2 =	vmand vm4, vm14  }
0x73: {  	v31 =	vor.u32 s20, v3;
	v5 =	vnsel vm2, $0x0, v5;
	vm3 =	vmand vm3, vm15;
	[tilespmem:v57+s9+$0x0] =	vst.idx.msk vm10, v25  }
0x74: {  	v6 =	vnsel vm3, $0x0, v6;
	vm4 =	vmand vm12, vm9;
	[tilespmem:v60+s9+$0x0] =	vst.idx.msk vm8, v28;
	vm14 =	vnez.u8 v11  }
0x75: {  	s21 =	sadd.s32 $0xA0, s17;
	vm15 =	vnez.u8 v33;
	v7 =	vnsel vm4, $0x0, v7;
	[tilespmem:v63+s9+$0x0] =	vst.idx.msk vm7, v30;
	vm5 =	vmand vm14, vm11  }
0x76: {  	s22 =	sadd.s32 $0xB0, s17;
	v32 =	vor.u32 s21, v3;
	[tilespmem:v22+s9+$0x0] =	vst.idx.msk vm0, v31;
	vm0 =	vmand vm15, vm13;
	v8 =	vnsel vm5, $0x0, v44  }
0x77: {  	s23 =	sadd.s32 $0xC0, s17;
	v34 =	vor.u32 s22, v3;
	[tilespmem:v26+s9+$0x0] =	vst.idx.msk vm1, v32;
	v9 =	vnsel vm0, $0x0, v45  }
0x78: {  	s24 =	sadd.s32 $0xD0, s17;
	[tilespmem:v5+s9+$0x0] =	vst.idx.msk vm2, v34;
	v5 =	vor.u32 s23, v3  }
0x79: {  	s25 =	sadd.s32 $0xE0, s17;
	[tilespmem:v6+s9+$0x0] =	vst.idx.msk vm3, v5;
	v5 =	vor.u32 s24, v3  }
0x7a: {  	s26 =	sadd.s32 $0xF0, s17;
	[tilespmem:v7+s9+$0x0] =	vst.idx.msk vm4, v5;
	v5 =	vor.u32 s25, v3  }
0x7b: {  	[tilespmem:v8+s9+$0x0] =	vst.idx.msk vm5, v5;
	v5 =	vor.u32 s26, v3  }
0x7c: {  	[tilespmem:v9+s9+$0x0] =	vst.idx.msk vm0, v5  }
0x7d: {  	v5 =	vld [tilespmem:s16+$0xFFFFFF00]  }
0x7e: {  	v6 =	vld [tilespmem:s16+$0xFFFFFF10]  }
0x7f: {  	v7 =	vld [tilespmem:s16+$0xFFFFFF20]  }
0x80: {  	v8 =	vld [tilespmem:s16+$0xFFFFFF30]  }
0x81: {  	v9 =	vld [tilespmem:s16+$0xFFFFFF40]  }
0x82: {  	v10 =	vld [tilespmem:s16+$0xFFFFFF50];
	v35 =	vsub.s32 v5, v0  }
0x83: {  	v12 =	vld [tilespmem:s16+$0xFFFFFF60];
	v36 =	vsub.s32 v6, v0;
	vm9 =	vlt.u32 v35, v1  }
0x84: {  	v14 =	vld [tilespmem:s16+$0xFFFFFF70];
	v37 =	vsub.s32 v7, v0;
	vm10 =	vlt.u32 v36, v1;
	(xrf1) =	vunique.msk.u32 vm9, v5  }
0x85: {  	v16 =	vsub.s32 v8, v0;
	vm12 =	vlt.u32 v37, v1;
	v5 =	vld [tilespmem:s16+$0xFFFFFF80];
	(xrf1) =	vunique.msk.u32 vm10, v6  }
0x86: {  	v38 =	vsub.s32 v9, v0;
	vm13 =	vlt.u32 v16, v1;
	v6 =	vld [tilespmem:s16+$0xFFFFFF90];
	(xrf1) =	vunique.msk.u32 vm12, v7  }
0x87: {  	v39 =	vsub.s32 v10, v0;
	vm14 =	vlt.u32 v38, v1;
	v7 =	vld [tilespmem:s16+$0xFFFFFFA0];
	(xrf1) =	vunique.msk.u32 vm13, v8  }
0x88: {  	v40 =	vld [tilespmem:s16+$0xFFFFFFB0];
	v41 =	vsub.s32 v12, v0;
	vm15 =	vlt.u32 v39, v1;
	(xrf1) =	vunique.msk.u32 vm14, v9  }
0x89: {  	v42 =	vld [tilespmem:s16+$0xFFFFFFC0];
	v43 =	vsub.s32 v14, v0;
	vm11 =	vlt.u32 v41, v1;
	(xrf1) =	vunique.msk.u32 vm15, v10  }
0x8a: {  	v44 =	vld [tilespmem:s16+$0xFFFFFFD0];
	vm8 =	vlt.u32 v43, v1;
	v45 =	vsub.s32 v5, v0;
	(xrf1) =	vunique.msk.u32 vm11, v12  }
0x8b: {  	v46 =	vld [tilespmem:s16+$0xFFFFFFE0];
	v47 =	vsub.s32 v6, v0;
	vm7 =	vlt.u32 v45, v1;
	(xrf1) =	vunique.msk.u32 vm8, v14  }
0x8c: {  	v48 =	vld [tilespmem:s16+$0xFFFFFFF0];
	v49 =	vsub.s32 v7, v0;
	vm6 =	vlt.u32 v47, v1;
	(xrf1) =	vunique.msk.u32 vm7, v5  }
0x8d: {  	v5 =	vsub.s32 v40, v0;
	vm5 =	vlt.u32 v49, v1;
	(xrf1) =	vunique.msk.u32 vm6, v6  }
0x8e: {  	v51 =	vimm.s32 $0x0;
	v6 =	vsub.s32 v42, v0;
	vm4 =	vlt.u32 v5, v1;
	(xrf1) =	vunique.msk.u32 vm5, v7  }
0x8f: {  	v53 =	vimm.s32 $0x0;
	v7 =	vsub.s32 v44, v0;
	vm3 =	vlt.u32 v6, v1;
	(xrf1) =	vunique.msk.u32 vm4, v40  }
0x90: {  	v54 =	vimm.s32 $0x0;
	v50 =	vsub.s32 v46, v0;
	vm1 =	vlt.u32 v7, v1;
	(xrf1) =	vunique.msk.u32 vm3, v42  }
0x91: {  	v52 =	vsub.s32 v48, v0;
	vm0 =	vlt.u32 v50, v1;
	v24 =	vsel vm1, $0xFFFFFFFF, v51;
	(xrf1) =	vunique.msk.u32 vm1, v44  }
0x92: {  	[tilespmem:$0x1FF70] =	vst v24;
	v24 =	vsel vm0, $0xFFFFFFFF, v53;
	vm1 =	vlt.u32 v52, v1;
	(xrf1) =	vunique.msk.u32 vm0, v46;
	_, v55, vm0 =	vpop (xrf1)  }
0x93: {  	v10 =	vsel vm1, $0xFFFFFFFF, v54;
	vm0 =	vmand vm9, vm0;
	(xrf1) =	vunique.msk.u32 vm1, v48;
	_, v56, vm1 =	vpop (xrf1)  }
0x94: {  	[tilespmem:$0x1FF90] =	vst v10;
	v10 =	vnsel vm0, $0x0, v35;
	_, v57, vm2 =	vpop (xrf1)  }
0x95: {  	vm2 =	vmand vm12, vm2;
	_, v58, vm12 =	vpop (xrf1)  }
0x96: {  	vm13 =	vmand vm13, vm12;
	_, v59, vm12 =	vpop (xrf1)  }
0x97: {  	s28 =	sadd.s32 $0x100, s17;
	vm12 =	vmand vm14, vm12;
	_, v60, vm14 =	vpop (xrf1)  }
0x98: {  	v14 =	vor.u32 s28, v3;
	vm1 =	vmand vm10, vm1;
	vm9 =	vmand vm15, vm14;
	_, v62, vm14 =	vpop (xrf1)  }
0x99: {  	s29 =	sadd.s32 $0x110, s17;
	v11 =	vnsel vm1, $0x0, v36;
	[tilespmem:v10+s9+$0x0] =	vst.idx.msk vm0, v14;
	_, v10, vm0 =	vpop (xrf1)  }
0x9a: {  	v10 =	vor.u32 s29, v3  }
0x9b: {  	v12 =	vnsel vm2, $0x0, v37  }
0x9c: {  	v13 =	vnsel vm13, $0x0, v16  }
0x9d: {  	v61 =	vnsel vm12, $0x0, v38  }
0x9e: {  	s30 =	sadd.s32 $0x120, s17;
	v63 =	vnsel vm9, $0x0, v39;
	[tilespmem:v11+s9+$0x0] =	vst.idx.msk vm1, v10;
	_, v10, vm1 =	vpop (xrf1)  }
0x9f: {  	s31 =	sadd.s32 $0x130, s17;
	v10 =	vor.u32 s30, v3;
	_, v25, vm15 =	vpop (xrf1)  }
0xa0: {  	s20 =	sadd.s32 $0x140, s17;
	v26 =	vor.u32 s31, v3;
	vm10 =	vmand vm11, vm14;
	v11 =	vld [tilespmem:$0x1FF70];
	[tilespmem:v12+s9+$0x0] =	vst.idx.msk vm2, v10;
	_, v28, vm11 =	vpop (xrf1)  }
0xa1: {  	s21 =	sadd.s32 $0x150, s17;
	v29 =	vor.u32 s20, v3;
	[tilespmem:v13+s9+$0x0] =	vst.idx.msk vm13, v26;
	_, v31, vm14 =	vpop (xrf1)  }
0xa2: {  	v32 =	vor.u32 s21, v3;
	vm8 =	vmand vm8, vm0;
	vm0 =	vmand vm6, vm15;
	[tilespmem:v61+s9+$0x0] =	vst.idx.msk vm12, v29;
	_, v34, vm15 =	vpop (xrf1)  }
0xa3: {  	[tilespmem:v63+s9+$0x0] =	vst.idx.msk vm9, v32;
	_, v37, vm9 =	vpop (xrf1)  }
0xa4: {  	vm7 =	vmand vm7, vm1;
	vm1 =	vmand vm5, vm11;
	_, v39, vm11 =	vpop (xrf1)  }
0xa5: {  	[tilespmem:$0x1FF80] =	vst v24;
	v24 =	vnsel vm10, $0x0, v41;
	vm12 =	vnez.u8 v11;
	_, v11, vm13 =	vpop (xrf1)  }
0xa6: {  	v27 =	vnsel vm8, $0x0, v43;
	v11 =	vld [tilespmem:$0x1FF80]  }
0xa7: {  	s22 =	sadd.s32 $0x160, s17;
	s24 =	sadd.s32 $0x180, s17;
	v43 =	vld [tilespmem:$0x1FF90];
	v30 =	vnsel vm7, $0x0, v45  }
0xa8: {  	s23 =	sadd.s32 $0x170, s17;
	v40 =	vor.u32 s24, v3;
	v35 =	vor.u32 s22, v3;
	v33 =	vnsel vm0, $0x0, v47  }
0xa9: {  	s25 =	sadd.s32 $0x190, s17;
	v38 =	vor.u32 s23, v3;
	v36 =	vnsel vm1, $0x0, v49;
	vm2 =	vmand vm4, vm14  }
0xaa: {  	v41 =	vor.u32 s25, v3;
	v5 =	vnsel vm2, $0x0, v5;
	vm3 =	vmand vm3, vm15;
	[tilespmem:v24+s9+$0x0] =	vst.idx.msk vm10, v35  }
0xab: {  	v6 =	vnsel vm3, $0x0, v6;
	vm4 =	vmand vm12, vm9;
	[tilespmem:v27+s9+$0x0] =	vst.idx.msk vm8, v38;
	vm14 =	vnez.u8 v11  }
0xac: {  	s26 =	sadd.s32 $0x1A0, s17;
	vm15 =	vnez.u8 v43;
	v7 =	vnsel vm4, $0x0, v7;
	[tilespmem:v30+s9+$0x0] =	vst.idx.msk vm7, v40;
	vm5 =	vmand vm14, vm11  }
0xad: {  	s28 =	sadd.s32 $0x1B0, s17;
	v42 =	vor.u32 s26, v3;
	[tilespmem:v33+s9+$0x0] =	vst.idx.msk vm0, v41;
	vm0 =	vmand vm15, vm13;
	v8 =	vnsel vm5, $0x0, v50  }
0xae: {  	v44 =	vor.u32 s28, v3;
	s29 =	sadd.s32 $0x1C0, s17;
	[tilespmem:v36+s9+$0x0] =	vst.idx.msk vm1, v42;
	v9 =	vnsel vm0, $0x0, v52  }
0xaf: {  	s30 =	sadd.s32 $0x1D0, s17;
	[tilespmem:v5+s9+$0x0] =	vst.idx.msk vm2, v44;
	v5 =	vor.u32 s29, v3  }
0xb0: {  	s31 =	sadd.s32 $0x1E0, s17;
	[tilespmem:v6+s9+$0x0] =	vst.idx.msk vm3, v5;
	v5 =	vor.u32 s30, v3  }
0xb1: {  	s20 =	sadd.s32 $0x1F0, s17;
	[tilespmem:v7+s9+$0x0] =	vst.idx.msk vm4, v5;
	v5 =	vor.u32 s31, v3  }
0xb2: {  	[tilespmem:v8+s9+$0x0] =	vst.idx.msk vm5, v5;
	v5 =	vor.u32 s20, v3  }
0xb3: {  	[tilespmem:v9+s9+$0x0] =	vst.idx.msk vm0, v5  }
0xb4: {  	v5 =	vld [tilespmem:s16+$0x0]  }
0xb5: {  	v6 =	vld [tilespmem:s16+$0x10]  }
0xb6: {  	v7 =	vld [tilespmem:s16+$0x20]  }
0xb7: {  	v8 =	vld [tilespmem:s16+$0x30]  }
0xb8: {  	v9 =	vld [tilespmem:s16+$0x40]  }
0xb9: {  	v10 =	vld [tilespmem:s16+$0x50]  }
0xba: {  	v12 =	vld [tilespmem:s16+$0x60];
	v45 =	vsub.s32 v5, v0  }
0xbb: {  	v14 =	vld [tilespmem:s16+$0x70];
	v46 =	vsub.s32 v6, v0;
	vm9 =	vlt.u32 v45, v1  }
0xbc: {  	v50 =	vld [tilespmem:s16+$0xB0];
	v47 =	vsub.s32 v7, v0;
	vm10 =	vlt.u32 v46, v1;
	(xrf1) =	vunique.msk.u32 vm9, v5  }
0xbd: {  	v16 =	vsub.s32 v8, v0;
	vm12 =	vlt.u32 v47, v1;
	v5 =	vld [tilespmem:s16+$0x80];
	(xrf1) =	vunique.msk.u32 vm10, v6  }
0xbe: {  	v48 =	vsub.s32 v9, v0;
	vm13 =	vlt.u32 v16, v1;
	v6 =	vld [tilespmem:s16+$0x90];
	(xrf1) =	vunique.msk.u32 vm12, v7  }
0xbf: {  	v49 =	vsub.s32 v10, v0;
	vm14 =	vlt.u32 v48, v1;
	v7 =	vld [tilespmem:s16+$0xA0];
	(xrf1) =	vunique.msk.u32 vm13, v8  }
0xc0: {  	v52 =	vld [tilespmem:s16+$0xC0];
	v51 =	vsub.s32 v12, v0;
	vm15 =	vlt.u32 v49, v1;
	(xrf1) =	vunique.msk.u32 vm14, v9  }
0xc1: {  	v54 =	vld [tilespmem:s16+$0xD0];
	v53 =	vsub.s32 v14, v0;
	vm11 =	vlt.u32 v51, v1;
	(xrf1) =	vunique.msk.u32 vm15, v10  }
0xc2: {  	v56 =	vld [tilespmem:s16+$0xE0];
	vm8 =	vlt.u32 v53, v1;
	v55 =	vsub.s32 v5, v0;
	(xrf1) =	vunique.msk.u32 vm11, v12  }
0xc3: {  	v57 =	vsub.s32 v6, v0;
	vm7 =	vlt.u32 v55, v1;
	(xrf1) =	vunique.msk.u32 vm8, v14  }
0xc4: {  	v58 =	vld [tilespmem:s16+$0xF0];
	v59 =	vsub.s32 v7, v0;
	vm6 =	vlt.u32 v57, v1;
	(xrf1) =	vunique.msk.u32 vm7, v5  }
0xc5: {  	v61 =	vimm.s32 $0x0;
	v5 =	vsub.s32 v50, v0;
	vm5 =	vlt.u32 v59, v1;
	(xrf1) =	vunique.msk.u32 vm6, v6  }
0xc6: {  	v6 =	vsub.s32 v52, v0;
	vm4 =	vlt.u32 v5, v1;
	(xrf1) =	vunique.msk.u32 vm5, v7;
	v7 =	vsub.s32 v54, v0  }
0xc7: {  	v60 =	vsub.s32 v56, v0;
	vm3 =	vlt.u32 v6, v1;
	(xrf1) =	vunique.msk.u32 vm4, v50;
	vm1 =	vlt.u32 v7, v1  }
0xc8: {  	v63 =	vimm.s32 $0x0;
	vm0 =	vlt.u32 v60, v1;
	v24 =	vsel vm1, $0xFFFFFFFF, v61;
	(xrf1) =	vunique.msk.u32 vm3, v52  }
0xc9: {  	v62 =	vsub.s32 v58, v0;
	[tilespmem:$0x1FFA0] =	vst v24;
	v24 =	vsel vm0, $0xFFFFFFFF, v63;
	(xrf1) =	vunique.msk.u32 vm1, v54  }
0xca: {  	vm1 =	vlt.u32 v62, v1;
	[tilespmem:$0x1FFB0] =	vst v24;
	v24 =	vimm.s32 $0x0;
	(xrf1) =	vunique.msk.u32 vm0, v56;
	_, v25, vm0 =	vpop (xrf1)  }
0xcb: {  	v10 =	vsel vm1, $0xFFFFFFFF, v24;
	vm0 =	vmand vm9, vm0;
	(xrf1) =	vunique.msk.u32 vm1, v58;
	_, v26, vm1 =	vpop (xrf1)  }
0xcc: {  	[tilespmem:$0x1FFC0] =	vst v10;
	v10 =	vnsel vm0, $0x0, v45;
	_, v27, vm2 =	vpop (xrf1)  }
0xcd: {  	vm2 =	vmand vm12, vm2;
	_, v28, vm12 =	vpop (xrf1)  }
0xce: {  	vm13 =	vmand vm13, vm12;
	_, v29, vm12 =	vpop (xrf1)  }
0xcf: {  	s21 =	sadd.s32 $0x200, s17;
	vm12 =	vmand vm14, vm12;
	_, v30, vm14 =	vpop (xrf1)  }
0xd0: {  	v14 =	vor.u32 s21, v3;
	vm1 =	vmand vm10, vm1;
	vm9 =	vmand vm15, vm14;
	_, v32, vm14 =	vpop (xrf1)  }
0xd1: {  	s22 =	sadd.s32 $0x210, s17;
	v11 =	vnsel vm1, $0x0, v46;
	[tilespmem:v10+s9+$0x0] =	vst.idx.msk vm0, v14;
	_, v10, vm0 =	vpop (xrf1)  }
0xd2: {  	v10 =	vor.u32 s22, v3  }
0xd3: {  	v12 =	vnsel vm2, $0x0, v47  }
0xd4: {  	v13 =	vnsel vm13, $0x0, v16  }
0xd5: {  	v31 =	vnsel vm12, $0x0, v48  }
0xd6: {  	s23 =	sadd.s32 $0x220, s17;
	v33 =	vnsel vm9, $0x0, v49;
	[tilespmem:v11+s9+$0x0] =	vst.idx.msk vm1, v10;
	_, v10, vm1 =	vpop (xrf1)  }
0xd7: {  	s24 =	sadd.s32 $0x230, s17;
	v10 =	vor.u32 s23, v3;
	_, v35, vm15 =	vpop (xrf1)  }
0xd8: {  	s25 =	sadd.s32 $0x240, s17;
	v36 =	vor.u32 s24, v3;
	vm10 =	vmand vm11, vm14;
	v11 =	vld [tilespmem:$0x1FFA0];
	[tilespmem:v12+s9+$0x0] =	vst.idx.msk vm2, v10;
	_, v38, vm11 =	vpop (xrf1)  }
0xd9: {  	s26 =	sadd.s32 $0x250, s17;
	v39 =	vor.u32 s25, v3;
	[tilespmem:v13+s9+$0x0] =	vst.idx.msk vm13, v36;
	_, v41, vm14 =	vpop (xrf1)  }
0xda: {  	v42 =	vor.u32 s26, v3;
	vm8 =	vmand vm8, vm0;
	vm0 =	vmand vm6, vm15;
	[tilespmem:v31+s9+$0x0] =	vst.idx.msk vm12, v39;
	_, v44, vm15 =	vpop (xrf1)  }
0xdb: {  	[tilespmem:v33+s9+$0x0] =	vst.idx.msk vm9, v42;
	_, v47, vm9 =	vpop (xrf1)  }
0xdc: {  	vm7 =	vmand vm7, vm1;
	vm1 =	vmand vm5, vm11;
	_, v49, vm11 =	vpop (xrf1)  }
0xdd: {  	v34 =	vnsel vm10, $0x0, v51;
	vm12 =	vnez.u8 v11;
	_, v11, vm13 =	vpop (xrf1)  }
0xde: {  	v37 =	vnsel vm8, $0x0, v53;
	v11 =	vld [tilespmem:$0x1FFB0]  }
0xdf: {  	s28 =	sadd.s32 $0x260, s17;
	s30 =	sadd.s32 $0x280, s17;
	v53 =	vld [tilespmem:$0x1FFC0];
	v40 =	vnsel vm7, $0x0, v55  }
0xe0: {  	s29 =	sadd.s32 $0x270, s17;
	v50 =	vor.u32 s30, v3;
	v45 =	vor.u32 s28, v3;
	v43 =	vnsel vm0, $0x0, v57  }
0xe1: {  	s31 =	sadd.s32 $0x290, s17;
	v48 =	vor.u32 s29, v3;
	v46 =	vnsel vm1, $0x0, v59;
	vm2 =	vmand vm4, vm14  }
0xe2: {  	v51 =	vor.u32 s31, v3;
	v5 =	vnsel vm2, $0x0, v5;
	vm3 =	vmand vm3, vm15;
	[tilespmem:v34+s9+$0x0] =	vst.idx.msk vm10, v45  }
0xe3: {  	v6 =	vnsel vm3, $0x0, v6;
	vm4 =	vmand vm12, vm9;
	[tilespmem:v37+s9+$0x0] =	vst.idx.msk vm8, v48;
	vm14 =	vnez.u8 v11  }
0xe4: {  	s20 =	sadd.s32 $0x2A0, s17;
	vm15 =	vnez.u8 v53;
	v7 =	vnsel vm4, $0x0, v7;
	[tilespmem:v40+s9+$0x0] =	vst.idx.msk vm7, v50;
	vm5 =	vmand vm14, vm11  }
0xe5: {  	s21 =	sadd.s32 $0x2B0, s17;
	v52 =	vor.u32 s20, v3;
	[tilespmem:v43+s9+$0x0] =	vst.idx.msk vm0, v51;
	vm0 =	vmand vm15, vm13;
	v8 =	vnsel vm5, $0x0, v60  }
0xe6: {  	v54 =	vor.u32 s21, v3;
	s22 =	sadd.s32 $0x2C0, s17;
	[tilespmem:v46+s9+$0x0] =	vst.idx.msk vm1, v52;
	v9 =	vnsel vm0, $0x0, v62  }
0xe7: {  	s23 =	sadd.s32 $0x2D0, s17;
	[tilespmem:v5+s9+$0x0] =	vst.idx.msk vm2, v54;
	v5 =	vor.u32 s22, v3  }
0xe8: {  	s24 =	sadd.s32 $0x2E0, s17;
	[tilespmem:v6+s9+$0x0] =	vst.idx.msk vm3, v5;
	v5 =	vor.u32 s23, v3  }
0xe9: {  	s25 =	sadd.s32 $0x2F0, s17;
	[tilespmem:v7+s9+$0x0] =	vst.idx.msk vm4, v5;
	v5 =	vor.u32 s24, v3  }
0xea: {  	[tilespmem:v8+s9+$0x0] =	vst.idx.msk vm5, v5;
	v5 =	vor.u32 s25, v3  }
0xeb: {  	[tilespmem:v9+s9+$0x0] =	vst.idx.msk vm0, v5  }
0xec: {  	v5 =	vld [tilespmem:s16+$0x100]  }
0xed: {  	v6 =	vld [tilespmem:s16+$0x110]  }
0xee: {  	v7 =	vld [tilespmem:s16+$0x120]  }
0xef: {  	v8 =	vld [tilespmem:s16+$0x130]  }
0xf0: {  	v9 =	vld [tilespmem:s16+$0x140]  }
0xf1: {  	v10 =	vld [tilespmem:s16+$0x150];
	v55 =	vsub.s32 v5, v0  }
0xf2: {  	v12 =	vld [tilespmem:s16+$0x160];
	v56 =	vsub.s32 v6, v0;
	vm9 =	vlt.u32 v55, v1  }
0xf3: {  	v14 =	vld [tilespmem:s16+$0x170];
	v57 =	vsub.s32 v7, v0;
	vm10 =	vlt.u32 v56, v1;
	(xrf1) =	vunique.msk.u32 vm9, v5  }
0xf4: {  	v16 =	vsub.s32 v8, v0;
	vm11 =	vlt.u32 v57, v1;
	v5 =	vld [tilespmem:s16+$0x180];
	(xrf1) =	vunique.msk.u32 vm10, v6  }
0xf5: {  	v58 =	vsub.s32 v9, v0;
	vm13 =	vlt.u32 v16, v1;
	v6 =	vld [tilespmem:s16+$0x190];
	(xrf1) =	vunique.msk.u32 vm11, v7  }
0xf6: {  	v59 =	vsub.s32 v10, v0;
	vm14 =	vlt.u32 v58, v1;
	v7 =	vld [tilespmem:s16+$0x1A0];
	(xrf1) =	vunique.msk.u32 vm13, v8  }
0xf7: {  	v60 =	vld [tilespmem:s16+$0x1B0];
	v61 =	vsub.s32 v12, v0;
	vm15 =	vlt.u32 v59, v1;
	(xrf1) =	vunique.msk.u32 vm14, v9  }
0xf8: {  	v62 =	vld [tilespmem:s16+$0x1C0];
	v63 =	vsub.s32 v14, v0;
	vm12 =	vlt.u32 v61, v1;
	(xrf1) =	vunique.msk.u32 vm15, v10  }
0xf9: {  	v28 =	vld [tilespmem:s16+$0x1D0];
	vm8 =	vlt.u32 v63, v1;
	v29 =	vsub.s32 v5, v0;
	(xrf1) =	vunique.msk.u32 vm12, v12  }
0xfa: {  	v30 =	vld [tilespmem:s16+$0x1E0];
	v31 =	vsub.s32 v6, v0;
	vm7 =	vlt.u32 v29, v1;
	(xrf1) =	vunique.msk.u32 vm8, v14  }
0xfb: {  	v32 =	vld [tilespmem:s16+$0x1F0];
	v33 =	vsub.s32 v7, v0;
	vm6 =	vlt.u32 v31, v1;
	(xrf1) =	vunique.msk.u32 vm7, v5  }
0xfc: {  	v5 =	vsub.s32 v60, v0;
	vm5 =	vlt.u32 v33, v1;
	(xrf1) =	vunique.msk.u32 vm6, v6  }
0xfd: {  	v35 =	vimm.s32 $0x0;
	v6 =	vsub.s32 v62, v0;
	vm4 =	vlt.u32 v5, v1;
	(xrf1) =	vunique.msk.u32 vm5, v7  }
0xfe: {  	v38 =	vimm.s32 $0x0;
	v7 =	vsub.s32 v28, v0;
	vm3 =	vlt.u32 v6, v1;
	(xrf1) =	vunique.msk.u32 vm4, v60  }
0xff: {  	v37 =	vimm.s32 $0x0;
	v34 =	vsub.s32 v30, v0;
	vm1 =	vlt.u32 v7, v1;
	(xrf1) =	vunique.msk.u32 vm3, v62  }
0x100: {  	v36 =	vsub.s32 v32, v0;
	vm0 =	vlt.u32 v34, v1;
	v24 =	vsel vm1, $0xFFFFFFFF, v35;
	(xrf1) =	vunique.msk.u32 vm1, v28  }
0x101: {  	[tilespmem:$0x1FFD0] =	vst v24;
	v24 =	vsel vm0, $0xFFFFFFFF, v37;
	vm1 =	vlt.u32 v36, v1;
	(xrf1) =	vunique.msk.u32 vm0, v30;
	_, v39, vm0 =	vpop (xrf1)  }
0x102: {  	v10 =	vsel vm1, $0xFFFFFFFF, v38;
	vm0 =	vmand vm9, vm0;
	(xrf1) =	vunique.msk.u32 vm1, v32;
	_, v40, vm1 =	vpop (xrf1)  }
0x103: {  	[tilespmem:$0x1FFF0] =	vst v10;
	v10 =	vnsel vm0, $0x0, v55;
	_, v41, vm2 =	vpop (xrf1)  }
0x104: {  	vm1 =	vmand vm10, vm1;
	_, v42, vm9 =	vpop (xrf1)  }
0x105: {  	vm2 =	vmand vm11, vm2;
	v11 =	vnsel vm1, $0x0, v56;
	vm13 =	vmand vm13, vm9;
	_, v43, vm9 =	vpop (xrf1)  }
0x106: {  	s26 =	sadd.s32 $0x300, s17;
	v12 =	vnsel vm2, $0x0, v57;
	vm11 =	vmand vm14, vm9;
	_, v44, vm14 =	vpop (xrf1)  }
0x107: {  	v14 =	vor.u32 s26, v3;
	v13 =	vnsel vm13, $0x0, v16;
	vm9 =	vmand vm15, vm14;
	_, v46, vm14 =	vpop (xrf1)  }
0x108: {  	s28 =	sadd.s32 $0x310, s17;
	v45 =	vnsel vm11, $0x0, v58;
	[tilespmem:v10+s9+$0x0] =	vst.idx.msk vm0, v14;
	_, v10, vm0 =	vpop (xrf1)  }
0x109: {  	s29 =	sadd.s32 $0x320, s17;
	vm10 =	vmand vm12, vm14;
	v47 =	vnsel vm9, $0x0, v59;
	v10 =	vor.u32 s28, v3  }
0x10a: {  	s30 =	sadd.s32 $0x330, s17;
	v49 =	vnsel vm10, $0x0, v61;
	[tilespmem:v11+s9+$0x0] =	vst.idx.msk vm1, v10;
	v10 =	vor.u32 s29, v3  }
0x10b: {  	s31 =	sadd.s32 $0x340, s17;
	[tilespmem:v12+s9+$0x0] =	vst.idx.msk vm2, v10;
	v10 =	vor.u32 s30, v3  }
0x10c: {  	s20 =	sadd.s32 $0x350, s17;
	[tilespmem:v13+s9+$0x0] =	vst.idx.msk vm13, v10;
	v10 =	vor.u32 s31, v3  }
0x10d: {  	s21 =	sadd.s32 $0x360, s17;
	vm8 =	vmand vm8, vm0;
	_, v48, vm15 =	vpop (xrf1);
	[tilespmem:v45+s9+$0x0] =	vst.idx.msk vm11, v10;
	v10 =	vor.u32 s20, v3  }
0x10e: {  	s22 =	sadd.s32 $0x370, s17;
	_, v50, vm12 =	vpop (xrf1);
	v51 =	vnsel vm8, $0x0, v63;
	[tilespmem:v47+s9+$0x0] =	vst.idx.msk vm9, v10;
	v10 =	vor.u32 s21, v3  }
0x10f: {  	_, v52, vm14 =	vpop (xrf1);
	[tilespmem:v49+s9+$0x0] =	vst.idx.msk vm10, v10;
	v10 =	vor.u32 s22, v3  }
0x110: {  	[tilespmem:$0x1FFE0] =	vst v24;
	vm7 =	vmand vm7, vm15;
	_, v54, vm15 =	vpop (xrf1)  }
0x111: {  	v60 =	vld [tilespmem:$0x1FFE0];
	_, v56, vm9 =	vpop (xrf1)  }
0x112: {  	v59 =	vld [tilespmem:$0x1FFD0];
	_, v58, vm10 =	vpop (xrf1)  }
0x113: {  	s23 =	sadd.s32 $0x380, s17;
	v61 =	vld [tilespmem:$0x1FFF0];
	vm6 =	vmand vm6, vm12;
	v53 =	vnsel vm7, $0x0, v29;
	[tilespmem:v51+s9+$0x0] =	vst.idx.msk vm8, v10;
	_, v10, vm12 =	vpop (xrf1)  }
0x114: {  	v10 =	vor.u32 s23, v3  }
0x115: {  	vm5 =	vmand vm5, vm14;
	v55 =	vnsel vm6, $0x0, v31  }
0x116: {  	vm13 =	vnez.u8 v60;
	vm0 =	vmand vm4, vm15;
	v57 =	vnsel vm5, $0x0, v33  }
0x117: {  	vm11 =	vnez.u8 v59;
	v5 =	vnsel vm0, $0x0, v5;
	vm1 =	vmand vm3, vm9  }
0x118: {  	s24 =	sadd.s32 $0x390, s17;
	vm15 =	vnez.u8 v61;
	vm2 =	vmand vm11, vm10;
	v6 =	vnsel vm1, $0x0, v6;
	[tilespmem:v53+s9+$0x0] =	vst.idx.msk vm7, v10;
	_, v10, vm14 =	vpop (xrf1)  }
0x119: {  	s25 =	sadd.s32 $0x3A0, s17;
	v7 =	vnsel vm2, $0x0, v7;
	vm3 =	vmand vm13, vm12;
	v10 =	vor.u32 s24, v3  }
0x11a: {  	s26 =	sadd.s32 $0x3B0, s17;
	v62 =	vor.u32 s25, v3;
	v8 =	vnsel vm3, $0x0, v34;
	vm4 =	vmand vm15, vm14;
	[tilespmem:v55+s9+$0x0] =	vst.idx.msk vm6, v10  }
0x11b: {  	p0 =	sne.s32 s17, $0x3C00;
	s28 =	sadd.s32 $0x3C0, s17;
	v63 =	vor.u32 s26, v3;
	v9 =	vnsel vm4, $0x0, v36;
	[tilespmem:v57+s9+$0x0] =	vst.idx.msk vm5, v62  }
.Ltmp3:
0x11c: {  	s29 =	sadd.s32 $0x3D0, s17;
	[tilespmem:v5+s9+$0x0] =	vst.idx.msk vm0, v63;
	v5 =	vor.u32 s28, v3;
	(pc) =	sbr.rel @p0 .LBB2_4-.Ltmp3, $4  }
0x11d: {  	s30 =	sadd.s32 $0x3E0, s17;
	[tilespmem:v6+s9+$0x0] =	vst.idx.msk vm1, v5;
	v5 =	vor.u32 s29, v3  }
0x11e: {  	s31 =	sadd.s32 $0x3F0, s17;
	[tilespmem:v7+s9+$0x0] =	vst.idx.msk vm2, v5;
	v5 =	vor.u32 s30, v3  }
0x11f: {  	[tilespmem:v8+s9+$0x0] =	vst.idx.msk vm3, v5;
	v5 =	vor.u32 s31, v3  }
0x120: {  	s16 =	sadd.s32 $0x400, s16;
	s17 =	sadd.s32 $0x400, s17;
	[tilespmem:v9+s9+$0x0] =	vst.idx.msk vm4, v5  }
0x121: {  	s16 =	sshra.s32 s15, $0x2  }
0x122: {  	v5 =	vld [tilespmem:s16+$0x4000];
	_ =	sdelay $0x4  }
0x123: {  	vm0 =	vgt.s32 v5, $0xFFFFFFFF  }
0x124: {  	v6 =	vsel vm0, $0x1, v4  }
0x125: {  	(xrf0) =	vadd.scan.msk.s32 $0xffff, v6;
	_ =	sdelay $0x5  }
0x126: {  	v7, _, _ =	vpop (xrf0)  }
0x127: {  	v6 =	vor.u32 s6, v3;
	(v2sf) =	vpush v7, $0xF  }
0x128: {  	s31 =	sadd.s32 $0x40, s15;
	[tilespmem:s15+$0x4C80] =	vst.msk vm0, v6  }
0x129: {  	s18 =	sshra.s32 s31, $0x2;
	s17 =	sadd.s32 $0x40, s31;
	s16 =	smov.u32 s6;
	[tilespmem:s15+$0x5900] =	vst.msk vm0, v5  }
.LBB2_6:
0x12a: {  	p0 =	sne.s32 s17, $0x30C0;
	v5 =	vld [tilespmem:s18+$0x4000];
	_ =	sdelay $0x4  }
0x12b: {  	vm0 =	vgt.s32 v5, $0xFFFFFFFF  }
0x12c: {  	v6 =	vsel vm0, $0x1, v4  }
0x12d: {  	(xrf0) =	vadd.scan.msk.s32 $0xffff, v6;
	_ =	sdelay $0x4  }
.Ltmp4:
0x12e: {  	s16 =	sadd.s32 $0x10, s16;
	s18 =	spop (v2sf);
	(pc) =	sbr.rel @p0 .LBB2_6-.Ltmp4, $4  }
0x12f: {  	v6 =	vor.u32 s16, v3;
	v7, _, _ =	vpop (xrf0);
	s15 =	sadd.s32 s15, s18  }
0x130: {  	[tilespmem:s15+$0x4C80] =	vst.msk vm0, v6;
	(v2sf) =	vpush v7, $0xF  }
0x131: {  	[tilespmem:s15+$0x5900] =	vst.msk vm0, v5  }
0x132: {  	s18 =	sshra.s32 s17, $0x2;
	s17 =	sadd.s32 $0x40, s17  }
0x133: {  	v5 =	vld [tilespmem:s18+$0x4000];
	_ =	sdelay $0x4  }
0x134: {  	vm0 =	vgt.s32 v5, $0xFFFFFFFF  }
0x135: {  	v6 =	vsel vm0, $0x1, v4  }
0x136: {  	(xrf0) =	vadd.scan.msk.s32 $0xffff, v6;
	_ =	sdelay $0x5  }
0x137: {  	v6, _, _ =	vpop (xrf0)  }
0x138: {  	(v2sf) =	vpush v6, $0xF;
	_ =	sdelay $0xd  }
0x139: {  	s16 =	sadd.s32 $0x10, s16;
	s17 =	spop (v2sf)  }
0x13a: {  	s15 =	sadd.s32 s15, s17;
	v6 =	vor.u32 s16, v3;
	s28 =	spop (v2sf)  }
0x13b: {  	[tilespmem:s15+$0x4C80] =	vst.msk vm0, v6;
	s16 =	sadd.s32 s15, s28  }
0x13c: {  	[tilespmem:s15+$0x5900] =	vst.msk vm0, v5;
	p0 =	slt.s32 s16, $0x1  }
0x13d: {  	v5 =	vld @!p0 [tilespmem:$0x4C80];
	_ =	sdelay $0x2  }
0x13e: {  	vm0 =	vcmask @!p0 $0x300;
	v7 =	vimm.s32 @!p0 $0x0  }
0x13f: {  	v6 =	vld @!p0 [tilespmem:$0x5900];
	v7 =	vsel @!p0 vm0, $0xFFFFFFFF, v7  }
0x140: {  	v5 =	vand.u32 @!p0 v7, v5  }
0x141: {  	(xrf0) =	vadd.scan.msk.s32 @!p0 $0xffff, v5;
	_ =	sdelay $0x2  }
0x142: {  	v5 =	vand.u32 @!p0 v7, v6  }
0x143: {  	s29 =	sadd.s32 $0x3F, s16;
	(xrf0) =	vadd.scan.msk.s32 @!p0 $0xffff, v5  }
0x144: {  	s30 =	sand.u32 $0x3F, s29  }
0x145: {  	s31 =	sshra.s32 s29, $0x1F;
	p2 =	slt.s32 s29, $0x1;
	p1 =	sne.s32 s30, $0x0;
	v5, _, _ =	vpop @!p0 (xrf0)  }
0x146: {  	s17 =	sshrl.u32 s31, $0x1A;
	p1 =	por !p2, !p1;
	v5 =	vbroadcast @!p0 v5, $0xF  }
0x147: {  	s15 =	sadd.s32 s17, s29;
	s17 =	simm.s32 $0x1;
	p1 =	por !p1, !p1  }
0x148: {  	s15 =	sshra.s32 s15, $0x6;
	s17 =	simm.s32 @!p1 $0x0;
	[tilespmem:s16+$0x4C80] =	vst @!p0 v5  }
0x149: {  	s15 =	ssub.s32 s15, s17;
	v6, _, _ =	vpop @!p0 (xrf0);
	[tilespmem:s16+$0x4C90] =	vst @!p0 v5  }
0x14a: {  	p1 =	slt.s32 s15, $0x1;
	v6 =	vbroadcast @!p0 v6, $0xF;
	[tilespmem:s16+$0x4CA0] =	vst @!p0 v5  }
.Ltmp5:
0x14b: {  	[tilespmem:s16+$0x4CB0] =	vst @!p0 v5;
	(pc) =	sbr.rel @p1 .LBB2_17-.Ltmp5, $4  }
0x14c: {  	[tilespmem:s16+$0x5900] =	vst @!p0 v6  }
0x14d: {  	[tilespmem:s16+$0x5910] =	vst @!p0 v6  }
0x14e: {  	[tilespmem:s16+$0x5920] =	vst @!p0 v6  }
0x14f: {  	[tilespmem:s16+$0x5930] =	vst @!p0 v6  }
0x150: {  	[tilespmem:s12], [sflag:$0x1] =	stream.indirect.gather [hbm4b:s2+s10], $0x80, s11, s10, $0xb8;
	[tilespmem:$0xA680] =	vst v63  }
0x151: {  	p0 =	seq.s32 s15, $0x1;
	s21 =	simm.s32 $0x1  }
0x152: {  	s16 =	simm.s32 @!p0 $0x40;
	s17 =	simm.s32 @!p0 $0x5940;
	s18 =	simm.s32 @!p0 $0x8680  }
0x153: {  	[tilespmem:s18], [sflag:$0x2] =	stream.indirect.gather @!p0 [hbm4b:s2+s16], $0x80, s17, s16, $0xb8;
	[tilespmem:$0xA680] =	vst v63  }
0x154: {  	_ =	swait.ge [sflag:s21], $0x2000  }
0x155: {  	[sflag:s21] =	ssyncset.done $0x0  }
0x156: {  	[sflag:s21] =	ssyncadd.s32 $0xFFFFE000  }
0x157: {  	v5 =	vld [tilespmem:$0x4C80]  }
0x158: {  	v6 =	vld [tilespmem:$0x4C90]  }
0x159: {  	v7 =	vld [tilespmem:$0x4CA0]  }
0x15a: {  	v8 =	vld [tilespmem:$0x4CB0];
	_ =	sdelay $0x1  }
.Ltmp6:
0x15b: {  	[tilespmem:$0x6580] =	vst v5;
	(pc) =	sbr.rel @p0 .LBB2_16-.Ltmp6, $4  }
0x15c: {  	[tilespmem:$0x6590] =	vst v6  }
0x15d: {  	[tilespmem:$0x65A0] =	vst v7  }
0x15e: {  	s16 =	simm.s32 $0x3;
	[tilespmem:$0x65B0] =	vst v8  }
0x15f: {  	[hbm4b:s4+s10] =	stream.indirect.scatter [tilespmem:s12], [sflag:$0x3], $0x80, s13, s10, $0xb8;
	[tilespmem:$0xA680] =	vst v63  }
0x160: {  	p0 =	sne.s32 s15, $0x2  }
.Ltmp7:
0x161: {  	_ = 	snop;
	(pc) =	sbr.rel @!p0 .LBB2_10-.Ltmp7, $4  }
0x162: {  	_ = 	snop  }
0x163: {  	s18 =	sadd.s32 $0xFFFFFFFF, s15  }
0x164: {  	s17 =	simm.s32 $0x5980;
	s16 =	simm.s32 $0x4CF0;
	s20 =	sand.u32 $0x1, s21  }
0x165: {  	s19 =	simm.s32 $0x2;
	p1 =	por $0x0, $0x0;
	p3 =	seq.s32 s20, $0x1  }
0x166: {  	s20 =	simm.s32 @p3 $0x3  }
0x167: {  	p0 =	sle.s32 @p3 s18, $0x1;
	_ =	swait.ge @p3 [sflag:s20], $0x2000  }
0x168: {  	s21 =	simm.s32 @p3 $0x2;
	p0 =	por p0, !p3;
	[sflag:s20] =	ssyncset.done @p3 $0x0  }
0x169: {  	s22 =	simm.s32 @!p0 $0x6680;
	[sflag:s20] =	ssyncadd.s32 @p3 $0xFFFFE000;
	s20 =	simm.s32 @!p0 $0x40  }
0x16a: {  	[tilespmem:s22], [sflag:$0x1] =	stream.indirect.gather @!p0 [hbm4b:s2+s20], $0x80, s17, s20, $0xb8;
	[tilespmem:$0xA680] =	vst v63  }
0x16b: {  	p0 =	por p3, p3;
	_ =	swait.ge @p3 [sflag:s21], $0x2000  }
0x16c: {  	[sflag:s21] =	ssyncset.done @p0 $0x0  }
0x16d: {  	[sflag:s21] =	ssyncadd.s32 @p0 $0xFFFFE000  }
0x16e: {  	v5 =	vld @p0 [tilespmem:s16+$0xFFFFFFD0];
	_ =	sdelay $0x4  }
0x16f: {  	[tilespmem:$0x6600] =	vst @p0 v5  }
0x170: {  	v5 =	vld @p0 [tilespmem:s16+$0xFFFFFFE0];
	_ =	sdelay $0x4  }
0x171: {  	[tilespmem:$0x6610] =	vst @p0 v5  }
0x172: {  	v5 =	vld @p0 [tilespmem:s16+$0xFFFFFFF0];
	_ =	sdelay $0x4  }
0x173: {  	[tilespmem:$0x6620] =	vst @p0 v5  }
0x174: {  	v5 =	vld @p0 [tilespmem:s16+$0x0];
	_ =	sdelay $0x3  }
0x175: {  	s20 =	simm.s32 @!p0 $0x4  }
0x176: {  	s22 =	simm.s32 @p0 $0x6600;
	s23 =	simm.s32 @p0 $0x8680;
	s21 =	simm.s32 @p0 $0x40;
	[tilespmem:$0x6630] =	vst @p0 v5  }
0x177: {  	[hbm4b:s4+s21] =	stream.indirect.scatter @p0 [tilespmem:s23], [sflag:$0x4], $0x80, s22, s21, $0xb8;
	[tilespmem:$0xA680] =	vst v63  }
0x178: {  	p1 =	sle.s32 @!p0 s18, $0x1;
	_ =	swait.ge @!p0 [sflag:s20], $0x2000  }
0x179: {  	p1 =	por p1, p0;
	s21 =	simm.s32 @!p0 $0x1;
	[sflag:s20] =	ssyncset.done @!p0 $0x0  }
0x17a: {  	s22 =	simm.s32 @!p1 $0x8680;
	[sflag:s20] =	ssyncadd.s32 @!p0 $0xFFFFE000;
	s20 =	simm.s32 @!p1 $0x40  }
0x17b: {  	[tilespmem:s22], [sflag:$0x2] =	stream.indirect.gather @!p1 [hbm4b:s2+s20], $0x80, s17, s20, $0xb8;
	[tilespmem:$0xA680] =	vst v63  }
0x17c: {  	_ =	swait.ge @!p0 [sflag:s21], $0x2000  }
0x17d: {  	[sflag:s21] =	ssyncset.done @!p0 $0x0  }
0x17e: {  	[sflag:s21] =	ssyncadd.s32 @!p0 $0xFFFFE000  }
0x17f: {  	v5 =	vld @!p0 [tilespmem:s16+$0xFFFFFFD0];
	_ =	sdelay $0x4  }
0x180: {  	[tilespmem:$0x6580] =	vst @!p0 v5  }
0x181: {  	v5 =	vld @!p0 [tilespmem:s16+$0xFFFFFFE0];
	_ =	sdelay $0x4  }
0x182: {  	[tilespmem:$0x6590] =	vst @!p0 v5  }
0x183: {  	v5 =	vld @!p0 [tilespmem:s16+$0xFFFFFFF0];
	_ =	sdelay $0x3  }
0x184: {  	p2 =	sne.s32 s15, $0x3  }
.Ltmp8:
0x185: {  	[tilespmem:$0x65A0] =	vst @!p0 v5;
	(pc) =	sbr.rel @!p2 .LBB2_12-.Ltmp8, $4  }
0x186: {  	s31 =	sand.u32 $0x1, s19;
	v5 =	vld @!p0 [tilespmem:s16+$0x0]  }
0x187: {  	p3 =	seq.s32 s31, $0x1;
	s24 =	simm.s32 @!p0 $0x40  }
0x188: {  	s25 =	simm.s32 @!p0 $0x6580;
	s23 =	simm.s32 @!p0 $0x6680;
	p1 =	por $0x1, $0x1  }
0x189: {  	s20 =	simm.s32 $0x5980;
	s21 =	simm.s32 $0x3;
	s16 =	simm.s32 $0x4D30  }
.LBB2_13:
0x18a: {  	s26 =	simm.s32 @p3 $0x3  }
0x18b: {  	[tilespmem:$0x65B0] =	vst @!p0 v5;
	s20 =	sadd.s32 $0x40, s20;
	s22 =	smov.u32 s21;
	s21 =	sadd.s32 $0x1, s21  }
0x18c: {  	[hbm4b:s4+s24] =	stream.indirect.scatter @!p0 [tilespmem:s23], [sflag:$0x3], $0x80, s25, s24, $0xb8;
	[tilespmem:$0xA680] =	vst v63  }
0x18d: {  	p2 =	sne.s32 s15, s21;
	p0 =	sge.s32 @p3 s19, s18;
	_ =	swait.ge @p3 [sflag:s26], $0x2000  }
0x18e: {  	s23 =	simm.s32 @p3 $0x2;
	p0 =	por p0, !p3;
	[sflag:s26] =	ssyncset.done @p3 $0x0  }
0x18f: {  	s24 =	simm.s32 @!p0 $0x40;
	s25 =	simm.s32 @!p0 $0x6680;
	[sflag:s26] =	ssyncadd.s32 @p3 $0xFFFFE000  }
0x190: {  	[tilespmem:s25], [sflag:$0x1] =	stream.indirect.gather @!p0 [hbm4b:s2+s24], $0x80, s20, s24, $0xb8;
	[tilespmem:$0xA680] =	vst v63  }
0x191: {  	p0 =	por p3, p3;
	_ =	swait.ge @p3 [sflag:s23], $0x2000  }
0x192: {  	[sflag:s23] =	ssyncset.done @p0 $0x0  }
0x193: {  	[sflag:s23] =	ssyncadd.s32 @p0 $0xFFFFE000  }
0x194: {  	v5 =	vld @p0 [tilespmem:s16+$0xFFFFFFD0];
	_ =	sdelay $0x4  }
0x195: {  	[tilespmem:$0x6600] =	vst @p0 v5  }
0x196: {  	v5 =	vld @p0 [tilespmem:s16+$0xFFFFFFE0];
	_ =	sdelay $0x4  }
0x197: {  	[tilespmem:$0x6610] =	vst @p0 v5  }
0x198: {  	v5 =	vld @p0 [tilespmem:s16+$0xFFFFFFF0];
	_ =	sdelay $0x4  }
0x199: {  	[tilespmem:$0x6620] =	vst @p0 v5  }
0x19a: {  	v5 =	vld @p0 [tilespmem:s16+$0x0];
	_ =	sdelay $0x3  }
0x19b: {  	s23 =	simm.s32 @!p0 $0x4  }
0x19c: {  	s24 =	simm.s32 @p0 $0x40;
	s25 =	simm.s32 @p0 $0x6600;
	s26 =	simm.s32 @p0 $0x8680;
	[tilespmem:$0x6630] =	vst @p0 v5  }
0x19d: {  	[hbm4b:s4+s24] =	stream.indirect.scatter @p0 [tilespmem:s26], [sflag:$0x4], $0x80, s25, s24, $0xb8;
	[tilespmem:$0xA680] =	vst v63  }
0x19e: {  	p3 =	sge.s32 @!p0 s19, s18;
	s19 =	smov.u32 s22;
	_ =	swait.ge @!p0 [sflag:s23], $0x2000  }
0x19f: {  	s22 =	simm.s32 @!p0 $0x1;
	p3 =	por p3, p0;
	[sflag:s23] =	ssyncset.done @!p0 $0x0  }
0x1a0: {  	s24 =	simm.s32 @!p3 $0x8680;
	[sflag:s23] =	ssyncadd.s32 @!p0 $0xFFFFE000;
	s23 =	simm.s32 @!p3 $0x40  }
0x1a1: {  	[tilespmem:s24], [sflag:$0x2] =	stream.indirect.gather @!p3 [hbm4b:s2+s23], $0x80, s20, s23, $0xb8;
	[tilespmem:$0xA680] =	vst v63  }
0x1a2: {  	_ =	swait.ge @!p0 [sflag:s22], $0x2000  }
0x1a3: {  	[sflag:s22] =	ssyncset.done @!p0 $0x0  }
0x1a4: {  	[sflag:s22] =	ssyncadd.s32 @!p0 $0xFFFFE000  }
0x1a5: {  	v5 =	vld @!p0 [tilespmem:s16+$0xFFFFFFD0];
	_ =	sdelay $0x4  }
0x1a6: {  	[tilespmem:$0x6580] =	vst @!p0 v5  }
0x1a7: {  	v5 =	vld @!p0 [tilespmem:s16+$0xFFFFFFE0];
	_ =	sdelay $0x4  }
0x1a8: {  	[tilespmem:$0x6590] =	vst @!p0 v5  }
0x1a9: {  	v5 =	vld @!p0 [tilespmem:s16+$0xFFFFFFF0];
	_ =	sdelay $0x4  }
0x1aa: {  	[tilespmem:$0x65A0] =	vst @!p0 v5  }
.Ltmp9:
0x1ab: {  	v5 =	vld @!p0 [tilespmem:s16+$0x0];
	(pc) =	sbr.rel @p2 .LBB2_13-.Ltmp9, $3  }
0x1ac: {  	_ =	sdelay $0x1  }
0x1ad: {  	s23 =	simm.s32 @!p0 $0x6680;
	s22 =	sand.u32 $0x1, s19;
	s16 =	sadd.s32 $0x40, s16  }
0x1ae: {  	s25 =	simm.s32 @!p0 $0x6580;
	s24 =	simm.s32 @!p0 $0x40;
	p3 =	seq.s32 s22, $0x1  }
.Ltmp10:
0x1af: {  	(pc) =	sbr.rel .LBB2_15-.Ltmp10, $2  }
0x1b0: {  	_ =	sdelay $0x2  }
0x1b1: {  	s21 =	smov.u32 s19  }
.LBB2_12:
.Ltmp11:
0x1b2: {  	(pc) =	sbr.rel .LBB2_15-.Ltmp11, $2  }
0x1b3: {  	_ =	sdelay $0x2  }
0x1b4: {  	s20 =	simm.s32 $0x5980;
	s21 =	simm.s32 $0x2  }
.LBB2_18:
0x1b5: {  	_ =	sfence.sel $0x180000  }
0x1b6: {  	[bflag:$0x0] =	sbarrier.arrive $0xFFFF  }
0x1b7: {  	p0 =	sne.s32 s3, $0x0;
	_ =	strace $0x90000047  }
0x1b8: {  	s0 =	sadd.s32 @!p0 $0x100000, s0;
	[bflag:$0x2] =	sbarrier.arrive $0xFFFF  }
0x1b9: {  	[sflag:s0] =	ssyncadd.tile.s32 @!p0 $0x1;
	_ =	shalt  }
.Lfunc_end2:
_tile_overlayer_lowered:
.L_overlay_start_2:
0x1ba: {  	(tag) =	ssettag $0x2  }
0x1bb: {  	s0 =	rddreg [dreg:$0x0];
	s2 =	stileid.u32  }
0x1bc: {  	s1 =	rddreg [dreg:$0x1];
	p0 =	sne.s32 s2, $0x0  }
0x1bd: {  	s3 =	rddreg [dreg:$0x2];
	[bflag:$0x3] =	sbarrier.arrive $0xFFFF;
	s2 =	simm.s32 @!p0 $0x1C05  }
0x1be: {  	[timem:s3], [sflag:s2] =	dma.local @!p0 [hbm:s0], s1  }
0x1bf: {  	s0 =	simm.s32 @!p0 $0x5  }
0x1c0: {  	_ =	swait.ge @!p0 [sflag:s0], s1  }
0x1c1: {  	s1 =	ssub.s32 @!p0 $0x0, s1;
	[sflag:s0] =	ssyncset.done @!p0 $0x0  }
0x1c2: {  	[sflag:s0] =	ssyncadd.s32 @!p0 s1  }
0x1c3: {  	[bflag:$0x3] =	sbarrier.arrive $0xFFFF  }
0x1c4: {  	_ =	shalt  }

</sc_bundles>
